<compile_context>
chip_gen: v7x
topology: tpu7x:2x2x1
jax: 0.10.2.dev20260603
libtpu: 0.0.44.dev20260713+nightly
codegen_flags: <defaults>
</compile_context>

<pallas_src>
import jax
import jax.numpy as jnp
from jax import lax
from jax.experimental import pallas as pl
from jax.experimental.pallas import tpu as pltpu
from jax.experimental.pallas import tpu_sc as plsc

_B = 1024
_N = 15000
_N_SC = 6144
_L = 16
_NW = 32
_NCHUNK = _N_SC // _L
_KMAX = _NCHUNK // _NW
_GBLK = 512
_TCB0 = _N_SC // _GBLK
_EPS = 1e-5
_INV_B = 1.0 / _B


def _rsqrt16(v):
    i = lax.bitcast_convert_type(v, jnp.int32)
    i = jnp.int32(0x5F3759DF) - lax.shift_right_arithmetic(i, 1)
    y = lax.bitcast_convert_type(i, jnp.float32)
    for _ in range(3):
        y = y * (1.5 - 0.5 * v * y * y)
    return y


def _sc_body(x_hbm, wb_hbm, out_hbm,
             xa, xb, wba, wbb, h0_t, h1_t, g0_t, g1_t,
             sxa, sxb, swa, swb, sout):
    cid = lax.axis_index("c")
    sid = lax.axis_index("s")
    wid = sid * 2 + cid

    def chunk_start(k):
        return (wid + _NW * k) * _L

    def process(k, xc, wbc, sxc, swc, xn, wbn, sxn, swn):
        start = chunk_start(k)
        pltpu.make_async_copy(x_hbm.at[:, pl.ds(start, _L)], xc, sxc).wait()
        pltpu.make_async_copy(wb_hbm.at[:, pl.ds(start, _L)], wbc, swc).wait()

        @pl.when(k + 1 < _KMAX)
        def _prefetch():
            nstart = chunk_start(k + 1)
            pltpu.async_copy(x_hbm.at[:, pl.ds(nstart, _L)], xn, sxn)
            pltpu.async_copy(wb_hbm.at[:, pl.ds(nstart, _L)], wbn, swn)

        w1_0, w1_1 = wbc[0], wbc[1]
        b1_0, b1_1 = wbc[2], wbc[3]
        w00, w01, w10, w11 = wbc[4], wbc[5], wbc[6], wbc[7]
        b2_0, b2_1 = wbc[8], wbc[9]
        w3_0, w3_1 = wbc[10], wbc[11]
        zero = jnp.zeros((_L,), jnp.float32)

        def stats_h(r4, acc):
            sa0, qa0, sa1, qa1, sb0, qb0, sb1, qb1 = acc
            r = r4 * 4
            for j in (0, 2):
                v = xc[r + j]
                h0 = jnp.maximum(v * w1_0 + b1_0, 0.0)
                h1 = jnp.maximum(v * w1_1 + b1_1, 0.0)
                h0_t[r + j] = h0
                h1_t[r + j] = h1
                sa0, qa0 = sa0 + h0, qa0 + h0 * h0
                sa1, qa1 = sa1 + h1, qa1 + h1 * h1
                v = xc[r + j + 1]
                h0 = jnp.maximum(v * w1_0 + b1_0, 0.0)
                h1 = jnp.maximum(v * w1_1 + b1_1, 0.0)
                h0_t[r + j + 1] = h0
                h1_t[r + j + 1] = h1
                sb0, qb0 = sb0 + h0, qb0 + h0 * h0
                sb1, qb1 = sb1 + h1, qb1 + h1 * h1
            return (sa0, qa0, sa1, qa1, sb0, qb0, sb1, qb1)

        sa0, qa0, sa1, qa1, sb0, qb0, sb1, qb1 = lax.fori_loop(
            0, _B // 4, stats_h, (zero,) * 8)
        s0, q0, s1, q1 = sa0 + sb0, qa0 + qb0, sa1 + sb1, qa1 + qb1
        m0 = s0 * _INV_B
        m1 = s1 * _INV_B
        r0 = _rsqrt16(q0 * _INV_B - m0 * m0 + _EPS)
        r1 = _rsqrt16(q1 * _INV_B - m1 * m1 + _EPS)
        c0 = -m0 * r0
        c1 = -m1 * r1

        @pl.when(k > 0)
        def _drain_prev_out():
            pstart = chunk_start(k - 1)
            pltpu.make_async_copy(
                g1_t, out_hbm.at[:, pl.ds(pstart, _L)], sout).wait()

        def stats_g(r4, acc):
            sa0, qa0, sa1, qa1, sb0, qb0, sb1, qb1 = acc
            r = r4 * 4
            for j in (0, 2):
                h0n = h0_t[r + j] * r0 + c0
                h1n = h1_t[r + j] * r1 + c1
                g0 = jnp.maximum(h0n * w00 + h1n * w01 + b2_0, 0.0)
                g1 = jnp.maximum(h0n * w10 + h1n * w11 + b2_1, 0.0)
                g0_t[r + j] = g0
                g1_t[r + j] = g1
                sa0, qa0 = sa0 + g0, qa0 + g0 * g0
                sa1, qa1 = sa1 + g1, qa1 + g1 * g1
                h0n = h0_t[r + j + 1] * r0 + c0
                h1n = h1_t[r + j + 1] * r1 + c1
                g0 = jnp.maximum(h0n * w00 + h1n * w01 + b2_0, 0.0)
                g1 = jnp.maximum(h0n * w10 + h1n * w11 + b2_1, 0.0)
                g0_t[r + j + 1] = g0
                g1_t[r + j + 1] = g1
                sb0, qb0 = sb0 + g0, qb0 + g0 * g0
                sb1, qb1 = sb1 + g1, qb1 + g1 * g1
            return (sa0, qa0, sa1, qa1, sb0, qb0, sb1, qb1)

        sa0, qa0, sa1, qa1, sb0, qb0, sb1, qb1 = lax.fori_loop(
            0, _B // 4, stats_g, (zero,) * 8)
        sg0, qg0 = sa0 + sb0, qa0 + qb0
        sg1, qg1 = sa1 + sb1, qa1 + qb1
        mg0 = sg0 * _INV_B
        mg1 = sg1 * _INV_B
        rg0 = _rsqrt16(qg0 * _INV_B - mg0 * mg0 + _EPS)
        rg1 = _rsqrt16(qg1 * _INV_B - mg1 * mg1 + _EPS)
        k0 = rg0 * w3_0
        k1 = rg1 * w3_1
        koff = mg0 * k0 + mg1 * k1

        def stats_z(r4, acc):
            sza, qza, szb, qzb = acc
            r = r4 * 4
            for j in (0, 2):
                zp = g0_t[r + j] * k0 + g1_t[r + j] * k1 - koff
                xc[r + j] = zp
                sza, qza = sza + zp, qza + zp * zp
                zp = g0_t[r + j + 1] * k0 + g1_t[r + j + 1] * k1 - koff
                xc[r + j + 1] = zp
                szb, qzb = szb + zp, qzb + zp * zp
            return (sza, qza, szb, qzb)

        sza, qza, szb, qzb = lax.fori_loop(0, _B // 4, stats_z, (zero,) * 4)
        sz, qz = sza + szb, qza + qzb
        mz = sz * _INV_B
        rz = _rsqrt16(qz * _INV_B - mz * mz + _EPS)
        cz = -mz * rz

        def norm_z(r4, acc):
            r = r4 * 4
            for j in range(4):
                g1_t[r + j] = xc[r + j] * rz + cz
            return acc

        lax.fori_loop(0, _B // 4, norm_z, 0)

        pltpu.async_copy(g1_t, out_hbm.at[:, pl.ds(start, _L)], sout)

    s0_ = chunk_start(0)
    pltpu.async_copy(x_hbm.at[:, pl.ds(s0_, _L)], xa, sxa)
    pltpu.async_copy(wb_hbm.at[:, pl.ds(s0_, _L)], wba, swa)

    def chunk_pair(kk, carry):
        process(2 * kk, xa, wba, sxa, swa, xb, wbb, sxb, swb)
        process(2 * kk + 1, xb, wbb, sxb, swb, xa, wba, sxa, swa)
        return carry

    lax.fori_loop(0, _KMAX // 2, chunk_pair, 0)
    pltpu.make_async_copy(
        g1_t, out_hbm.at[:, pl.ds(chunk_start(_KMAX - 1), _L)], sout).wait()


def _run_sc(features, wb):
    mesh = plsc.VectorSubcoreMesh(core_axis_name="c", subcore_axis_name="s",
                                  num_cores=2, num_subcores=16)
    f = pl.kernel(
        _sc_body,
        out_type=jax.ShapeDtypeStruct((_B, _N_SC), jnp.float32),
        mesh=mesh,
        scratch_types=[
            pltpu.VMEM((_B, _L), jnp.float32),
            pltpu.VMEM((_B, _L), jnp.float32),
            pltpu.VMEM((12, _L), jnp.float32),
            pltpu.VMEM((12, _L), jnp.float32),
            pltpu.VMEM((_B, _L), jnp.float32),
            pltpu.VMEM((_B, _L), jnp.float32),
            pltpu.VMEM((_B, _L), jnp.float32),
            pltpu.VMEM((_B, _L), jnp.float32),
            pltpu.SemaphoreType.DMA,
            pltpu.SemaphoreType.DMA,
            pltpu.SemaphoreType.DMA,
            pltpu.SemaphoreType.DMA,
            pltpu.SemaphoreType.DMA,
        ],
        compiler_params=pltpu.CompilerParams(use_tc_tiling_on_sc=False),
    )
    return f(features, wb)


def _bn_tc(h):
    m = jnp.mean(h, axis=0, keepdims=True)
    v = jnp.mean(h * h, axis=0, keepdims=True) - m * m
    return (h - m) * jax.lax.rsqrt(v + _EPS)


def _tc_block(x_ref, wb_ref, o_ref):
    x = x_ref[...]
    h0 = jnp.maximum(x * wb_ref[0:1, :] + wb_ref[2:3, :], 0.0)
    h1 = jnp.maximum(x * wb_ref[1:2, :] + wb_ref[3:4, :], 0.0)
    h0 = _bn_tc(h0)
    h1 = _bn_tc(h1)
    g0 = jnp.maximum(h0 * wb_ref[4:5, :] + h1 * wb_ref[5:6, :] + wb_ref[8:9, :], 0.0)
    g1 = jnp.maximum(h0 * wb_ref[6:7, :] + h1 * wb_ref[7:8, :] + wb_ref[9:10, :], 0.0)
    g0 = _bn_tc(g0)
    g1 = _bn_tc(g1)
    z = g0 * wb_ref[10:11, :] + g1 * wb_ref[11:12, :]
    o_ref[...] = _bn_tc(z)


def _run_tc(features, wb_full):
    n_tc = _N - _N_SC
    grid = (pl.cdiv(n_tc, _GBLK),)
    in_spec = lambda rows: pl.BlockSpec((rows, _GBLK), lambda i: (0, i + _TCB0))
    out_spec = pl.BlockSpec((_B, _GBLK), lambda i: (0, i))
    return pl.pallas_call(
        _tc_block,
        grid=grid,
        in_specs=[in_spec(_B), in_spec(12)],
        out_specs=out_spec,
        out_shape=jax.ShapeDtypeStruct((_B, n_tc), jnp.float32),
        compiler_params=pltpu.CompilerParams(
            dimension_semantics=("arbitrary",),
        ),
    )(features, wb_full)


@jax.jit
def _run(features, wb_full):
    x_sc = lax.slice(features, (0, 0), (_B, _N_SC))
    wb_sc = lax.slice(wb_full, (0, 0), (12, _N_SC))
    z_sc = _run_sc(x_sc, wb_sc)
    z_tc = _run_tc(features, wb_full)
    return jnp.concatenate([z_sc, z_tc], axis=1)


def kernel(features, w1, b1, w2, b2, w3, b3,
           conn_in1, conn_out1, conn_in2, conn_out2, conn_in3, conn_out3):
    wb_full = jnp.stack([
        w1[0::2], w1[1::2], b1[0::2], b1[1::2],
        w2[0::4], w2[1::4], w2[2::4], w2[3::4],
        b2[0::2], b2[1::2], w3[0::2], w3[1::2],
    ])
    return _run(features, wb_full)

# --- scband reference (transcript-rebuilt; emitter-appended) ---
"""Pipeline reference for scband-aeencoder-66340064854757 (READ-ONLY COPY).

The authoritative reference and input builder live on the scoring server;
editing this copy changes nothing except your own understanding.
"""

import jax, jax.numpy as jnp
import numpy as np

N_GENES = 15000
W = 2
B = 1024


def setup_inputs(seed: int = 0) -> dict:
    key = jax.random.key(seed)
    k1, k2, k3, k4, k5, k6, k7 = jax.random.split(key, 7)
    H = N_GENES * W
    features = jax.random.uniform(k1, (B, N_GENES), dtype=jnp.float32)
    # encoder_1: gene i -> its W hidden nodes (transpose of decoder final layer)
    conn_in1 = jnp.repeat(jnp.arange(N_GENES, dtype=jnp.int32), W)
    conn_out1 = jnp.arange(H, dtype=jnp.int32)
    # encoder_2: block-diagonal per gene, W x W fully connected within each gene group
    conn_out2 = jnp.repeat(jnp.arange(H, dtype=jnp.int32), W)
    conn_in2 = jnp.repeat(jnp.arange(N_GENES, dtype=jnp.int32) * W, W * W) + jnp.tile(jnp.arange(W, dtype=jnp.int32), N_GENES * W)
    # embedding: W hidden nodes of gene i -> single latent node i (transpose of decoder first layer)
    conn_in3 = jnp.arange(H, dtype=jnp.int32)
    conn_out3 = jnp.repeat(jnp.arange(N_GENES, dtype=jnp.int32), W)
    w1 = jax.random.normal(k2, (H,), dtype=jnp.float32) * 0.1
    b1 = jax.random.normal(k3, (H,), dtype=jnp.float32) * 0.01
    w2 = jax.random.normal(k4, (N_GENES * W * W,), dtype=jnp.float32) * 0.1
    b2 = jax.random.normal(k5, (H,), dtype=jnp.float32) * 0.01
    w3 = jax.random.normal(k6, (H,), dtype=jnp.float32) * 0.1
    b3 = jax.random.normal(k7, (N_GENES,), dtype=jnp.float32) * 0.01
    return {"features": features, "w1": w1, "b1": b1, "w2": w2, "b2": b2, "w3": w3, "b3": b3,
            "conn_in1": conn_in1, "conn_out1": conn_out1, "conn_in2": conn_in2, "conn_out2": conn_out2,
            "conn_in3": conn_in3, "conn_out3": conn_out3}


def _sparse_linear(x, w, b, conn_in, conn_out, out_dim):
    # SparseLinear: y[:, conn_out[k]] += x[:, conn_in[k]] * w[k]  (gather + scatter-add)
    contrib = jnp.take(x, conn_in, axis=1) * w[None, :]
    y = jax.ops.segment_sum(contrib.T, conn_out, num_segments=out_dim, indices_are_sorted=True)
    return y.T + b[None, :]


def _bn(x, eps=1e-5):
    # BatchNorm1d(affine=False), training-mode batch statistics
    m = jnp.mean(x, axis=0, keepdims=True)
    v = jnp.var(x, axis=0, keepdims=True)
    return (x - m) / jnp.sqrt(v + eps)


def reference(features, w1, b1, w2, b2, w3, b3, conn_in1, conn_out1, conn_in2, conn_out2, conn_in3, conn_out3):
    # dropout is identity at inference; omitted for determinism
    h = _sparse_linear(features, w1, b1, conn_in1, conn_out1, b1.shape[0])
    h = jax.nn.relu(h)
    h = _bn(h)
    h = _sparse_linear(h, w2, b2, conn_in2, conn_out2, b2.shape[0])
    h = jax.nn.relu(h)
    h = _bn(h)
    z = _sparse_linear(h, w3, b3, conn_in3, conn_out3, b3.shape[0])
    z = _bn(z)
    return z

if __name__ == "__main__":
    import jax
    _d = setup_inputs()
    print(jax.jit(kernel)(*tuple(_d.values())))

</pallas_src>

<mosaic_0001>
#map = affine_map<(d0, d1) -> (0, 0)>
module attributes {stable_mosaic.version = 14 : i64} {
  func.func @_sc_body(%arg0: i32, %arg1: i32, %arg2: memref<1024x6144xf32, #tpu.memory_space<hbm>>, %arg3: memref<12x6144xf32, #tpu.memory_space<hbm>>, %arg4: memref<1024x6144xf32, #tpu.memory_space<hbm>>, %arg5: memref<1024x16xf32, #tpu.memory_space<vmem>>, %arg6: memref<1024x16xf32, #tpu.memory_space<vmem>>, %arg7: memref<12x16xf32, #tpu.memory_space<vmem>>, %arg8: memref<12x16xf32, #tpu.memory_space<vmem>>, %arg9: memref<1024x16xf32, #tpu.memory_space<vmem>>, %arg10: memref<1024x16xf32, #tpu.memory_space<vmem>>, %arg11: memref<1024x16xf32, #tpu.memory_space<vmem>>, %arg12: memref<1024x16xf32, #tpu.memory_space<vmem>>, %arg13: memref<!tpu.dma_semaphore, #tpu.memory_space<semaphore_mem>>, %arg14: memref<!tpu.dma_semaphore, #tpu.memory_space<semaphore_mem>>, %arg15: memref<!tpu.dma_semaphore, #tpu.memory_space<semaphore_mem>>, %arg16: memref<!tpu.dma_semaphore, #tpu.memory_space<semaphore_mem>>, %arg17: memref<!tpu.dma_semaphore, #tpu.memory_space<semaphore_mem>>) attributes {dimension_semantics = [#tpu.dimension_semantics<core_parallel>, #tpu.dimension_semantics<subcore_parallel>], iteration_bounds = array<i64: 2, 16>, scalar_prefetch = 0 : i64, scratch_operands = 13 : i64, tpu.core_type = #tpu.core_type<sc_vector_subcore>, window_params = [{transform_indices = #map}, {transform_indices = #map}, {transform_indices = #map}]} {
    %mul3A = arith.constant 2 : i32
    %mul3A_0 = arith.muli %arg1, %mul3A : i32
    %add3A = arith.addi %mul3A_0, %arg0 : i32
    %add3A_1 = arith.constant 0 : i32
    %add3A_2 = arith.addi %add3A, %add3A_1 : i32
    %mul3A_3 = arith.constant 16 : i32
    %mul3A_4 = arith.muli %add3A_2, %mul3A_3 : i32
    %dma_start3A = arith.constant 0 : i32
    %dma_start3A_5 = tpu.memref_slice %arg2[%dma_start3A, %mul3A_4] : memref<1024x6144xf32, #tpu.memory_space<hbm>> -> memref<1024x16xf32, #tpu.memory_space<hbm>>
    %dma_start3A_6 = arith.constant 0 : i32
    %dma_start3A_7 = tpu.memref_slice %arg2[%dma_start3A_6, %mul3A_4] : memref<1024x6144xf32, #tpu.memory_space<hbm>> -> memref<1024x16xf32, #tpu.memory_space<hbm>>
    tpu.enqueue_dma source(%dma_start3A_7 : memref<1024x16xf32, #tpu.memory_space<hbm>>) target(%arg5 : memref<1024x16xf32, #tpu.memory_space<vmem>>) target_semaphore(%arg13 : memref<!tpu.dma_semaphore, #tpu.memory_space<semaphore_mem>>)
    %dma_start3A_8 = arith.constant 0 : i32
    %dma_start3A_9 = tpu.memref_slice %arg3[%dma_start3A_8, %mul3A_4] : memref<12x6144xf32, #tpu.memory_space<hbm>> -> memref<12x16xf32, #tpu.memory_space<hbm>>
    %dma_start3A_10 = arith.constant 0 : i32
    %dma_start3A_11 = tpu.memref_slice %arg3[%dma_start3A_10, %mul3A_4] : memref<12x6144xf32, #tpu.memory_space<hbm>> -> memref<12x16xf32, #tpu.memory_space<hbm>>
    tpu.enqueue_dma source(%dma_start3A_11 : memref<12x16xf32, #tpu.memory_space<hbm>>) target(%arg7 : memref<12x16xf32, #tpu.memory_space<vmem>>) target_semaphore(%arg15 : memref<!tpu.dma_semaphore, #tpu.memory_space<semaphore_mem>>)
    %scan3A = arith.constant 0 : i32
    %scan3A_12 = arith.constant 0 : i32
    %scan3A_13 = arith.constant 6 : i32
    %scan3A_14 = arith.addi %scan3A_12, %scan3A_13 : i32
    %scan3A_15 = arith.constant 1 : i32
    scf.for %scan3A_24 = %scan3A_12 to %scan3A_14 step %scan3A_15  : i32 {
      %mul3A_25 = arith.constant 2 : i32
      %mul3A_26 = arith.muli %mul3A_25, %scan3A_24 : i32
      %mul3A_27 = arith.constant 32 : i32
      %mul3A_28 = arith.muli %mul3A_27, %mul3A_26 : i32
      %add3A_29 = arith.addi %add3A, %mul3A_28 : i32
      %mul3A_30 = arith.constant 16 : i32
      %mul3A_31 = arith.muli %add3A_29, %mul3A_30 : i32
      %dma_wait3A_32 = arith.constant 0 : i32
      %dma_wait3A_33 = tpu.memref_slice %arg2[%dma_wait3A_32, %mul3A_31] : memref<1024x6144xf32, #tpu.memory_space<hbm>> -> memref<1024x16xf32, #tpu.memory_space<hbm>>
      %dma_wait3A_34 = arith.constant 0 : i32
      %dma_wait3A_35 = tpu.memref_slice %arg2[%dma_wait3A_34, %mul3A_31] : memref<1024x6144xf32, #tpu.memory_space<hbm>> -> memref<1024x16xf32, #tpu.memory_space<hbm>>
      tpu.wait_dma2 semaphore(%arg13 : memref<!tpu.dma_semaphore, #tpu.memory_space<semaphore_mem>>) src(%dma_wait3A_35 : memref<1024x16xf32, #tpu.memory_space<hbm>>) dst(%arg5 : memref<1024x16xf32, #tpu.memory_space<vmem>>)
      %dma_wait3A_36 = arith.constant 0 : i32
      %dma_wait3A_37 = tpu.memref_slice %arg3[%dma_wait3A_36, %mul3A_31] : memref<12x6144xf32, #tpu.memory_space<hbm>> -> memref<12x16xf32, #tpu.memory_space<hbm>>
      %dma_wait3A_38 = arith.constant 0 : i32
      %dma_wait3A_39 = tpu.memref_slice %arg3[%dma_wait3A_38, %mul3A_31] : memref<12x6144xf32, #tpu.memory_space<hbm>> -> memref<12x16xf32, #tpu.memory_space<hbm>>
      tpu.wait_dma2 semaphore(%arg15 : memref<!tpu.dma_semaphore, #tpu.memory_space<semaphore_mem>>) src(%dma_wait3A_39 : memref<12x16xf32, #tpu.memory_space<hbm>>) dst(%arg7 : memref<12x16xf32, #tpu.memory_space<vmem>>)
      %add3A_40 = arith.constant 1 : i32
      %add3A_41 = arith.addi %mul3A_26, %add3A_40 : i32
      %lt3A = arith.constant 12 : i32
      %lt3A_42 = arith.cmpi slt, %add3A_41, %lt3A : i32
      %convert_element_type3A = arith.extui %lt3A_42 : i1 to i32
      %cond3A = arith.constant 0 : i32
      %cond3A_43 = arith.cmpi ne, %convert_element_type3A, %cond3A : i32
      scf.if %cond3A_43 {
        %add3A_765 = arith.constant 1 : i32
        %add3A_766 = arith.addi %mul3A_26, %add3A_765 : i32
        %mul3A_767 = arith.constant 32 : i32
        %mul3A_768 = arith.muli %mul3A_767, %add3A_766 : i32
        %add3A_769 = arith.addi %add3A, %mul3A_768 : i32
        %mul3A_770 = arith.constant 16 : i32
        %mul3A_771 = arith.muli %add3A_769, %mul3A_770 : i32
        %dma_start3A_772 = arith.constant 0 : i32
        %dma_start3A_773 = tpu.memref_slice %arg2[%dma_start3A_772, %mul3A_771] : memref<1024x6144xf32, #tpu.memory_space<hbm>> -> memref<1024x16xf32, #tpu.memory_space<hbm>>
        %dma_start3A_774 = arith.constant 0 : i32
        %dma_start3A_775 = tpu.memref_slice %arg2[%dma_start3A_774, %mul3A_771] : memref<1024x6144xf32, #tpu.memory_space<hbm>> -> memref<1024x16xf32, #tpu.memory_space<hbm>>
        tpu.enqueue_dma source(%dma_start3A_775 : memref<1024x16xf32, #tpu.memory_space<hbm>>) target(%arg6 : memref<1024x16xf32, #tpu.memory_space<vmem>>) target_semaphore(%arg14 : memref<!tpu.dma_semaphore, #tpu.memory_space<semaphore_mem>>)
        %dma_start3A_776 = arith.constant 0 : i32
        %dma_start3A_777 = tpu.memref_slice %arg3[%dma_start3A_776, %mul3A_771] : memref<12x6144xf32, #tpu.memory_space<hbm>> -> memref<12x16xf32, #tpu.memory_space<hbm>>
        %dma_start3A_778 = arith.constant 0 : i32
        %dma_start3A_779 = tpu.memref_slice %arg3[%dma_start3A_778, %mul3A_771] : memref<12x6144xf32, #tpu.memory_space<hbm>> -> memref<12x16xf32, #tpu.memory_space<hbm>>
        tpu.enqueue_dma source(%dma_start3A_779 : memref<12x16xf32, #tpu.memory_space<hbm>>) target(%arg8 : memref<12x16xf32, #tpu.memory_space<vmem>>) target_semaphore(%arg16 : memref<!tpu.dma_semaphore, #tpu.memory_space<semaphore_mem>>)
      } else {
      }
      %get3A = arith.constant 0 : i32
      %get3A_44 = arith.index_cast %get3A : i32 to index
      %get3A_45 = arith.constant 0 : index
      %get3A_46 = tpu.vector_load %arg7[%get3A_44, %get3A_45] {strides = array<i32>} : memref<12x16xf32, #tpu.memory_space<vmem>>, vector<1x16xf32>,
      %get3A_47 = vector.shape_cast %get3A_46 : vector<1x16xf32> to vector<16xf32>
      %get3A_48 = arith.constant 1 : i32
      %get3A_49 = arith.index_cast %get3A_48 : i32 to index
      %get3A_50 = arith.constant 0 : index
      %get3A_51 = tpu.vector_load %arg7[%get3A_49, %get3A_50] {strides = array<i32>} : memref<12x16xf32, #tpu.memory_space<vmem>>, vector<1x16xf32>,
      %get3A_52 = vector.shape_cast %get3A_51 : vector<1x16xf32> to vector<16xf32>
      %get3A_53 = arith.constant 2 : i32
      %get3A_54 = arith.index_cast %get3A_53 : i32 to index
      %get3A_55 = arith.constant 0 : index
      %get3A_56 = tpu.vector_load %arg7[%get3A_54, %get3A_55] {strides = array<i32>} : memref<12x16xf32, #tpu.memory_space<vmem>>, vector<1x16xf32>,
      %get3A_57 = vector.shape_cast %get3A_56 : vector<1x16xf32> to vector<16xf32>
      %get3A_58 = arith.constant 3 : i32
      %get3A_59 = arith.index_cast %get3A_58 : i32 to index
      %get3A_60 = arith.constant 0 : index
      %get3A_61 = tpu.vector_load %arg7[%get3A_59, %get3A_60] {strides = array<i32>} : memref<12x16xf32, #tpu.memory_space<vmem>>, vector<1x16xf32>,
      %get3A_62 = vector.shape_cast %get3A_61 : vector<1x16xf32> to vector<16xf32>
      %get3A_63 = arith.constant 4 : i32
      %get3A_64 = arith.index_cast %get3A_63 : i32 to index
      %get3A_65 = arith.constant 0 : index
      %get3A_66 = tpu.vector_load %arg7[%get3A_64, %get3A_65] {strides = array<i32>} : memref<12x16xf32, #tpu.memory_space<vmem>>, vector<1x16xf32>,
      %get3A_67 = vector.shape_cast %get3A_66 : vector<1x16xf32> to vector<16xf32>
      %get3A_68 = arith.constant 5 : i32
      %get3A_69 = arith.index_cast %get3A_68 : i32 to index
      %get3A_70 = arith.constant 0 : index
      %get3A_71 = tpu.vector_load %arg7[%get3A_69, %get3A_70] {strides = array<i32>} : memref<12x16xf32, #tpu.memory_space<vmem>>, vector<1x16xf32>,
      %get3A_72 = vector.shape_cast %get3A_71 : vector<1x16xf32> to vector<16xf32>
      %get3A_73 = arith.constant 6 : i32
      %get3A_74 = arith.index_cast %get3A_73 : i32 to index
      %get3A_75 = arith.constant 0 : index
      %get3A_76 = tpu.vector_load %arg7[%get3A_74, %get3A_75] {strides = array<i32>} : memref<12x16xf32, #tpu.memory_space<vmem>>, vector<1x16xf32>,
      %get3A_77 = vector.shape_cast %get3A_76 : vector<1x16xf32> to vector<16xf32>
      %get3A_78 = arith.constant 7 : i32
      %get3A_79 = arith.index_cast %get3A_78 : i32 to index
      %get3A_80 = arith.constant 0 : index
      %get3A_81 = tpu.vector_load %arg7[%get3A_79, %get3A_80] {strides = array<i32>} : memref<12x16xf32, #tpu.memory_space<vmem>>, vector<1x16xf32>,
      %get3A_82 = vector.shape_cast %get3A_81 : vector<1x16xf32> to vector<16xf32>
      %get3A_83 = arith.constant 8 : i32
      %get3A_84 = arith.index_cast %get3A_83 : i32 to index
      %get3A_85 = arith.constant 0 : index
      %get3A_86 = tpu.vector_load %arg7[%get3A_84, %get3A_85] {strides = array<i32>} : memref<12x16xf32, #tpu.memory_space<vmem>>, vector<1x16xf32>,
      %get3A_87 = vector.shape_cast %get3A_86 : vector<1x16xf32> to vector<16xf32>
      %get3A_88 = arith.constant 9 : i32
      %get3A_89 = arith.index_cast %get3A_88 : i32 to index
      %get3A_90 = arith.constant 0 : index
      %get3A_91 = tpu.vector_load %arg7[%get3A_89, %get3A_90] {strides = array<i32>} : memref<12x16xf32, #tpu.memory_space<vmem>>, vector<1x16xf32>,
      %get3A_92 = vector.shape_cast %get3A_91 : vector<1x16xf32> to vector<16xf32>
      %get3A_93 = arith.constant 10 : i32
      %get3A_94 = arith.index_cast %get3A_93 : i32 to index
      %get3A_95 = arith.constant 0 : index
      %get3A_96 = tpu.vector_load %arg7[%get3A_94, %get3A_95] {strides = array<i32>} : memref<12x16xf32, #tpu.memory_space<vmem>>, vector<1x16xf32>,
      %get3A_97 = vector.shape_cast %get3A_96 : vector<1x16xf32> to vector<16xf32>
      %get3A_98 = arith.constant 11 : i32
      %get3A_99 = arith.index_cast %get3A_98 : i32 to index
      %get3A_100 = arith.constant 0 : index
      %get3A_101 = tpu.vector_load %arg7[%get3A_99, %get3A_100] {strides = array<i32>} : memref<12x16xf32, #tpu.memory_space<vmem>>, vector<1x16xf32>,
      %get3A_102 = vector.shape_cast %get3A_101 : vector<1x16xf32> to vector<16xf32>
      %broadcast_in_dim3A = arith.constant 0.000000e+00 : f32
      %broadcast_in_dim3A_103 = vector.broadcast %broadcast_in_dim3A : f32 to vector<16xf32>
      %scan3A_104 = arith.constant 0 : i32
      %scan3A_105 = arith.constant 256 : i32
      %scan3A_106 = arith.addi %scan3A_104, %scan3A_105 : i32
      %scan3A_107 = arith.constant 1 : i32
      %scan3A_108:8 = scf.for %scan3A_765 = %scan3A_104 to %scan3A_106 step %scan3A_107 iter_args(%scan3A_766 = %broadcast_in_dim3A_103, %scan3A_767 = %broadcast_in_dim3A_103, %scan3A_768 = %broadcast_in_dim3A_103, %scan3A_769 = %broadcast_in_dim3A_103, %scan3A_770 = %broadcast_in_dim3A_103, %scan3A_771 = %broadcast_in_dim3A_103, %scan3A_772 = %broadcast_in_dim3A_103, %scan3A_773 = %broadcast_in_dim3A_103) -> (vector<16xf32>, vector<16xf32>, vector<16xf32>, vector<16xf32>, vector<16xf32>, vector<16xf32>, vector<16xf32>, vector<16xf32>)  : i32 {
        %mul3A_774 = arith.constant 4 : i32
        %mul3A_775 = arith.muli %scan3A_765, %mul3A_774 : i32
        %add3A_776 = arith.constant 0 : i32
        %add3A_777 = arith.addi %mul3A_775, %add3A_776 : i32
        %get3A_778 = arith.index_cast %add3A_777 : i32 to index
        %get3A_779 = arith.constant 0 : index
        %get3A_780 = tpu.vector_load %arg5[%get3A_778, %get3A_779] {strides = array<i32>} : memref<1024x16xf32, #tpu.memory_space<vmem>>, vector<1x16xf32>,
        %get3A_781 = vector.shape_cast %get3A_780 : vector<1x16xf32> to vector<16xf32>
        %mul3A_782 = arith.mulf %get3A_781, %get3A_47 : vector<16xf32>
        %add3A_783 = arith.addf %mul3A_782, %get3A_57 : vector<16xf32>
        %max3A = arith.constant 0.000000e+00 : f32
        %max3A_784 = vector.broadcast %max3A : f32 to vector<16xf32>
        %max3A_785 = arith.maximumf %add3A_783, %max3A_784 : vector<16xf32>
        %mul3A_786 = arith.mulf %get3A_781, %get3A_52 : vector<16xf32>
        %add3A_787 = arith.addf %mul3A_786, %get3A_62 : vector<16xf32>
        %max3A_788 = arith.constant 0.000000e+00 : f32
        %max3A_789 = vector.broadcast %max3A_788 : f32 to vector<16xf32>
        %max3A_790 = arith.maximumf %add3A_787, %max3A_789 : vector<16xf32>
        %add3A_791 = arith.constant 0 : i32
        %add3A_792 = arith.addi %mul3A_775, %add3A_791 : i32
        %swap3A = arith.index_cast %add3A_792 : i32 to index
        %swap3A_793 = arith.constant 0 : index
        %swap3A_794 = tpu.vector_load %arg9[%swap3A, %swap3A_793] {strides = array<i32>} : memref<1024x16xf32, #tpu.memory_space<vmem>>, vector<1x16xf32>,
        %swap3A_795 = vector.shape_cast %swap3A_794 : vector<1x16xf32> to vector<16xf32>
        %swap3A_796 = vector.shape_cast %max3A_785 : vector<16xf32> to vector<1x16xf32>
        tpu.vector_store %arg9[%swap3A, %swap3A_793], %swap3A_796 {strides = array<i32>} : memref<1024x16xf32, #tpu.memory_space<vmem>>, vector<1x16xf32>,
        %add3A_797 = arith.constant 0 : i32
        %add3A_798 = arith.addi %mul3A_775, %add3A_797 : i32
        %swap3A_799 = arith.index_cast %add3A_798 : i32 to index
        %swap3A_800 = arith.constant 0 : index
        %swap3A_801 = tpu.vector_load %arg10[%swap3A_799, %swap3A_800] {strides = array<i32>} : memref<1024x16xf32, #tpu.memory_space<vmem>>, vector<1x16xf32>,
        %swap3A_802 = vector.shape_cast %swap3A_801 : vector<1x16xf32> to vector<16xf32>
        %swap3A_803 = vector.shape_cast %max3A_790 : vector<16xf32> to vector<1x16xf32>
        tpu.vector_store %arg10[%swap3A_799, %swap3A_800], %swap3A_803 {strides = array<i32>} : memref<1024x16xf32, #tpu.memory_space<vmem>>, vector<1x16xf32>,
        %add3A_804 = arith.addf %scan3A_766, %max3A_785 : vector<16xf32>
        %mul3A_805 = arith.mulf %max3A_785, %max3A_785 : vector<16xf32>
        %add3A_806 = arith.addf %scan3A_767, %mul3A_805 : vector<16xf32>
        %add3A_807 = arith.addf %scan3A_768, %max3A_790 : vector<16xf32>
        %mul3A_808 = arith.mulf %max3A_790, %max3A_790 : vector<16xf32>
        %add3A_809 = arith.addf %scan3A_769, %mul3A_808 : vector<16xf32>
        %add3A_810 = arith.constant 0 : i32
        %add3A_811 = arith.addi %mul3A_775, %add3A_810 : i32
        %add3A_812 = arith.constant 1 : i32
        %add3A_813 = arith.addi %add3A_811, %add3A_812 : i32
        %get3A_814 = arith.index_cast %add3A_813 : i32 to index
        %get3A_815 = arith.constant 0 : index
        %get3A_816 = tpu.vector_load %arg5[%get3A_814, %get3A_815] {strides = array<i32>} : memref<1024x16xf32, #tpu.memory_space<vmem>>, vector<1x16xf32>,
        %get3A_817 = vector.shape_cast %get3A_816 : vector<1x16xf32> to vector<16xf32>
        %mul3A_818 = arith.mulf %get3A_817, %get3A_47 : vector<16xf32>
        %add3A_819 = arith.addf %mul3A_818, %get3A_57 : vector<16xf32>
        %max3A_820 = arith.constant 0.000000e+00 : f32
        %max3A_821 = vector.broadcast %max3A_820 : f32 to vector<16xf32>
        %max3A_822 = arith.maximumf %add3A_819, %max3A_821 : vector<16xf32>
        %mul3A_823 = arith.mulf %get3A_817, %get3A_52 : vector<16xf32>
        %add3A_824 = arith.addf %mul3A_823, %get3A_62 : vector<16xf32>
        %max3A_825 = arith.constant 0.000000e+00 : f32
        %max3A_826 = vector.broadcast %max3A_825 : f32 to vector<16xf32>
        %max3A_827 = arith.maximumf %add3A_824, %max3A_826 : vector<16xf32>
        %add3A_828 = arith.constant 0 : i32
        %add3A_829 = arith.addi %mul3A_775, %add3A_828 : i32
        %add3A_830 = arith.constant 1 : i32
        %add3A_831 = arith.addi %add3A_829, %add3A_830 : i32
        %swap3A_832 = arith.index_cast %add3A_831 : i32 to index
        %swap3A_833 = arith.constant 0 : index
        %swap3A_834 = tpu.vector_load %arg9[%swap3A_832, %swap3A_833] {strides = array<i32>} : memref<1024x16xf32, #tpu.memory_space<vmem>>, vector<1x16xf32>,
        %swap3A_835 = vector.shape_cast %swap3A_834 : vector<1x16xf32> to vector<16xf32>
        %swap3A_836 = vector.shape_cast %max3A_822 : vector<16xf32> to vector<1x16xf32>
        tpu.vector_store %arg9[%swap3A_832, %swap3A_833], %swap3A_836 {strides = array<i32>} : memref<1024x16xf32, #tpu.memory_space<vmem>>, vector<1x16xf32>,
        %add3A_837 = arith.constant 0 : i32
        %add3A_838 = arith.addi %mul3A_775, %add3A_837 : i32
        %add3A_839 = arith.constant 1 : i32
        %add3A_840 = arith.addi %add3A_838, %add3A_839 : i32
        %swap3A_841 = arith.index_cast %add3A_840 : i32 to index
        %swap3A_842 = arith.constant 0 : index
        %swap3A_843 = tpu.vector_load %arg10[%swap3A_841, %swap3A_842] {strides = array<i32>} : memref<1024x16xf32, #tpu.memory_space<vmem>>, vector<1x16xf32>,
        %swap3A_844 = vector.shape_cast %swap3A_843 : vector<1x16xf32> to vector<16xf32>
        %swap3A_845 = vector.shape_cast %max3A_827 : vector<16xf32> to vector<1x16xf32>
        tpu.vector_store %arg10[%swap3A_841, %swap3A_842], %swap3A_845 {strides = array<i32>} : memref<1024x16xf32, #tpu.memory_space<vmem>>, vector<1x16xf32>,
        %add3A_846 = arith.addf %scan3A_770, %max3A_822 : vector<16xf32>
        %mul3A_847 = arith.mulf %max3A_822, %max3A_822 : vector<16xf32>
        %add3A_848 = arith.addf %scan3A_771, %mul3A_847 : vector<16xf32>
        %add3A_849 = arith.addf %scan3A_772, %max3A_827 : vector<16xf32>
        %mul3A_850 = arith.mulf %max3A_827, %max3A_827 : vector<16xf32>
        %add3A_851 = arith.addf %scan3A_773, %mul3A_850 : vector<16xf32>
        %add3A_852 = arith.constant 2 : i32
        %add3A_853 = arith.addi %mul3A_775, %add3A_852 : i32
        %get3A_854 = arith.index_cast %add3A_853 : i32 to index
        %get3A_855 = arith.constant 0 : index
        %get3A_856 = tpu.vector_load %arg5[%get3A_854, %get3A_855] {strides = array<i32>} : memref<1024x16xf32, #tpu.memory_space<vmem>>, vector<1x16xf32>,
        %get3A_857 = vector.shape_cast %get3A_856 : vector<1x16xf32> to vector<16xf32>
        %mul3A_858 = arith.mulf %get3A_857, %get3A_47 : vector<16xf32>
        %add3A_859 = arith.addf %mul3A_858, %get3A_57 : vector<16xf32>
        %max3A_860 = arith.constant 0.000000e+00 : f32
        %max3A_861 = vector.broadcast %max3A_860 : f32 to vector<16xf32>
        %max3A_862 = arith.maximumf %add3A_859, %max3A_861 : vector<16xf32>
        %mul3A_863 = arith.mulf %get3A_857, %get3A_52 : vector<16xf32>
        %add3A_864 = arith.addf %mul3A_863, %get3A_62 : vector<16xf32>
        %max3A_865 = arith.constant 0.000000e+00 : f32
        %max3A_866 = vector.broadcast %max3A_865 : f32 to vector<16xf32>
        %max3A_867 = arith.maximumf %add3A_864, %max3A_866 : vector<16xf32>
        %add3A_868 = arith.constant 2 : i32
        %add3A_869 = arith.addi %mul3A_775, %add3A_868 : i32
        %swap3A_870 = arith.index_cast %add3A_869 : i32 to index
        %swap3A_871 = arith.constant 0 : index
        %swap3A_872 = tpu.vector_load %arg9[%swap3A_870, %swap3A_871] {strides = array<i32>} : memref<1024x16xf32, #tpu.memory_space<vmem>>, vector<1x16xf32>,
        %swap3A_873 = vector.shape_cast %swap3A_872 : vector<1x16xf32> to vector<16xf32>
        %swap3A_874 = vector.shape_cast %max3A_862 : vector<16xf32> to vector<1x16xf32>
        tpu.vector_store %arg9[%swap3A_870, %swap3A_871], %swap3A_874 {strides = array<i32>} : memref<1024x16xf32, #tpu.memory_space<vmem>>, vector<1x16xf32>,
        %add3A_875 = arith.constant 2 : i32
        %add3A_876 = arith.addi %mul3A_775, %add3A_875 : i32
        %swap3A_877 = arith.index_cast %add3A_876 : i32 to index
        %swap3A_878 = arith.constant 0 : index
        %swap3A_879 = tpu.vector_load %arg10[%swap3A_877, %swap3A_878] {strides = array<i32>} : memref<1024x16xf32, #tpu.memory_space<vmem>>, vector<1x16xf32>,
        %swap3A_880 = vector.shape_cast %swap3A_879 : vector<1x16xf32> to vector<16xf32>
        %swap3A_881 = vector.shape_cast %max3A_867 : vector<16xf32> to vector<1x16xf32>
        tpu.vector_store %arg10[%swap3A_877, %swap3A_878], %swap3A_881 {strides = array<i32>} : memref<1024x16xf32, #tpu.memory_space<vmem>>, vector<1x16xf32>,
        %add3A_882 = arith.addf %add3A_804, %max3A_862 : vector<16xf32>
        %mul3A_883 = arith.mulf %max3A_862, %max3A_862 : vector<16xf32>
        %add3A_884 = arith.addf %add3A_806, %mul3A_883 : vector<16xf32>
        %add3A_885 = arith.addf %add3A_807, %max3A_867 : vector<16xf32>
        %mul3A_886 = arith.mulf %max3A_867, %max3A_867 : vector<16xf32>
        %add3A_887 = arith.addf %add3A_809, %mul3A_886 : vector<16xf32>
        %add3A_888 = arith.constant 2 : i32
        %add3A_889 = arith.addi %mul3A_775, %add3A_888 : i32
        %add3A_890 = arith.constant 1 : i32
        %add3A_891 = arith.addi %add3A_889, %add3A_890 : i32
        %get3A_892 = arith.index_cast %add3A_891 : i32 to index
        %get3A_893 = arith.constant 0 : index
        %get3A_894 = tpu.vector_load %arg5[%get3A_892, %get3A_893] {strides = array<i32>} : memref<1024x16xf32, #tpu.memory_space<vmem>>, vector<1x16xf32>,
        %get3A_895 = vector.shape_cast %get3A_894 : vector<1x16xf32> to vector<16xf32>
        %mul3A_896 = arith.mulf %get3A_895, %get3A_47 : vector<16xf32>
        %add3A_897 = arith.addf %mul3A_896, %get3A_57 : vector<16xf32>
        %max3A_898 = arith.constant 0.000000e+00 : f32
        %max3A_899 = vector.broadcast %max3A_898 : f32 to vector<16xf32>
        %max3A_900 = arith.maximumf %add3A_897, %max3A_899 : vector<16xf32>
        %mul3A_901 = arith.mulf %get3A_895, %get3A_52 : vector<16xf32>
        %add3A_902 = arith.addf %mul3A_901, %get3A_62 : vector<16xf32>
        %max3A_903 = arith.constant 0.000000e+00 : f32
        %max3A_904 = vector.broadcast %max3A_903 : f32 to vector<16xf32>
        %max3A_905 = arith.maximumf %add3A_902, %max3A_904 : vector<16xf32>
        %add3A_906 = arith.constant 2 : i32
        %add3A_907 = arith.addi %mul3A_775, %add3A_906 : i32
        %add3A_908 = arith.constant 1 : i32
        %add3A_909 = arith.addi %add3A_907, %add3A_908 : i32
        %swap3A_910 = arith.index_cast %add3A_909 : i32 to index
        %swap3A_911 = arith.constant 0 : index
        %swap3A_912 = tpu.vector_load %arg9[%swap3A_910, %swap3A_911] {strides = array<i32>} : memref<1024x16xf32, #tpu.memory_space<vmem>>, vector<1x16xf32>,
        %swap3A_913 = vector.shape_cast %swap3A_912 : vector<1x16xf32> to vector<16xf32>
        %swap3A_914 = vector.shape_cast %max3A_900 : vector<16xf32> to vector<1x16xf32>
        tpu.vector_store %arg9[%swap3A_910, %swap3A_911], %swap3A_914 {strides = array<i32>} : memref<1024x16xf32, #tpu.memory_space<vmem>>, vector<1x16xf32>,
        %add3A_915 = arith.constant 2 : i32
        %add3A_916 = arith.addi %mul3A_775, %add3A_915 : i32
        %add3A_917 = arith.constant 1 : i32
        %add3A_918 = arith.addi %add3A_916, %add3A_917 : i32
        %swap3A_919 = arith.index_cast %add3A_918 : i32 to index
        %swap3A_920 = arith.constant 0 : index
        %swap3A_921 = tpu.vector_load %arg10[%swap3A_919, %swap3A_920] {strides = array<i32>} : memref<1024x16xf32, #tpu.memory_space<vmem>>, vector<1x16xf32>,
        %swap3A_922 = vector.shape_cast %swap3A_921 : vector<1x16xf32> to vector<16xf32>
        %swap3A_923 = vector.shape_cast %max3A_905 : vector<16xf32> to vector<1x16xf32>
        tpu.vector_store %arg10[%swap3A_919, %swap3A_920], %swap3A_923 {strides = array<i32>} : memref<1024x16xf32, #tpu.memory_space<vmem>>, vector<1x16xf32>,
        %add3A_924 = arith.addf %add3A_846, %max3A_900 : vector<16xf32>
        %mul3A_925 = arith.mulf %max3A_900, %max3A_900 : vector<16xf32>
        %add3A_926 = arith.addf %add3A_848, %mul3A_925 : vector<16xf32>
        %add3A_927 = arith.addf %add3A_849, %max3A_905 : vector<16xf32>
        %mul3A_928 = arith.mulf %max3A_905, %max3A_905 : vector<16xf32>
        %add3A_929 = arith.addf %add3A_851, %mul3A_928 : vector<16xf32>
        scf.yield %add3A_882, %add3A_884, %add3A_885, %add3A_887, %add3A_924, %add3A_926, %add3A_927, %add3A_929 : vector<16xf32>, vector<16xf32>, vector<16xf32>, vector<16xf32>, vector<16xf32>, vector<16xf32>, vector<16xf32>, vector<16xf32>
      }
      %scan3A_109 = arith.constant 256 : i32
      %add3A_110 = arith.addf %scan3A_108#0, %scan3A_108#4 : vector<16xf32>
      %add3A_111 = arith.addf %scan3A_108#1, %scan3A_108#5 : vector<16xf32>
      %add3A_112 = arith.addf %scan3A_108#2, %scan3A_108#6 : vector<16xf32>
      %add3A_113 = arith.addf %scan3A_108#3, %scan3A_108#7 : vector<16xf32>
      %mul3A_114 = arith.constant 9.765625E-4 : f32
      %mul3A_115 = vector.broadcast %mul3A_114 : f32 to vector<16xf32>
      %mul3A_116 = arith.mulf %add3A_110, %mul3A_115 : vector<16xf32>
      %mul3A_117 = arith.constant 9.765625E-4 : f32
      %mul3A_118 = vector.broadcast %mul3A_117 : f32 to vector<16xf32>
      %mul3A_119 = arith.mulf %add3A_112, %mul3A_118 : vector<16xf32>
      %mul3A_120 = arith.constant 9.765625E-4 : f32
      %mul3A_121 = vector.broadcast %mul3A_120 : f32 to vector<16xf32>
      %mul3A_122 = arith.mulf %add3A_111, %mul3A_121 : vector<16xf32>
      %mul3A_123 = arith.mulf %mul3A_116, %mul3A_116 : vector<16xf32>
      %sub3A = arith.subf %mul3A_122, %mul3A_123 : vector<16xf32>
      %add3A_124 = arith.constant 9.99999974E-6 : f32
      %add3A_125 = vector.broadcast %add3A_124 : f32 to vector<16xf32>
      %add3A_126 = arith.addf %sub3A, %add3A_125 : vector<16xf32>
      %bitcast_convert_type3A = tpu.bitcast %add3A_126 : vector<16xf32> -> vector<16xi32>
      %shift_right_arithmetic3A = arith.constant 1 : i32
      %shift_right_arithmetic3A_127 = vector.broadcast %shift_right_arithmetic3A : i32 to vector<16xi32>
      %shift_right_arithmetic3A_128 = arith.shrsi %bitcast_convert_type3A, %shift_right_arithmetic3A_127 : vector<16xi32>
      %sub3A_129 = arith.constant 1597463007 : i32
      %sub3A_130 = vector.broadcast %sub3A_129 : i32 to vector<16xi32>
      %sub3A_131 = arith.subi %sub3A_130, %shift_right_arithmetic3A_128 : vector<16xi32>
      %bitcast_convert_type3A_132 = tpu.bitcast %sub3A_131 : vector<16xi32> -> vector<16xf32>
      %mul3A_133 = arith.constant 5.000000e-01 : f32
      %mul3A_134 = vector.broadcast %mul3A_133 : f32 to vector<16xf32>
      %mul3A_135 = arith.mulf %mul3A_134, %add3A_126 : vector<16xf32>
      %mul3A_136 = arith.mulf %mul3A_135, %bitcast_convert_type3A_132 : vector<16xf32>
      %mul3A_137 = arith.mulf %mul3A_136, %bitcast_convert_type3A_132 : vector<16xf32>
      %sub3A_138 = arith.constant 1.500000e+00 : f32
      %sub3A_139 = vector.broadcast %sub3A_138 : f32 to vector<16xf32>
      %sub3A_140 = arith.subf %sub3A_139, %mul3A_137 : vector<16xf32>
      %mul3A_141 = arith.mulf %bitcast_convert_type3A_132, %sub3A_140 : vector<16xf32>
      %mul3A_142 = arith.constant 5.000000e-01 : f32
      %mul3A_143 = vector.broadcast %mul3A_142 : f32 to vector<16xf32>
      %mul3A_144 = arith.mulf %mul3A_143, %add3A_126 : vector<16xf32>
      %mul3A_145 = arith.mulf %mul3A_144, %mul3A_141 : vector<16xf32>
      %mul3A_146 = arith.mulf %mul3A_145, %mul3A_141 : vector<16xf32>
      %sub3A_147 = arith.constant 1.500000e+00 : f32
      %sub3A_148 = vector.broadcast %sub3A_147 : f32 to vector<16xf32>
      %sub3A_149 = arith.subf %sub3A_148, %mul3A_146 : vector<16xf32>
      %mul3A_150 = arith.mulf %mul3A_141, %sub3A_149 : vector<16xf32>
      %mul3A_151 = arith.constant 5.000000e-01 : f32
      %mul3A_152 = vector.broadcast %mul3A_151 : f32 to vector<16xf32>
      %mul3A_153 = arith.mulf %mul3A_152, %add3A_126 : vector<16xf32>
      %mul3A_154 = arith.mulf %mul3A_153, %mul3A_150 : vector<16xf32>
      %mul3A_155 = arith.mulf %mul3A_154, %mul3A_150 : vector<16xf32>
      %sub3A_156 = arith.constant 1.500000e+00 : f32
      %sub3A_157 = vector.broadcast %sub3A_156 : f32 to vector<16xf32>
      %sub3A_158 = arith.subf %sub3A_157, %mul3A_155 : vector<16xf32>
      %mul3A_159 = arith.mulf %mul3A_150, %sub3A_158 : vector<16xf32>
      %mul3A_160 = arith.constant 9.765625E-4 : f32
      %mul3A_161 = vector.broadcast %mul3A_160 : f32 to vector<16xf32>
      %mul3A_162 = arith.mulf %add3A_113, %mul3A_161 : vector<16xf32>
      %mul3A_163 = arith.mulf %mul3A_119, %mul3A_119 : vector<16xf32>
      %sub3A_164 = arith.subf %mul3A_162, %mul3A_163 : vector<16xf32>
      %add3A_165 = arith.constant 9.99999974E-6 : f32
      %add3A_166 = vector.broadcast %add3A_165 : f32 to vector<16xf32>
      %add3A_167 = arith.addf %sub3A_164, %add3A_166 : vector<16xf32>
      %bitcast_convert_type3A_168 = tpu.bitcast %add3A_167 : vector<16xf32> -> vector<16xi32>
      %shift_right_arithmetic3A_169 = arith.constant 1 : i32
      %shift_right_arithmetic3A_170 = vector.broadcast %shift_right_arithmetic3A_169 : i32 to vector<16xi32>
      %shift_right_arithmetic3A_171 = arith.shrsi %bitcast_convert_type3A_168, %shift_right_arithmetic3A_170 : vector<16xi32>
      %sub3A_172 = arith.constant 1597463007 : i32
      %sub3A_173 = vector.broadcast %sub3A_172 : i32 to vector<16xi32>
      %sub3A_174 = arith.subi %sub3A_173, %shift_right_arithmetic3A_171 : vector<16xi32>
      %bitcast_convert_type3A_175 = tpu.bitcast %sub3A_174 : vector<16xi32> -> vector<16xf32>
      %mul3A_176 = arith.constant 5.000000e-01 : f32
      %mul3A_177 = vector.broadcast %mul3A_176 : f32 to vector<16xf32>
      %mul3A_178 = arith.mulf %mul3A_177, %add3A_167 : vector<16xf32>
      %mul3A_179 = arith.mulf %mul3A_178, %bitcast_convert_type3A_175 : vector<16xf32>
      %mul3A_180 = arith.mulf %mul3A_179, %bitcast_convert_type3A_175 : vector<16xf32>
      %sub3A_181 = arith.constant 1.500000e+00 : f32
      %sub3A_182 = vector.broadcast %sub3A_181 : f32 to vector<16xf32>
      %sub3A_183 = arith.subf %sub3A_182, %mul3A_180 : vector<16xf32>
      %mul3A_184 = arith.mulf %bitcast_convert_type3A_175, %sub3A_183 : vector<16xf32>
      %mul3A_185 = arith.constant 5.000000e-01 : f32
      %mul3A_186 = vector.broadcast %mul3A_185 : f32 to vector<16xf32>
      %mul3A_187 = arith.mulf %mul3A_186, %add3A_167 : vector<16xf32>
      %mul3A_188 = arith.mulf %mul3A_187, %mul3A_184 : vector<16xf32>
      %mul3A_189 = arith.mulf %mul3A_188, %mul3A_184 : vector<16xf32>
      %sub3A_190 = arith.constant 1.500000e+00 : f32
      %sub3A_191 = vector.broadcast %sub3A_190 : f32 to vector<16xf32>
      %sub3A_192 = arith.subf %sub3A_191, %mul3A_189 : vector<16xf32>
      %mul3A_193 = arith.mulf %mul3A_184, %sub3A_192 : vector<16xf32>
      %mul3A_194 = arith.constant 5.000000e-01 : f32
      %mul3A_195 = vector.broadcast %mul3A_194 : f32 to vector<16xf32>
      %mul3A_196 = arith.mulf %mul3A_195, %add3A_167 : vector<16xf32>
      %mul3A_197 = arith.mulf %mul3A_196, %mul3A_193 : vector<16xf32>
      %mul3A_198 = arith.mulf %mul3A_197, %mul3A_193 : vector<16xf32>
      %sub3A_199 = arith.constant 1.500000e+00 : f32
      %sub3A_200 = vector.broadcast %sub3A_199 : f32 to vector<16xf32>
      %sub3A_201 = arith.subf %sub3A_200, %mul3A_198 : vector<16xf32>
      %mul3A_202 = arith.mulf %mul3A_193, %sub3A_201 : vector<16xf32>
      %neg3A = arith.constant 0.000000e+00 : f32
      %neg3A_203 = vector.broadcast %neg3A : f32 to vector<16xf32>
      %neg3A_204 = arith.subf %neg3A_203, %mul3A_116 : vector<16xf32>
      %mul3A_205 = arith.mulf %neg3A_204, %mul3A_159 : vector<16xf32>
      %neg3A_206 = arith.constant 0.000000e+00 : f32
      %neg3A_207 = vector.broadcast %neg3A_206 : f32 to vector<16xf32>
      %neg3A_208 = arith.subf %neg3A_207, %mul3A_119 : vector<16xf32>
      %mul3A_209 = arith.mulf %neg3A_208, %mul3A_202 : vector<16xf32>
      %gt3A = arith.constant 0 : i32
      %gt3A_210 = arith.cmpi sgt, %mul3A_26, %gt3A : i32
      %convert_element_type3A_211 = arith.extui %gt3A_210 : i1 to i32
      %cond3A_212 = arith.constant 0 : i32
      %cond3A_213 = arith.cmpi ne, %convert_element_type3A_211, %cond3A_212 : i32
      scf.if %cond3A_213 {
        %sub3A_765 = arith.constant 1 : i32
        %sub3A_766 = arith.subi %mul3A_26, %sub3A_765 : i32
        %mul3A_767 = arith.constant 32 : i32
        %mul3A_768 = arith.muli %mul3A_767, %sub3A_766 : i32
        %add3A_769 = arith.addi %add3A, %mul3A_768 : i32
        %mul3A_770 = arith.constant 16 : i32
        %mul3A_771 = arith.muli %add3A_769, %mul3A_770 : i32
        %dma_wait3A_772 = arith.constant 0 : i32
        %dma_wait3A_773 = tpu.memref_slice %arg4[%dma_wait3A_772, %mul3A_771] : memref<1024x6144xf32, #tpu.memory_space<hbm>> -> memref<1024x16xf32, #tpu.memory_space<hbm>>
        %dma_wait3A_774 = arith.constant 0 : i32
        %dma_wait3A_775 = tpu.memref_slice %arg4[%dma_wait3A_774, %mul3A_771] : memref<1024x6144xf32, #tpu.memory_space<hbm>> -> memref<1024x16xf32, #tpu.memory_space<hbm>>
        tpu.wait_dma2 semaphore(%arg17 : memref<!tpu.dma_semaphore, #tpu.memory_space<semaphore_mem>>) src(%arg12 : memref<1024x16xf32, #tpu.memory_space<vmem>>) dst(%dma_wait3A_775 : memref<1024x16xf32, #tpu.memory_space<hbm>>)
      } else {
      }
      %scan3A_214 = arith.constant 0 : i32
      %scan3A_215 = arith.constant 256 : i32
      %scan3A_216 = arith.addi %scan3A_214, %scan3A_215 : i32
      %scan3A_217 = arith.constant 1 : i32
      %scan3A_218:8 = scf.for %scan3A_765 = %scan3A_214 to %scan3A_216 step %scan3A_217 iter_args(%scan3A_766 = %broadcast_in_dim3A_103, %scan3A_767 = %broadcast_in_dim3A_103, %scan3A_768 = %broadcast_in_dim3A_103, %scan3A_769 = %broadcast_in_dim3A_103, %scan3A_770 = %broadcast_in_dim3A_103, %scan3A_771 = %broadcast_in_dim3A_103, %scan3A_772 = %broadcast_in_dim3A_103, %scan3A_773 = %broadcast_in_dim3A_103) -> (vector<16xf32>, vector<16xf32>, vector<16xf32>, vector<16xf32>, vector<16xf32>, vector<16xf32>, vector<16xf32>, vector<16xf32>)  : i32 {
        %mul3A_774 = arith.constant 4 : i32
        %mul3A_775 = arith.muli %scan3A_765, %mul3A_774 : i32
        %add3A_776 = arith.constant 0 : i32
        %add3A_777 = arith.addi %mul3A_775, %add3A_776 : i32
        %get3A_778 = arith.index_cast %add3A_777 : i32 to index
        %get3A_779 = arith.constant 0 : index
        %get3A_780 = tpu.vector_load %arg9[%get3A_778, %get3A_779] {strides = array<i32>} : memref<1024x16xf32, #tpu.memory_space<vmem>>, vector<1x16xf32>,
        %get3A_781 = vector.shape_cast %get3A_780 : vector<1x16xf32> to vector<16xf32>
        %mul3A_782 = arith.mulf %get3A_781, %mul3A_159 : vector<16xf32>
        %add3A_783 = arith.addf %mul3A_782, %mul3A_205 : vector<16xf32>
        %add3A_784 = arith.constant 0 : i32
        %add3A_785 = arith.addi %mul3A_775, %add3A_784 : i32
        %get3A_786 = arith.index_cast %add3A_785 : i32 to index
        %get3A_787 = arith.constant 0 : index
        %get3A_788 = tpu.vector_load %arg10[%get3A_786, %get3A_787] {strides = array<i32>} : memref<1024x16xf32, #tpu.memory_space<vmem>>, vector<1x16xf32>,
        %get3A_789 = vector.shape_cast %get3A_788 : vector<1x16xf32> to vector<16xf32>
        %mul3A_790 = arith.mulf %get3A_789, %mul3A_202 : vector<16xf32>
        %add3A_791 = arith.addf %mul3A_790, %mul3A_209 : vector<16xf32>
        %mul3A_792 = arith.mulf %add3A_783, %get3A_67 : vector<16xf32>
        %mul3A_793 = arith.mulf %add3A_791, %get3A_72 : vector<16xf32>
        %add3A_794 = arith.addf %mul3A_792, %mul3A_793 : vector<16xf32>
        %add3A_795 = arith.addf %add3A_794, %get3A_87 : vector<16xf32>
        %max3A = arith.constant 0.000000e+00 : f32
        %max3A_796 = vector.broadcast %max3A : f32 to vector<16xf32>
        %max3A_797 = arith.maximumf %add3A_795, %max3A_796 : vector<16xf32>
        %mul3A_798 = arith.mulf %add3A_783, %get3A_77 : vector<16xf32>
        %mul3A_799 = arith.mulf %add3A_791, %get3A_82 : vector<16xf32>
        %add3A_800 = arith.addf %mul3A_798, %mul3A_799 : vector<16xf32>
        %add3A_801 = arith.addf %add3A_800, %get3A_92 : vector<16xf32>
        %max3A_802 = arith.constant 0.000000e+00 : f32
        %max3A_803 = vector.broadcast %max3A_802 : f32 to vector<16xf32>
        %max3A_804 = arith.maximumf %add3A_801, %max3A_803 : vector<16xf32>
        %add3A_805 = arith.constant 0 : i32
        %add3A_806 = arith.addi %mul3A_775, %add3A_805 : i32
        %swap3A = arith.index_cast %add3A_806 : i32 to index
        %swap3A_807 = arith.constant 0 : index
        %swap3A_808 = tpu.vector_load %arg11[%swap3A, %swap3A_807] {strides = array<i32>} : memref<1024x16xf32, #tpu.memory_space<vmem>>, vector<1x16xf32>,
        %swap3A_809 = vector.shape_cast %swap3A_808 : vector<1x16xf32> to vector<16xf32>
        %swap3A_810 = vector.shape_cast %max3A_797 : vector<16xf32> to vector<1x16xf32>
        tpu.vector_store %arg11[%swap3A, %swap3A_807], %swap3A_810 {strides = array<i32>} : memref<1024x16xf32, #tpu.memory_space<vmem>>, vector<1x16xf32>,
        %add3A_811 = arith.constant 0 : i32
        %add3A_812 = arith.addi %mul3A_775, %add3A_811 : i32
        %swap3A_813 = arith.index_cast %add3A_812 : i32 to index
        %swap3A_814 = arith.constant 0 : index
        %swap3A_815 = tpu.vector_load %arg12[%swap3A_813, %swap3A_814] {strides = array<i32>} : memref<1024x16xf32, #tpu.memory_space<vmem>>, vector<1x16xf32>,
        %swap3A_816 = vector.shape_cast %swap3A_815 : vector<1x16xf32> to vector<16xf32>
        %swap3A_817 = vector.shape_cast %max3A_804 : vector<16xf32> to vector<1x16xf32>
        tpu.vector_store %arg12[%swap3A_813, %swap3A_814], %swap3A_817 {strides = array<i32>} : memref<1024x16xf32, #tpu.memory_space<vmem>>, vector<1x16xf32>,
        %add3A_818 = arith.addf %scan3A_766, %max3A_797 : vector<16xf32>
        %mul3A_819 = arith.mulf %max3A_797, %max3A_797 : vector<16xf32>
        %add3A_820 = arith.addf %scan3A_767, %mul3A_819 : vector<16xf32>
        %add3A_821 = arith.addf %scan3A_768, %max3A_804 : vector<16xf32>
        %mul3A_822 = arith.mulf %max3A_804, %max3A_804 : vector<16xf32>
        %add3A_823 = arith.addf %scan3A_769, %mul3A_822 : vector<16xf32>
        %add3A_824 = arith.constant 0 : i32
        %add3A_825 = arith.addi %mul3A_775, %add3A_824 : i32
        %add3A_826 = arith.constant 1 : i32
        %add3A_827 = arith.addi %add3A_825, %add3A_826 : i32
        %get3A_828 = arith.index_cast %add3A_827 : i32 to index
        %get3A_829 = arith.constant 0 : index
        %get3A_830 = tpu.vector_load %arg9[%get3A_828, %get3A_829] {strides = array<i32>} : memref<1024x16xf32, #tpu.memory_space<vmem>>, vector<1x16xf32>,
        %get3A_831 = vector.shape_cast %get3A_830 : vector<1x16xf32> to vector<16xf32>
        %mul3A_832 = arith.mulf %get3A_831, %mul3A_159 : vector<16xf32>
        %add3A_833 = arith.addf %mul3A_832, %mul3A_205 : vector<16xf32>
        %add3A_834 = arith.constant 0 : i32
        %add3A_835 = arith.addi %mul3A_775, %add3A_834 : i32
        %add3A_836 = arith.constant 1 : i32
        %add3A_837 = arith.addi %add3A_835, %add3A_836 : i32
        %get3A_838 = arith.index_cast %add3A_837 : i32 to index
        %get3A_839 = arith.constant 0 : index
        %get3A_840 = tpu.vector_load %arg10[%get3A_838, %get3A_839] {strides = array<i32>} : memref<1024x16xf32, #tpu.memory_space<vmem>>, vector<1x16xf32>,
        %get3A_841 = vector.shape_cast %get3A_840 : vector<1x16xf32> to vector<16xf32>
        %mul3A_842 = arith.mulf %get3A_841, %mul3A_202 : vector<16xf32>
        %add3A_843 = arith.addf %mul3A_842, %mul3A_209 : vector<16xf32>
        %mul3A_844 = arith.mulf %add3A_833, %get3A_67 : vector<16xf32>
        %mul3A_845 = arith.mulf %add3A_843, %get3A_72 : vector<16xf32>
        %add3A_846 = arith.addf %mul3A_844, %mul3A_845 : vector<16xf32>
        %add3A_847 = arith.addf %add3A_846, %get3A_87 : vector<16xf32>
        %max3A_848 = arith.constant 0.000000e+00 : f32
        %max3A_849 = vector.broadcast %max3A_848 : f32 to vector<16xf32>
        %max3A_850 = arith.maximumf %add3A_847, %max3A_849 : vector<16xf32>
        %mul3A_851 = arith.mulf %add3A_833, %get3A_77 : vector<16xf32>
        %mul3A_852 = arith.mulf %add3A_843, %get3A_82 : vector<16xf32>
        %add3A_853 = arith.addf %mul3A_851, %mul3A_852 : vector<16xf32>
        %add3A_854 = arith.addf %add3A_853, %get3A_92 : vector<16xf32>
        %max3A_855 = arith.constant 0.000000e+00 : f32
        %max3A_856 = vector.broadcast %max3A_855 : f32 to vector<16xf32>
        %max3A_857 = arith.maximumf %add3A_854, %max3A_856 : vector<16xf32>
        %add3A_858 = arith.constant 0 : i32
        %add3A_859 = arith.addi %mul3A_775, %add3A_858 : i32
        %add3A_860 = arith.constant 1 : i32
        %add3A_861 = arith.addi %add3A_859, %add3A_860 : i32
        %swap3A_862 = arith.index_cast %add3A_861 : i32 to index
        %swap3A_863 = arith.constant 0 : index
        %swap3A_864 = tpu.vector_load %arg11[%swap3A_862, %swap3A_863] {strides = array<i32>} : memref<1024x16xf32, #tpu.memory_space<vmem>>, vector<1x16xf32>,
        %swap3A_865 = vector.shape_cast %swap3A_864 : vector<1x16xf32> to vector<16xf32>
        %swap3A_866 = vector.shape_cast %max3A_850 : vector<16xf32> to vector<1x16xf32>
        tpu.vector_store %arg11[%swap3A_862, %swap3A_863], %swap3A_866 {strides = array<i32>} : memref<1024x16xf32, #tpu.memory_space<vmem>>, vector<1x16xf32>,
        %add3A_867 = arith.constant 0 : i32
        %add3A_868 = arith.addi %mul3A_775, %add3A_867 : i32
        %add3A_869 = arith.constant 1 : i32
        %add3A_870 = arith.addi %add3A_868, %add3A_869 : i32
        %swap3A_871 = arith.index_cast %add3A_870 : i32 to index
        %swap3A_872 = arith.constant 0 : index
        %swap3A_873 = tpu.vector_load %arg12[%swap3A_871, %swap3A_872] {strides = array<i32>} : memref<1024x16xf32, #tpu.memory_space<vmem>>, vector<1x16xf32>,
        %swap3A_874 = vector.shape_cast %swap3A_873 : vector<1x16xf32> to vector<16xf32>
        %swap3A_875 = vector.shape_cast %max3A_857 : vector<16xf32> to vector<1x16xf32>
        tpu.vector_store %arg12[%swap3A_871, %swap3A_872], %swap3A_875 {strides = array<i32>} : memref<1024x16xf32, #tpu.memory_space<vmem>>, vector<1x16xf32>,
        %add3A_876 = arith.addf %scan3A_770, %max3A_850 : vector<16xf32>
        %mul3A_877 = arith.mulf %max3A_850, %max3A_850 : vector<16xf32>
        %add3A_878 = arith.addf %scan3A_771, %mul3A_877 : vector<16xf32>
        %add3A_879 = arith.addf %scan3A_772, %max3A_857 : vector<16xf32>
        %mul3A_880 = arith.mulf %max3A_857, %max3A_857 : vector<16xf32>
        %add3A_881 = arith.addf %scan3A_773, %mul3A_880 : vector<16xf32>
        %add3A_882 = arith.constant 2 : i32
        %add3A_883 = arith.addi %mul3A_775, %add3A_882 : i32
        %get3A_884 = arith.index_cast %add3A_883 : i32 to index
        %get3A_885 = arith.constant 0 : index
        %get3A_886 = tpu.vector_load %arg9[%get3A_884, %get3A_885] {strides = array<i32>} : memref<1024x16xf32, #tpu.memory_space<vmem>>, vector<1x16xf32>,
        %get3A_887 = vector.shape_cast %get3A_886 : vector<1x16xf32> to vector<16xf32>
        %mul3A_888 = arith.mulf %get3A_887, %mul3A_159 : vector<16xf32>
        %add3A_889 = arith.addf %mul3A_888, %mul3A_205 : vector<16xf32>
        %add3A_890 = arith.constant 2 : i32
        %add3A_891 = arith.addi %mul3A_775, %add3A_890 : i32
        %get3A_892 = arith.index_cast %add3A_891 : i32 to index
        %get3A_893 = arith.constant 0 : index
        %get3A_894 = tpu.vector_load %arg10[%get3A_892, %get3A_893] {strides = array<i32>} : memref<1024x16xf32, #tpu.memory_space<vmem>>, vector<1x16xf32>,
        %get3A_895 = vector.shape_cast %get3A_894 : vector<1x16xf32> to vector<16xf32>
        %mul3A_896 = arith.mulf %get3A_895, %mul3A_202 : vector<16xf32>
        %add3A_897 = arith.addf %mul3A_896, %mul3A_209 : vector<16xf32>
        %mul3A_898 = arith.mulf %add3A_889, %get3A_67 : vector<16xf32>
        %mul3A_899 = arith.mulf %add3A_897, %get3A_72 : vector<16xf32>
        %add3A_900 = arith.addf %mul3A_898, %mul3A_899 : vector<16xf32>
        %add3A_901 = arith.addf %add3A_900, %get3A_87 : vector<16xf32>
        %max3A_902 = arith.constant 0.000000e+00 : f32
        %max3A_903 = vector.broadcast %max3A_902 : f32 to vector<16xf32>
        %max3A_904 = arith.maximumf %add3A_901, %max3A_903 : vector<16xf32>
        %mul3A_905 = arith.mulf %add3A_889, %get3A_77 : vector<16xf32>
        %mul3A_906 = arith.mulf %add3A_897, %get3A_82 : vector<16xf32>
        %add3A_907 = arith.addf %mul3A_905, %mul3A_906 : vector<16xf32>
        %add3A_908 = arith.addf %add3A_907, %get3A_92 : vector<16xf32>
        %max3A_909 = arith.constant 0.000000e+00 : f32
        %max3A_910 = vector.broadcast %max3A_909 : f32 to vector<16xf32>
        %max3A_911 = arith.maximumf %add3A_908, %max3A_910 : vector<16xf32>
        %add3A_912 = arith.constant 2 : i32
        %add3A_913 = arith.addi %mul3A_775, %add3A_912 : i32
        %swap3A_914 = arith.index_cast %add3A_913 : i32 to index
        %swap3A_915 = arith.constant 0 : index
        %swap3A_916 = tpu.vector_load %arg11[%swap3A_914, %swap3A_915] {strides = array<i32>} : memref<1024x16xf32, #tpu.memory_space<vmem>>, vector<1x16xf32>,
        %swap3A_917 = vector.shape_cast %swap3A_916 : vector<1x16xf32> to vector<16xf32>
        %swap3A_918 = vector.shape_cast %max3A_904 : vector<16xf32> to vector<1x16xf32>
        tpu.vector_store %arg11[%swap3A_914, %swap3A_915], %swap3A_918 {strides = array<i32>} : memref<1024x16xf32, #tpu.memory_space<vmem>>, vector<1x16xf32>,
        %add3A_919 = arith.constant 2 : i32
        %add3A_920 = arith.addi %mul3A_775, %add3A_919 : i32
        %swap3A_921 = arith.index_cast %add3A_920 : i32 to index
        %swap3A_922 = arith.constant 0 : index
        %swap3A_923 = tpu.vector_load %arg12[%swap3A_921, %swap3A_922] {strides = array<i32>} : memref<1024x16xf32, #tpu.memory_space<vmem>>, vector<1x16xf32>,
        %swap3A_924 = vector.shape_cast %swap3A_923 : vector<1x16xf32> to vector<16xf32>
        %swap3A_925 = vector.shape_cast %max3A_911 : vector<16xf32> to vector<1x16xf32>
        tpu.vector_store %arg12[%swap3A_921, %swap3A_922], %swap3A_925 {strides = array<i32>} : memref<1024x16xf32, #tpu.memory_space<vmem>>, vector<1x16xf32>,
        %add3A_926 = arith.addf %add3A_818, %max3A_904 : vector<16xf32>
        %mul3A_927 = arith.mulf %max3A_904, %max3A_904 : vector<16xf32>
        %add3A_928 = arith.addf %add3A_820, %mul3A_927 : vector<16xf32>
        %add3A_929 = arith.addf %add3A_821, %max3A_911 : vector<16xf32>
        %mul3A_930 = arith.mulf %max3A_911, %max3A_911 : vector<16xf32>
        %add3A_931 = arith.addf %add3A_823, %mul3A_930 : vector<16xf32>
        %add3A_932 = arith.constant 2 : i32
        %add3A_933 = arith.addi %mul3A_775, %add3A_932 : i32
        %add3A_934 = arith.constant 1 : i32
        %add3A_935 = arith.addi %add3A_933, %add3A_934 : i32
        %get3A_936 = arith.index_cast %add3A_935 : i32 to index
        %get3A_937 = arith.constant 0 : index
        %get3A_938 = tpu.vector_load %arg9[%get3A_936, %get3A_937] {strides = array<i32>} : memref<1024x16xf32, #tpu.memory_space<vmem>>, vector<1x16xf32>,
        %get3A_939 = vector.shape_cast %get3A_938 : vector<1x16xf32> to vector<16xf32>
        %mul3A_940 = arith.mulf %get3A_939, %mul3A_159 : vector<16xf32>
        %add3A_941 = arith.addf %mul3A_940, %mul3A_205 : vector<16xf32>
        %add3A_942 = arith.constant 2 : i32
        %add3A_943 = arith.addi %mul3A_775, %add3A_942 : i32
        %add3A_944 = arith.constant 1 : i32
        %add3A_945 = arith.addi %add3A_943, %add3A_944 : i32
        %get3A_946 = arith.index_cast %add3A_945 : i32 to index
        %get3A_947 = arith.constant 0 : index
        %get3A_948 = tpu.vector_load %arg10[%get3A_946, %get3A_947] {strides = array<i32>} : memref<1024x16xf32, #tpu.memory_space<vmem>>, vector<1x16xf32>,
        %get3A_949 = vector.shape_cast %get3A_948 : vector<1x16xf32> to vector<16xf32>
        %mul3A_950 = arith.mulf %get3A_949, %mul3A_202 : vector<16xf32>
        %add3A_951 = arith.addf %mul3A_950, %mul3A_209 : vector<16xf32>
        %mul3A_952 = arith.mulf %add3A_941, %get3A_67 : vector<16xf32>
        %mul3A_953 = arith.mulf %add3A_951, %get3A_72 : vector<16xf32>
        %add3A_954 = arith.addf %mul3A_952, %mul3A_953 : vector<16xf32>
        %add3A_955 = arith.addf %add3A_954, %get3A_87 : vector<16xf32>
        %max3A_956 = arith.constant 0.000000e+00 : f32
        %max3A_957 = vector.broadcast %max3A_956 : f32 to vector<16xf32>
        %max3A_958 = arith.maximumf %add3A_955, %max3A_957 : vector<16xf32>
        %mul3A_959 = arith.mulf %add3A_941, %get3A_77 : vector<16xf32>
        %mul3A_960 = arith.mulf %add3A_951, %get3A_82 : vector<16xf32>
        %add3A_961 = arith.addf %mul3A_959, %mul3A_960 : vector<16xf32>
        %add3A_962 = arith.addf %add3A_961, %get3A_92 : vector<16xf32>
        %max3A_963 = arith.constant 0.000000e+00 : f32
        %max3A_964 = vector.broadcast %max3A_963 : f32 to vector<16xf32>
        %max3A_965 = arith.maximumf %add3A_962, %max3A_964 : vector<16xf32>
        %add3A_966 = arith.constant 2 : i32
        %add3A_967 = arith.addi %mul3A_775, %add3A_966 : i32
        %add3A_968 = arith.constant 1 : i32
        %add3A_969 = arith.addi %add3A_967, %add3A_968 : i32
        %swap3A_970 = arith.index_cast %add3A_969 : i32 to index
        %swap3A_971 = arith.constant 0 : index
        %swap3A_972 = tpu.vector_load %arg11[%swap3A_970, %swap3A_971] {strides = array<i32>} : memref<1024x16xf32, #tpu.memory_space<vmem>>, vector<1x16xf32>,
        %swap3A_973 = vector.shape_cast %swap3A_972 : vector<1x16xf32> to vector<16xf32>
        %swap3A_974 = vector.shape_cast %max3A_958 : vector<16xf32> to vector<1x16xf32>
        tpu.vector_store %arg11[%swap3A_970, %swap3A_971], %swap3A_974 {strides = array<i32>} : memref<1024x16xf32, #tpu.memory_space<vmem>>, vector<1x16xf32>,
        %add3A_975 = arith.constant 2 : i32
        %add3A_976 = arith.addi %mul3A_775, %add3A_975 : i32
        %add3A_977 = arith.constant 1 : i32
        %add3A_978 = arith.addi %add3A_976, %add3A_977 : i32
        %swap3A_979 = arith.index_cast %add3A_978 : i32 to index
        %swap3A_980 = arith.constant 0 : index
        %swap3A_981 = tpu.vector_load %arg12[%swap3A_979, %swap3A_980] {strides = array<i32>} : memref<1024x16xf32, #tpu.memory_space<vmem>>, vector<1x16xf32>,
        %swap3A_982 = vector.shape_cast %swap3A_981 : vector<1x16xf32> to vector<16xf32>
        %swap3A_983 = vector.shape_cast %max3A_965 : vector<16xf32> to vector<1x16xf32>
        tpu.vector_store %arg12[%swap3A_979, %swap3A_980], %swap3A_983 {strides = array<i32>} : memref<1024x16xf32, #tpu.memory_space<vmem>>, vector<1x16xf32>,
        %add3A_984 = arith.addf %add3A_876, %max3A_958 : vector<16xf32>
        %mul3A_985 = arith.mulf %max3A_958, %max3A_958 : vector<16xf32>
        %add3A_986 = arith.addf %add3A_878, %mul3A_985 : vector<16xf32>
        %add3A_987 = arith.addf %add3A_879, %max3A_965 : vector<16xf32>
        %mul3A_988 = arith.mulf %max3A_965, %max3A_965 : vector<16xf32>
        %add3A_989 = arith.addf %add3A_881, %mul3A_988 : vector<16xf32>
        scf.yield %add3A_926, %add3A_928, %add3A_929, %add3A_931, %add3A_984, %add3A_986, %add3A_987, %add3A_989 : vector<16xf32>, vector<16xf32>, vector<16xf32>, vector<16xf32>, vector<16xf32>, vector<16xf32>, vector<16xf32>, vector<16xf32>
      }
      %scan3A_219 = arith.constant 256 : i32
      %add3A_220 = arith.addf %scan3A_218#0, %scan3A_218#4 : vector<16xf32>
      %add3A_221 = arith.addf %scan3A_218#1, %scan3A_218#5 : vector<16xf32>
      %add3A_222 = arith.addf %scan3A_218#2, %scan3A_218#6 : vector<16xf32>
      %add3A_223 = arith.addf %scan3A_218#3, %scan3A_218#7 : vector<16xf32>
      %mul3A_224 = arith.constant 9.765625E-4 : f32
      %mul3A_225 = vector.broadcast %mul3A_224 : f32 to vector<16xf32>
      %mul3A_226 = arith.mulf %add3A_220, %mul3A_225 : vector<16xf32>
      %mul3A_227 = arith.constant 9.765625E-4 : f32
      %mul3A_228 = vector.broadcast %mul3A_227 : f32 to vector<16xf32>
      %mul3A_229 = arith.mulf %add3A_222, %mul3A_228 : vector<16xf32>
      %mul3A_230 = arith.constant 9.765625E-4 : f32
      %mul3A_231 = vector.broadcast %mul3A_230 : f32 to vector<16xf32>
      %mul3A_232 = arith.mulf %add3A_221, %mul3A_231 : vector<16xf32>
      %mul3A_233 = arith.mulf %mul3A_226, %mul3A_226 : vector<16xf32>
      %sub3A_234 = arith.subf %mul3A_232, %mul3A_233 : vector<16xf32>
      %add3A_235 = arith.constant 9.99999974E-6 : f32
      %add3A_236 = vector.broadcast %add3A_235 : f32 to vector<16xf32>
      %add3A_237 = arith.addf %sub3A_234, %add3A_236 : vector<16xf32>
      %bitcast_convert_type3A_238 = tpu.bitcast %add3A_237 : vector<16xf32> -> vector<16xi32>
      %shift_right_arithmetic3A_239 = arith.constant 1 : i32
      %shift_right_arithmetic3A_240 = vector.broadcast %shift_right_arithmetic3A_239 : i32 to vector<16xi32>
      %shift_right_arithmetic3A_241 = arith.shrsi %bitcast_convert_type3A_238, %shift_right_arithmetic3A_240 : vector<16xi32>
      %sub3A_242 = arith.constant 1597463007 : i32
      %sub3A_243 = vector.broadcast %sub3A_242 : i32 to vector<16xi32>
      %sub3A_244 = arith.subi %sub3A_243, %shift_right_arithmetic3A_241 : vector<16xi32>
      %bitcast_convert_type3A_245 = tpu.bitcast %sub3A_244 : vector<16xi32> -> vector<16xf32>
      %mul3A_246 = arith.constant 5.000000e-01 : f32
      %mul3A_247 = vector.broadcast %mul3A_246 : f32 to vector<16xf32>
      %mul3A_248 = arith.mulf %mul3A_247, %add3A_237 : vector<16xf32>
      %mul3A_249 = arith.mulf %mul3A_248, %bitcast_convert_type3A_245 : vector<16xf32>
      %mul3A_250 = arith.mulf %mul3A_249, %bitcast_convert_type3A_245 : vector<16xf32>
      %sub3A_251 = arith.constant 1.500000e+00 : f32
      %sub3A_252 = vector.broadcast %sub3A_251 : f32 to vector<16xf32>
      %sub3A_253 = arith.subf %sub3A_252, %mul3A_250 : vector<16xf32>
      %mul3A_254 = arith.mulf %bitcast_convert_type3A_245, %sub3A_253 : vector<16xf32>
      %mul3A_255 = arith.constant 5.000000e-01 : f32
      %mul3A_256 = vector.broadcast %mul3A_255 : f32 to vector<16xf32>
      %mul3A_257 = arith.mulf %mul3A_256, %add3A_237 : vector<16xf32>
      %mul3A_258 = arith.mulf %mul3A_257, %mul3A_254 : vector<16xf32>
      %mul3A_259 = arith.mulf %mul3A_258, %mul3A_254 : vector<16xf32>
      %sub3A_260 = arith.constant 1.500000e+00 : f32
      %sub3A_261 = vector.broadcast %sub3A_260 : f32 to vector<16xf32>
      %sub3A_262 = arith.subf %sub3A_261, %mul3A_259 : vector<16xf32>
      %mul3A_263 = arith.mulf %mul3A_254, %sub3A_262 : vector<16xf32>
      %mul3A_264 = arith.constant 5.000000e-01 : f32
      %mul3A_265 = vector.broadcast %mul3A_264 : f32 to vector<16xf32>
      %mul3A_266 = arith.mulf %mul3A_265, %add3A_237 : vector<16xf32>
      %mul3A_267 = arith.mulf %mul3A_266, %mul3A_263 : vector<16xf32>
      %mul3A_268 = arith.mulf %mul3A_267, %mul3A_263 : vector<16xf32>
      %sub3A_269 = arith.constant 1.500000e+00 : f32
      %sub3A_270 = vector.broadcast %sub3A_269 : f32 to vector<16xf32>
      %sub3A_271 = arith.subf %sub3A_270, %mul3A_268 : vector<16xf32>
      %mul3A_272 = arith.mulf %mul3A_263, %sub3A_271 : vector<16xf32>
      %mul3A_273 = arith.constant 9.765625E-4 : f32
      %mul3A_274 = vector.broadcast %mul3A_273 : f32 to vector<16xf32>
      %mul3A_275 = arith.mulf %add3A_223, %mul3A_274 : vector<16xf32>
      %mul3A_276 = arith.mulf %mul3A_229, %mul3A_229 : vector<16xf32>
      %sub3A_277 = arith.subf %mul3A_275, %mul3A_276 : vector<16xf32>
      %add3A_278 = arith.constant 9.99999974E-6 : f32
      %add3A_279 = vector.broadcast %add3A_278 : f32 to vector<16xf32>
      %add3A_280 = arith.addf %sub3A_277, %add3A_279 : vector<16xf32>
      %bitcast_convert_type3A_281 = tpu.bitcast %add3A_280 : vector<16xf32> -> vector<16xi32>
      %shift_right_arithmetic3A_282 = arith.constant 1 : i32
      %shift_right_arithmetic3A_283 = vector.broadcast %shift_right_arithmetic3A_282 : i32 to vector<16xi32>
      %shift_right_arithmetic3A_284 = arith.shrsi %bitcast_convert_type3A_281, %shift_right_arithmetic3A_283 : vector<16xi32>
      %sub3A_285 = arith.constant 1597463007 : i32
      %sub3A_286 = vector.broadcast %sub3A_285 : i32 to vector<16xi32>
      %sub3A_287 = arith.subi %sub3A_286, %shift_right_arithmetic3A_284 : vector<16xi32>
      %bitcast_convert_type3A_288 = tpu.bitcast %sub3A_287 : vector<16xi32> -> vector<16xf32>
      %mul3A_289 = arith.constant 5.000000e-01 : f32
      %mul3A_290 = vector.broadcast %mul3A_289 : f32 to vector<16xf32>
      %mul3A_291 = arith.mulf %mul3A_290, %add3A_280 : vector<16xf32>
      %mul3A_292 = arith.mulf %mul3A_291, %bitcast_convert_type3A_288 : vector<16xf32>
      %mul3A_293 = arith.mulf %mul3A_292, %bitcast_convert_type3A_288 : vector<16xf32>
      %sub3A_294 = arith.constant 1.500000e+00 : f32
      %sub3A_295 = vector.broadcast %sub3A_294 : f32 to vector<16xf32>
      %sub3A_296 = arith.subf %sub3A_295, %mul3A_293 : vector<16xf32>
      %mul3A_297 = arith.mulf %bitcast_convert_type3A_288, %sub3A_296 : vector<16xf32>
      %mul3A_298 = arith.constant 5.000000e-01 : f32
      %mul3A_299 = vector.broadcast %mul3A_298 : f32 to vector<16xf32>
      %mul3A_300 = arith.mulf %mul3A_299, %add3A_280 : vector<16xf32>
      %mul3A_301 = arith.mulf %mul3A_300, %mul3A_297 : vector<16xf32>
      %mul3A_302 = arith.mulf %mul3A_301, %mul3A_297 : vector<16xf32>
      %sub3A_303 = arith.constant 1.500000e+00 : f32
      %sub3A_304 = vector.broadcast %sub3A_303 : f32 to vector<16xf32>
      %sub3A_305 = arith.subf %sub3A_304, %mul3A_302 : vector<16xf32>
      %mul3A_306 = arith.mulf %mul3A_297, %sub3A_305 : vector<16xf32>
      %mul3A_307 = arith.constant 5.000000e-01 : f32
      %mul3A_308 = vector.broadcast %mul3A_307 : f32 to vector<16xf32>
      %mul3A_309 = arith.mulf %mul3A_308, %add3A_280 : vector<16xf32>
      %mul3A_310 = arith.mulf %mul3A_309, %mul3A_306 : vector<16xf32>
      %mul3A_311 = arith.mulf %mul3A_310, %mul3A_306 : vector<16xf32>
      %sub3A_312 = arith.constant 1.500000e+00 : f32
      %sub3A_313 = vector.broadcast %sub3A_312 : f32 to vector<16xf32>
      %sub3A_314 = arith.subf %sub3A_313, %mul3A_311 : vector<16xf32>
      %mul3A_315 = arith.mulf %mul3A_306, %sub3A_314 : vector<16xf32>
      %mul3A_316 = arith.mulf %mul3A_272, %get3A_97 : vector<16xf32>
      %mul3A_317 = arith.mulf %mul3A_315, %get3A_102 : vector<16xf32>
      %mul3A_318 = arith.mulf %mul3A_226, %mul3A_316 : vector<16xf32>
      %mul3A_319 = arith.mulf %mul3A_229, %mul3A_317 : vector<16xf32>
      %add3A_320 = arith.addf %mul3A_318, %mul3A_319 : vector<16xf32>
      %scan3A_321 = arith.constant 0 : i32
      %scan3A_322 = arith.constant 256 : i32
      %scan3A_323 = arith.addi %scan3A_321, %scan3A_322 : i32
      %scan3A_324 = arith.constant 1 : i32
      %scan3A_325:4 = scf.for %scan3A_765 = %scan3A_321 to %scan3A_323 step %scan3A_324 iter_args(%scan3A_766 = %broadcast_in_dim3A_103, %scan3A_767 = %broadcast_in_dim3A_103, %scan3A_768 = %broadcast_in_dim3A_103, %scan3A_769 = %broadcast_in_dim3A_103) -> (vector<16xf32>, vector<16xf32>, vector<16xf32>, vector<16xf32>)  : i32 {
        %mul3A_770 = arith.constant 4 : i32
        %mul3A_771 = arith.muli %scan3A_765, %mul3A_770 : i32
        %add3A_772 = arith.constant 0 : i32
        %add3A_773 = arith.addi %mul3A_771, %add3A_772 : i32
        %get3A_774 = arith.index_cast %add3A_773 : i32 to index
        %get3A_775 = arith.constant 0 : index
        %get3A_776 = tpu.vector_load %arg11[%get3A_774, %get3A_775] {strides = array<i32>} : memref<1024x16xf32, #tpu.memory_space<vmem>>, vector<1x16xf32>,
        %get3A_777 = vector.shape_cast %get3A_776 : vector<1x16xf32> to vector<16xf32>
        %mul3A_778 = arith.mulf %get3A_777, %mul3A_316 : vector<16xf32>
        %add3A_779 = arith.constant 0 : i32
        %add3A_780 = arith.addi %mul3A_771, %add3A_779 : i32
        %get3A_781 = arith.index_cast %add3A_780 : i32 to index
        %get3A_782 = arith.constant 0 : index
        %get3A_783 = tpu.vector_load %arg12[%get3A_781, %get3A_782] {strides = array<i32>} : memref<1024x16xf32, #tpu.memory_space<vmem>>, vector<1x16xf32>,
        %get3A_784 = vector.shape_cast %get3A_783 : vector<1x16xf32> to vector<16xf32>
        %mul3A_785 = arith.mulf %get3A_784, %mul3A_317 : vector<16xf32>
        %add3A_786 = arith.addf %mul3A_778, %mul3A_785 : vector<16xf32>
        %sub3A_787 = arith.subf %add3A_786, %add3A_320 : vector<16xf32>
        %add3A_788 = arith.constant 0 : i32
        %add3A_789 = arith.addi %mul3A_771, %add3A_788 : i32
        %swap3A = arith.index_cast %add3A_789 : i32 to index
        %swap3A_790 = arith.constant 0 : index
        %swap3A_791 = tpu.vector_load %arg5[%swap3A, %swap3A_790] {strides = array<i32>} : memref<1024x16xf32, #tpu.memory_space<vmem>>, vector<1x16xf32>,
        %swap3A_792 = vector.shape_cast %swap3A_791 : vector<1x16xf32> to vector<16xf32>
        %swap3A_793 = vector.shape_cast %sub3A_787 : vector<16xf32> to vector<1x16xf32>
        tpu.vector_store %arg5[%swap3A, %swap3A_790], %swap3A_793 {strides = array<i32>} : memref<1024x16xf32, #tpu.memory_space<vmem>>, vector<1x16xf32>,
        %add3A_794 = arith.addf %scan3A_766, %sub3A_787 : vector<16xf32>
        %mul3A_795 = arith.mulf %sub3A_787, %sub3A_787 : vector<16xf32>
        %add3A_796 = arith.addf %scan3A_767, %mul3A_795 : vector<16xf32>
        %add3A_797 = arith.constant 0 : i32
        %add3A_798 = arith.addi %mul3A_771, %add3A_797 : i32
        %add3A_799 = arith.constant 1 : i32
        %add3A_800 = arith.addi %add3A_798, %add3A_799 : i32
        %get3A_801 = arith.index_cast %add3A_800 : i32 to index
        %get3A_802 = arith.constant 0 : index
        %get3A_803 = tpu.vector_load %arg11[%get3A_801, %get3A_802] {strides = array<i32>} : memref<1024x16xf32, #tpu.memory_space<vmem>>, vector<1x16xf32>,
        %get3A_804 = vector.shape_cast %get3A_803 : vector<1x16xf32> to vector<16xf32>
        %mul3A_805 = arith.mulf %get3A_804, %mul3A_316 : vector<16xf32>
        %add3A_806 = arith.constant 0 : i32
        %add3A_807 = arith.addi %mul3A_771, %add3A_806 : i32
        %add3A_808 = arith.constant 1 : i32
        %add3A_809 = arith.addi %add3A_807, %add3A_808 : i32
        %get3A_810 = arith.index_cast %add3A_809 : i32 to index
        %get3A_811 = arith.constant 0 : index
        %get3A_812 = tpu.vector_load %arg12[%get3A_810, %get3A_811] {strides = array<i32>} : memref<1024x16xf32, #tpu.memory_space<vmem>>, vector<1x16xf32>,
        %get3A_813 = vector.shape_cast %get3A_812 : vector<1x16xf32> to vector<16xf32>
        %mul3A_814 = arith.mulf %get3A_813, %mul3A_317 : vector<16xf32>
        %add3A_815 = arith.addf %mul3A_805, %mul3A_814 : vector<16xf32>
        %sub3A_816 = arith.subf %add3A_815, %add3A_320 : vector<16xf32>
        %add3A_817 = arith.constant 0 : i32
        %add3A_818 = arith.addi %mul3A_771, %add3A_817 : i32
        %add3A_819 = arith.constant 1 : i32
        %add3A_820 = arith.addi %add3A_818, %add3A_819 : i32
        %swap3A_821 = arith.index_cast %add3A_820 : i32 to index
        %swap3A_822 = arith.constant 0 : index
        %swap3A_823 = tpu.vector_load %arg5[%swap3A_821, %swap3A_822] {strides = array<i32>} : memref<1024x16xf32, #tpu.memory_space<vmem>>, vector<1x16xf32>,
        %swap3A_824 = vector.shape_cast %swap3A_823 : vector<1x16xf32> to vector<16xf32>
        %swap3A_825 = vector.shape_cast %sub3A_816 : vector<16xf32> to vector<1x16xf32>
        tpu.vector_store %arg5[%swap3A_821, %swap3A_822], %swap3A_825 {strides = array<i32>} : memref<1024x16xf32, #tpu.memory_space<vmem>>, vector<1x16xf32>,
        %add3A_826 = arith.addf %scan3A_768, %sub3A_816 : vector<16xf32>
        %mul3A_827 = arith.mulf %sub3A_816, %sub3A_816 : vector<16xf32>
        %add3A_828 = arith.addf %scan3A_769, %mul3A_827 : vector<16xf32>
        %add3A_829 = arith.constant 2 : i32
        %add3A_830 = arith.addi %mul3A_771, %add3A_829 : i32
        %get3A_831 = arith.index_cast %add3A_830 : i32 to index
        %get3A_832 = arith.constant 0 : index
        %get3A_833 = tpu.vector_load %arg11[%get3A_831, %get3A_832] {strides = array<i32>} : memref<1024x16xf32, #tpu.memory_space<vmem>>, vector<1x16xf32>,
        %get3A_834 = vector.shape_cast %get3A_833 : vector<1x16xf32> to vector<16xf32>
        %mul3A_835 = arith.mulf %get3A_834, %mul3A_316 : vector<16xf32>
        %add3A_836 = arith.constant 2 : i32
        %add3A_837 = arith.addi %mul3A_771, %add3A_836 : i32
        %get3A_838 = arith.index_cast %add3A_837 : i32 to index
        %get3A_839 = arith.constant 0 : index
        %get3A_840 = tpu.vector_load %arg12[%get3A_838, %get3A_839] {strides = array<i32>} : memref<1024x16xf32, #tpu.memory_space<vmem>>, vector<1x16xf32>,
        %get3A_841 = vector.shape_cast %get3A_840 : vector<1x16xf32> to vector<16xf32>
        %mul3A_842 = arith.mulf %get3A_841, %mul3A_317 : vector<16xf32>
        %add3A_843 = arith.addf %mul3A_835, %mul3A_842 : vector<16xf32>
        %sub3A_844 = arith.subf %add3A_843, %add3A_320 : vector<16xf32>
        %add3A_845 = arith.constant 2 : i32
        %add3A_846 = arith.addi %mul3A_771, %add3A_845 : i32
        %swap3A_847 = arith.index_cast %add3A_846 : i32 to index
        %swap3A_848 = arith.constant 0 : index
        %swap3A_849 = tpu.vector_load %arg5[%swap3A_847, %swap3A_848] {strides = array<i32>} : memref<1024x16xf32, #tpu.memory_space<vmem>>, vector<1x16xf32>,
        %swap3A_850 = vector.shape_cast %swap3A_849 : vector<1x16xf32> to vector<16xf32>
        %swap3A_851 = vector.shape_cast %sub3A_844 : vector<16xf32> to vector<1x16xf32>
        tpu.vector_store %arg5[%swap3A_847, %swap3A_848], %swap3A_851 {strides = array<i32>} : memref<1024x16xf32, #tpu.memory_space<vmem>>, vector<1x16xf32>,
        %add3A_852 = arith.addf %add3A_794, %sub3A_844 : vector<16xf32>
        %mul3A_853 = arith.mulf %sub3A_844, %sub3A_844 : vector<16xf32>
        %add3A_854 = arith.addf %add3A_796, %mul3A_853 : vector<16xf32>
        %add3A_855 = arith.constant 2 : i32
        %add3A_856 = arith.addi %mul3A_771, %add3A_855 : i32
        %add3A_857 = arith.constant 1 : i32
        %add3A_858 = arith.addi %add3A_856, %add3A_857 : i32
        %get3A_859 = arith.index_cast %add3A_858 : i32 to index
        %get3A_860 = arith.constant 0 : index
        %get3A_861 = tpu.vector_load %arg11[%get3A_859, %get3A_860] {strides = array<i32>} : memref<1024x16xf32, #tpu.memory_space<vmem>>, vector<1x16xf32>,
        %get3A_862 = vector.shape_cast %get3A_861 : vector<1x16xf32> to vector<16xf32>
        %mul3A_863 = arith.mulf %get3A_862, %mul3A_316 : vector<16xf32>
        %add3A_864 = arith.constant 2 : i32
        %add3A_865 = arith.addi %mul3A_771, %add3A_864 : i32
        %add3A_866 = arith.constant 1 : i32
        %add3A_867 = arith.addi %add3A_865, %add3A_866 : i32
        %get3A_868 = arith.index_cast %add3A_867 : i32 to index
        %get3A_869 = arith.constant 0 : index
        %get3A_870 = tpu.vector_load %arg12[%get3A_868, %get3A_869] {strides = array<i32>} : memref<1024x16xf32, #tpu.memory_space<vmem>>, vector<1x16xf32>,
        %get3A_871 = vector.shape_cast %get3A_870 : vector<1x16xf32> to vector<16xf32>
        %mul3A_872 = arith.mulf %get3A_871, %mul3A_317 : vector<16xf32>
        %add3A_873 = arith.addf %mul3A_863, %mul3A_872 : vector<16xf32>
        %sub3A_874 = arith.subf %add3A_873, %add3A_320 : vector<16xf32>
        %add3A_875 = arith.constant 2 : i32
        %add3A_876 = arith.addi %mul3A_771, %add3A_875 : i32
        %add3A_877 = arith.constant 1 : i32
        %add3A_878 = arith.addi %add3A_876, %add3A_877 : i32
        %swap3A_879 = arith.index_cast %add3A_878 : i32 to index
        %swap3A_880 = arith.constant 0 : index
        %swap3A_881 = tpu.vector_load %arg5[%swap3A_879, %swap3A_880] {strides = array<i32>} : memref<1024x16xf32, #tpu.memory_space<vmem>>, vector<1x16xf32>,
        %swap3A_882 = vector.shape_cast %swap3A_881 : vector<1x16xf32> to vector<16xf32>
        %swap3A_883 = vector.shape_cast %sub3A_874 : vector<16xf32> to vector<1x16xf32>
        tpu.vector_store %arg5[%swap3A_879, %swap3A_880], %swap3A_883 {strides = array<i32>} : memref<1024x16xf32, #tpu.memory_space<vmem>>, vector<1x16xf32>,
        %add3A_884 = arith.addf %add3A_826, %sub3A_874 : vector<16xf32>
        %mul3A_885 = arith.mulf %sub3A_874, %sub3A_874 : vector<16xf32>
        %add3A_886 = arith.addf %add3A_828, %mul3A_885 : vector<16xf32>
        scf.yield %add3A_852, %add3A_854, %add3A_884, %add3A_886 : vector<16xf32>, vector<16xf32>, vector<16xf32>, vector<16xf32>
      }
      %scan3A_326 = arith.constant 256 : i32
      %add3A_327 = arith.addf %scan3A_325#0, %scan3A_325#2 : vector<16xf32>
      %add3A_328 = arith.addf %scan3A_325#1, %scan3A_325#3 : vector<16xf32>
      %mul3A_329 = arith.constant 9.765625E-4 : f32
      %mul3A_330 = vector.broadcast %mul3A_329 : f32 to vector<16xf32>
      %mul3A_331 = arith.mulf %add3A_327, %mul3A_330 : vector<16xf32>
      %mul3A_332 = arith.constant 9.765625E-4 : f32
      %mul3A_333 = vector.broadcast %mul3A_332 : f32 to vector<16xf32>
      %mul3A_334 = arith.mulf %add3A_328, %mul3A_333 : vector<16xf32>
      %mul3A_335 = arith.mulf %mul3A_331, %mul3A_331 : vector<16xf32>
      %sub3A_336 = arith.subf %mul3A_334, %mul3A_335 : vector<16xf32>
      %add3A_337 = arith.constant 9.99999974E-6 : f32
      %add3A_338 = vector.broadcast %add3A_337 : f32 to vector<16xf32>
      %add3A_339 = arith.addf %sub3A_336, %add3A_338 : vector<16xf32>
      %bitcast_convert_type3A_340 = tpu.bitcast %add3A_339 : vector<16xf32> -> vector<16xi32>
      %shift_right_arithmetic3A_341 = arith.constant 1 : i32
      %shift_right_arithmetic3A_342 = vector.broadcast %shift_right_arithmetic3A_341 : i32 to vector<16xi32>
      %shift_right_arithmetic3A_343 = arith.shrsi %bitcast_convert_type3A_340, %shift_right_arithmetic3A_342 : vector<16xi32>
      %sub3A_344 = arith.constant 1597463007 : i32
      %sub3A_345 = vector.broadcast %sub3A_344 : i32 to vector<16xi32>
      %sub3A_346 = arith.subi %sub3A_345, %shift_right_arithmetic3A_343 : vector<16xi32>
      %bitcast_convert_type3A_347 = tpu.bitcast %sub3A_346 : vector<16xi32> -> vector<16xf32>
      %mul3A_348 = arith.constant 5.000000e-01 : f32
      %mul3A_349 = vector.broadcast %mul3A_348 : f32 to vector<16xf32>
      %mul3A_350 = arith.mulf %mul3A_349, %add3A_339 : vector<16xf32>
      %mul3A_351 = arith.mulf %mul3A_350, %bitcast_convert_type3A_347 : vector<16xf32>
      %mul3A_352 = arith.mulf %mul3A_351, %bitcast_convert_type3A_347 : vector<16xf32>
      %sub3A_353 = arith.constant 1.500000e+00 : f32
      %sub3A_354 = vector.broadcast %sub3A_353 : f32 to vector<16xf32>
      %sub3A_355 = arith.subf %sub3A_354, %mul3A_352 : vector<16xf32>
      %mul3A_356 = arith.mulf %bitcast_convert_type3A_347, %sub3A_355 : vector<16xf32>
      %mul3A_357 = arith.constant 5.000000e-01 : f32
      %mul3A_358 = vector.broadcast %mul3A_357 : f32 to vector<16xf32>
      %mul3A_359 = arith.mulf %mul3A_358, %add3A_339 : vector<16xf32>
      %mul3A_360 = arith.mulf %mul3A_359, %mul3A_356 : vector<16xf32>
      %mul3A_361 = arith.mulf %mul3A_360, %mul3A_356 : vector<16xf32>
      %sub3A_362 = arith.constant 1.500000e+00 : f32
      %sub3A_363 = vector.broadcast %sub3A_362 : f32 to vector<16xf32>
      %sub3A_364 = arith.subf %sub3A_363, %mul3A_361 : vector<16xf32>
      %mul3A_365 = arith.mulf %mul3A_356, %sub3A_364 : vector<16xf32>
      %mul3A_366 = arith.constant 5.000000e-01 : f32
      %mul3A_367 = vector.broadcast %mul3A_366 : f32 to vector<16xf32>
      %mul3A_368 = arith.mulf %mul3A_367, %add3A_339 : vector<16xf32>
      %mul3A_369 = arith.mulf %mul3A_368, %mul3A_365 : vector<16xf32>
      %mul3A_370 = arith.mulf %mul3A_369, %mul3A_365 : vector<16xf32>
      %sub3A_371 = arith.constant 1.500000e+00 : f32
      %sub3A_372 = vector.broadcast %sub3A_371 : f32 to vector<16xf32>
      %sub3A_373 = arith.subf %sub3A_372, %mul3A_370 : vector<16xf32>
      %mul3A_374 = arith.mulf %mul3A_365, %sub3A_373 : vector<16xf32>
      %neg3A_375 = arith.constant 0.000000e+00 : f32
      %neg3A_376 = vector.broadcast %neg3A_375 : f32 to vector<16xf32>
      %neg3A_377 = arith.subf %neg3A_376, %mul3A_331 : vector<16xf32>
      %mul3A_378 = arith.mulf %neg3A_377, %mul3A_374 : vector<16xf32>
      %scan3A_379 = arith.constant 0 : i32
      %scan3A_380 = arith.constant 0 : i32
      %scan3A_381 = arith.constant 256 : i32
      %scan3A_382 = arith.addi %scan3A_380, %scan3A_381 : i32
      %scan3A_383 = arith.constant 1 : i32
      scf.for %scan3A_765 = %scan3A_380 to %scan3A_382 step %scan3A_383  : i32 {
        %mul3A_766 = arith.constant 4 : i32
        %mul3A_767 = arith.muli %scan3A_765, %mul3A_766 : i32
        %add3A_768 = arith.constant 0 : i32
        %add3A_769 = arith.addi %mul3A_767, %add3A_768 : i32
        %get3A_770 = arith.index_cast %add3A_769 : i32 to index
        %get3A_771 = arith.constant 0 : index
        %get3A_772 = tpu.vector_load %arg5[%get3A_770, %get3A_771] {strides = array<i32>} : memref<1024x16xf32, #tpu.memory_space<vmem>>, vector<1x16xf32>,
        %get3A_773 = vector.shape_cast %get3A_772 : vector<1x16xf32> to vector<16xf32>
        %mul3A_774 = arith.mulf %get3A_773, %mul3A_374 : vector<16xf32>
        %add3A_775 = arith.addf %mul3A_774, %mul3A_378 : vector<16xf32>
        %add3A_776 = arith.constant 0 : i32
        %add3A_777 = arith.addi %mul3A_767, %add3A_776 : i32
        %swap3A = arith.index_cast %add3A_777 : i32 to index
        %swap3A_778 = arith.constant 0 : index
        %swap3A_779 = tpu.vector_load %arg12[%swap3A, %swap3A_778] {strides = array<i32>} : memref<1024x16xf32, #tpu.memory_space<vmem>>, vector<1x16xf32>,
        %swap3A_780 = vector.shape_cast %swap3A_779 : vector<1x16xf32> to vector<16xf32>
        %swap3A_781 = vector.shape_cast %add3A_775 : vector<16xf32> to vector<1x16xf32>
        tpu.vector_store %arg12[%swap3A, %swap3A_778], %swap3A_781 {strides = array<i32>} : memref<1024x16xf32, #tpu.memory_space<vmem>>, vector<1x16xf32>,
        %add3A_782 = arith.constant 1 : i32
        %add3A_783 = arith.addi %mul3A_767, %add3A_782 : i32
        %get3A_784 = arith.index_cast %add3A_783 : i32 to index
        %get3A_785 = arith.constant 0 : index
        %get3A_786 = tpu.vector_load %arg5[%get3A_784, %get3A_785] {strides = array<i32>} : memref<1024x16xf32, #tpu.memory_space<vmem>>, vector<1x16xf32>,
        %get3A_787 = vector.shape_cast %get3A_786 : vector<1x16xf32> to vector<16xf32>
        %mul3A_788 = arith.mulf %get3A_787, %mul3A_374 : vector<16xf32>
        %add3A_789 = arith.addf %mul3A_788, %mul3A_378 : vector<16xf32>
        %add3A_790 = arith.constant 1 : i32
        %add3A_791 = arith.addi %mul3A_767, %add3A_790 : i32
        %swap3A_792 = arith.index_cast %add3A_791 : i32 to index
        %swap3A_793 = arith.constant 0 : index
        %swap3A_794 = tpu.vector_load %arg12[%swap3A_792, %swap3A_793] {strides = array<i32>} : memref<1024x16xf32, #tpu.memory_space<vmem>>, vector<1x16xf32>,
        %swap3A_795 = vector.shape_cast %swap3A_794 : vector<1x16xf32> to vector<16xf32>
        %swap3A_796 = vector.shape_cast %add3A_789 : vector<16xf32> to vector<1x16xf32>
        tpu.vector_store %arg12[%swap3A_792, %swap3A_793], %swap3A_796 {strides = array<i32>} : memref<1024x16xf32, #tpu.memory_space<vmem>>, vector<1x16xf32>,
        %add3A_797 = arith.constant 2 : i32
        %add3A_798 = arith.addi %mul3A_767, %add3A_797 : i32
        %get3A_799 = arith.index_cast %add3A_798 : i32 to index
        %get3A_800 = arith.constant 0 : index
        %get3A_801 = tpu.vector_load %arg5[%get3A_799, %get3A_800] {strides = array<i32>} : memref<1024x16xf32, #tpu.memory_space<vmem>>, vector<1x16xf32>,
        %get3A_802 = vector.shape_cast %get3A_801 : vector<1x16xf32> to vector<16xf32>
        %mul3A_803 = arith.mulf %get3A_802, %mul3A_374 : vector<16xf32>
        %add3A_804 = arith.addf %mul3A_803, %mul3A_378 : vector<16xf32>
        %add3A_805 = arith.constant 2 : i32
        %add3A_806 = arith.addi %mul3A_767, %add3A_805 : i32
        %swap3A_807 = arith.index_cast %add3A_806 : i32 to index
        %swap3A_808 = arith.constant 0 : index
        %swap3A_809 = tpu.vector_load %arg12[%swap3A_807, %swap3A_808] {strides = array<i32>} : memref<1024x16xf32, #tpu.memory_space<vmem>>, vector<1x16xf32>,
        %swap3A_810 = vector.shape_cast %swap3A_809 : vector<1x16xf32> to vector<16xf32>
        %swap3A_811 = vector.shape_cast %add3A_804 : vector<16xf32> to vector<1x16xf32>
        tpu.vector_store %arg12[%swap3A_807, %swap3A_808], %swap3A_811 {strides = array<i32>} : memref<1024x16xf32, #tpu.memory_space<vmem>>, vector<1x16xf32>,
        %add3A_812 = arith.constant 3 : i32
        %add3A_813 = arith.addi %mul3A_767, %add3A_812 : i32
        %get3A_814 = arith.index_cast %add3A_813 : i32 to index
        %get3A_815 = arith.constant 0 : index
        %get3A_816 = tpu.vector_load %arg5[%get3A_814, %get3A_815] {strides = array<i32>} : memref<1024x16xf32, #tpu.memory_space<vmem>>, vector<1x16xf32>,
        %get3A_817 = vector.shape_cast %get3A_816 : vector<1x16xf32> to vector<16xf32>
        %mul3A_818 = arith.mulf %get3A_817, %mul3A_374 : vector<16xf32>
        %add3A_819 = arith.addf %mul3A_818, %mul3A_378 : vector<16xf32>
        %add3A_820 = arith.constant 3 : i32
        %add3A_821 = arith.addi %mul3A_767, %add3A_820 : i32
        %swap3A_822 = arith.index_cast %add3A_821 : i32 to index
        %swap3A_823 = arith.constant 0 : index
        %swap3A_824 = tpu.vector_load %arg12[%swap3A_822, %swap3A_823] {strides = array<i32>} : memref<1024x16xf32, #tpu.memory_space<vmem>>, vector<1x16xf32>,
        %swap3A_825 = vector.shape_cast %swap3A_824 : vector<1x16xf32> to vector<16xf32>
        %swap3A_826 = vector.shape_cast %add3A_819 : vector<16xf32> to vector<1x16xf32>
        tpu.vector_store %arg12[%swap3A_822, %swap3A_823], %swap3A_826 {strides = array<i32>} : memref<1024x16xf32, #tpu.memory_space<vmem>>, vector<1x16xf32>,
      }
      %scan3A_384 = arith.constant 256 : i32
      %dma_start3A_385 = arith.constant 0 : i32
      %dma_start3A_386 = tpu.memref_slice %arg4[%dma_start3A_385, %mul3A_31] : memref<1024x6144xf32, #tpu.memory_space<hbm>> -> memref<1024x16xf32, #tpu.memory_space<hbm>>
      %dma_start3A_387 = arith.constant 0 : i32
      %dma_start3A_388 = tpu.memref_slice %arg4[%dma_start3A_387, %mul3A_31] : memref<1024x6144xf32, #tpu.memory_space<hbm>> -> memref<1024x16xf32, #tpu.memory_space<hbm>>
      tpu.enqueue_dma source(%arg12 : memref<1024x16xf32, #tpu.memory_space<vmem>>) target(%dma_start3A_388 : memref<1024x16xf32, #tpu.memory_space<hbm>>) target_semaphore(%arg17 : memref<!tpu.dma_semaphore, #tpu.memory_space<semaphore_mem>>)
      %mul3A_389 = arith.constant 2 : i32
      %mul3A_390 = arith.muli %mul3A_389, %scan3A_24 : i32
      %add3A_391 = arith.constant 1 : i32
      %add3A_392 = arith.addi %mul3A_390, %add3A_391 : i32
      %mul3A_393 = arith.constant 32 : i32
      %mul3A_394 = arith.muli %mul3A_393, %add3A_392 : i32
      %add3A_395 = arith.addi %add3A, %mul3A_394 : i32
      %mul3A_396 = arith.constant 16 : i32
      %mul3A_397 = arith.muli %add3A_395, %mul3A_396 : i32
      %dma_wait3A_398 = arith.constant 0 : i32
      %dma_wait3A_399 = tpu.memref_slice %arg2[%dma_wait3A_398, %mul3A_397] : memref<1024x6144xf32, #tpu.memory_space<hbm>> -> memref<1024x16xf32, #tpu.memory_space<hbm>>
      %dma_wait3A_400 = arith.constant 0 : i32
      %dma_wait3A_401 = tpu.memref_slice %arg2[%dma_wait3A_400, %mul3A_397] : memref<1024x6144xf32, #tpu.memory_space<hbm>> -> memref<1024x16xf32, #tpu.memory_space<hbm>>
      tpu.wait_dma2 semaphore(%arg14 : memref<!tpu.dma_semaphore, #tpu.memory_space<semaphore_mem>>) src(%dma_wait3A_401 : memref<1024x16xf32, #tpu.memory_space<hbm>>) dst(%arg6 : memref<1024x16xf32, #tpu.memory_space<vmem>>)
      %dma_wait3A_402 = arith.constant 0 : i32
      %dma_wait3A_403 = tpu.memref_slice %arg3[%dma_wait3A_402, %mul3A_397] : memref<12x6144xf32, #tpu.memory_space<hbm>> -> memref<12x16xf32, #tpu.memory_space<hbm>>
      %dma_wait3A_404 = arith.constant 0 : i32
      %dma_wait3A_405 = tpu.memref_slice %arg3[%dma_wait3A_404, %mul3A_397] : memref<12x6144xf32, #tpu.memory_space<hbm>> -> memref<12x16xf32, #tpu.memory_space<hbm>>
      tpu.wait_dma2 semaphore(%arg16 : memref<!tpu.dma_semaphore, #tpu.memory_space<semaphore_mem>>) src(%dma_wait3A_405 : memref<12x16xf32, #tpu.memory_space<hbm>>) dst(%arg8 : memref<12x16xf32, #tpu.memory_space<vmem>>)
      %add3A_406 = arith.constant 1 : i32
      %add3A_407 = arith.addi %add3A_392, %add3A_406 : i32
      %lt3A_408 = arith.constant 12 : i32
      %lt3A_409 = arith.cmpi slt, %add3A_407, %lt3A_408 : i32
      %convert_element_type3A_410 = arith.extui %lt3A_409 : i1 to i32
      %cond3A_411 = arith.constant 0 : i32
      %cond3A_412 = arith.cmpi ne, %convert_element_type3A_410, %cond3A_411 : i32
      scf.if %cond3A_412 {
        %add3A_765 = arith.constant 1 : i32
        %add3A_766 = arith.addi %add3A_392, %add3A_765 : i32
        %mul3A_767 = arith.constant 32 : i32
        %mul3A_768 = arith.muli %mul3A_767, %add3A_766 : i32
        %add3A_769 = arith.addi %add3A, %mul3A_768 : i32
        %mul3A_770 = arith.constant 16 : i32
        %mul3A_771 = arith.muli %add3A_769, %mul3A_770 : i32
        %dma_start3A_772 = arith.constant 0 : i32
        %dma_start3A_773 = tpu.memref_slice %arg2[%dma_start3A_772, %mul3A_771] : memref<1024x6144xf32, #tpu.memory_space<hbm>> -> memref<1024x16xf32, #tpu.memory_space<hbm>>
        %dma_start3A_774 = arith.constant 0 : i32
        %dma_start3A_775 = tpu.memref_slice %arg2[%dma_start3A_774, %mul3A_771] : memref<1024x6144xf32, #tpu.memory_space<hbm>> -> memref<1024x16xf32, #tpu.memory_space<hbm>>
        tpu.enqueue_dma source(%dma_start3A_775 : memref<1024x16xf32, #tpu.memory_space<hbm>>) target(%arg5 : memref<1024x16xf32, #tpu.memory_space<vmem>>) target_semaphore(%arg13 : memref<!tpu.dma_semaphore, #tpu.memory_space<semaphore_mem>>)
        %dma_start3A_776 = arith.constant 0 : i32
        %dma_start3A_777 = tpu.memref_slice %arg3[%dma_start3A_776, %mul3A_771] : memref<12x6144xf32, #tpu.memory_space<hbm>> -> memref<12x16xf32, #tpu.memory_space<hbm>>
        %dma_start3A_778 = arith.constant 0 : i32
        %dma_start3A_779 = tpu.memref_slice %arg3[%dma_start3A_778, %mul3A_771] : memref<12x6144xf32, #tpu.memory_space<hbm>> -> memref<12x16xf32, #tpu.memory_space<hbm>>
        tpu.enqueue_dma source(%dma_start3A_779 : memref<12x16xf32, #tpu.memory_space<hbm>>) target(%arg7 : memref<12x16xf32, #tpu.memory_space<vmem>>) target_semaphore(%arg15 : memref<!tpu.dma_semaphore, #tpu.memory_space<semaphore_mem>>)
      } else {
      }
      %get3A_413 = arith.constant 0 : i32
      %get3A_414 = arith.index_cast %get3A_413 : i32 to index
      %get3A_415 = arith.constant 0 : index
      %get3A_416 = tpu.vector_load %arg8[%get3A_414, %get3A_415] {strides = array<i32>} : memref<12x16xf32, #tpu.memory_space<vmem>>, vector<1x16xf32>,
      %get3A_417 = vector.shape_cast %get3A_416 : vector<1x16xf32> to vector<16xf32>
      %get3A_418 = arith.constant 1 : i32
      %get3A_419 = arith.index_cast %get3A_418 : i32 to index
      %get3A_420 = arith.constant 0 : index
      %get3A_421 = tpu.vector_load %arg8[%get3A_419, %get3A_420] {strides = array<i32>} : memref<12x16xf32, #tpu.memory_space<vmem>>, vector<1x16xf32>,
      %get3A_422 = vector.shape_cast %get3A_421 : vector<1x16xf32> to vector<16xf32>
      %get3A_423 = arith.constant 2 : i32
      %get3A_424 = arith.index_cast %get3A_423 : i32 to index
      %get3A_425 = arith.constant 0 : index
      %get3A_426 = tpu.vector_load %arg8[%get3A_424, %get3A_425] {strides = array<i32>} : memref<12x16xf32, #tpu.memory_space<vmem>>, vector<1x16xf32>,
      %get3A_427 = vector.shape_cast %get3A_426 : vector<1x16xf32> to vector<16xf32>
      %get3A_428 = arith.constant 3 : i32
      %get3A_429 = arith.index_cast %get3A_428 : i32 to index
      %get3A_430 = arith.constant 0 : index
      %get3A_431 = tpu.vector_load %arg8[%get3A_429, %get3A_430] {strides = array<i32>} : memref<12x16xf32, #tpu.memory_space<vmem>>, vector<1x16xf32>,
      %get3A_432 = vector.shape_cast %get3A_431 : vector<1x16xf32> to vector<16xf32>
      %get3A_433 = arith.constant 4 : i32
      %get3A_434 = arith.index_cast %get3A_433 : i32 to index
      %get3A_435 = arith.constant 0 : index
      %get3A_436 = tpu.vector_load %arg8[%get3A_434, %get3A_435] {strides = array<i32>} : memref<12x16xf32, #tpu.memory_space<vmem>>, vector<1x16xf32>,
      %get3A_437 = vector.shape_cast %get3A_436 : vector<1x16xf32> to vector<16xf32>
      %get3A_438 = arith.constant 5 : i32
      %get3A_439 = arith.index_cast %get3A_438 : i32 to index
      %get3A_440 = arith.constant 0 : index
      %get3A_441 = tpu.vector_load %arg8[%get3A_439, %get3A_440] {strides = array<i32>} : memref<12x16xf32, #tpu.memory_space<vmem>>, vector<1x16xf32>,
      %get3A_442 = vector.shape_cast %get3A_441 : vector<1x16xf32> to vector<16xf32>
      %get3A_443 = arith.constant 6 : i32
      %get3A_444 = arith.index_cast %get3A_443 : i32 to index
      %get3A_445 = arith.constant 0 : index
      %get3A_446 = tpu.vector_load %arg8[%get3A_444, %get3A_445] {strides = array<i32>} : memref<12x16xf32, #tpu.memory_space<vmem>>, vector<1x16xf32>,
      %get3A_447 = vector.shape_cast %get3A_446 : vector<1x16xf32> to vector<16xf32>
      %get3A_448 = arith.constant 7 : i32
      %get3A_449 = arith.index_cast %get3A_448 : i32 to index
      %get3A_450 = arith.constant 0 : index
      %get3A_451 = tpu.vector_load %arg8[%get3A_449, %get3A_450] {strides = array<i32>} : memref<12x16xf32, #tpu.memory_space<vmem>>, vector<1x16xf32>,
      %get3A_452 = vector.shape_cast %get3A_451 : vector<1x16xf32> to vector<16xf32>
      %get3A_453 = arith.constant 8 : i32
      %get3A_454 = arith.index_cast %get3A_453 : i32 to index
      %get3A_455 = arith.constant 0 : index
      %get3A_456 = tpu.vector_load %arg8[%get3A_454, %get3A_455] {strides = array<i32>} : memref<12x16xf32, #tpu.memory_space<vmem>>, vector<1x16xf32>,
      %get3A_457 = vector.shape_cast %get3A_456 : vector<1x16xf32> to vector<16xf32>
      %get3A_458 = arith.constant 9 : i32
      %get3A_459 = arith.index_cast %get3A_458 : i32 to index
      %get3A_460 = arith.constant 0 : index
      %get3A_461 = tpu.vector_load %arg8[%get3A_459, %get3A_460] {strides = array<i32>} : memref<12x16xf32, #tpu.memory_space<vmem>>, vector<1x16xf32>,
      %get3A_462 = vector.shape_cast %get3A_461 : vector<1x16xf32> to vector<16xf32>
      %get3A_463 = arith.constant 10 : i32
      %get3A_464 = arith.index_cast %get3A_463 : i32 to index
      %get3A_465 = arith.constant 0 : index
      %get3A_466 = tpu.vector_load %arg8[%get3A_464, %get3A_465] {strides = array<i32>} : memref<12x16xf32, #tpu.memory_space<vmem>>, vector<1x16xf32>,
      %get3A_467 = vector.shape_cast %get3A_466 : vector<1x16xf32> to vector<16xf32>
      %get3A_468 = arith.constant 11 : i32
      %get3A_469 = arith.index_cast %get3A_468 : i32 to index
      %get3A_470 = arith.constant 0 : index
      %get3A_471 = tpu.vector_load %arg8[%get3A_469, %get3A_470] {strides = array<i32>} : memref<12x16xf32, #tpu.memory_space<vmem>>, vector<1x16xf32>,
      %get3A_472 = vector.shape_cast %get3A_471 : vector<1x16xf32> to vector<16xf32>
      %broadcast_in_dim3A_473 = arith.constant 0.000000e+00 : f32
      %broadcast_in_dim3A_474 = vector.broadcast %broadcast_in_dim3A_473 : f32 to vector<16xf32>
      %scan3A_475 = arith.constant 0 : i32
      %scan3A_476 = arith.constant 256 : i32
      %scan3A_477 = arith.addi %scan3A_475, %scan3A_476 : i32
      %scan3A_478 = arith.constant 1 : i32
      %scan3A_479:8 = scf.for %scan3A_765 = %scan3A_475 to %scan3A_477 step %scan3A_478 iter_args(%scan3A_766 = %broadcast_in_dim3A_474, %scan3A_767 = %broadcast_in_dim3A_474, %scan3A_768 = %broadcast_in_dim3A_474, %scan3A_769 = %broadcast_in_dim3A_474, %scan3A_770 = %broadcast_in_dim3A_474, %scan3A_771 = %broadcast_in_dim3A_474, %scan3A_772 = %broadcast_in_dim3A_474, %scan3A_773 = %broadcast_in_dim3A_474) -> (vector<16xf32>, vector<16xf32>, vector<16xf32>, vector<16xf32>, vector<16xf32>, vector<16xf32>, vector<16xf32>, vector<16xf32>)  : i32 {
        %mul3A_774 = arith.constant 4 : i32
        %mul3A_775 = arith.muli %scan3A_765, %mul3A_774 : i32
        %add3A_776 = arith.constant 0 : i32
        %add3A_777 = arith.addi %mul3A_775, %add3A_776 : i32
        %get3A_778 = arith.index_cast %add3A_777 : i32 to index
        %get3A_779 = arith.constant 0 : index
        %get3A_780 = tpu.vector_load %arg6[%get3A_778, %get3A_779] {strides = array<i32>} : memref<1024x16xf32, #tpu.memory_space<vmem>>, vector<1x16xf32>,
        %get3A_781 = vector.shape_cast %get3A_780 : vector<1x16xf32> to vector<16xf32>
        %mul3A_782 = arith.mulf %get3A_781, %get3A_417 : vector<16xf32>
        %add3A_783 = arith.addf %mul3A_782, %get3A_427 : vector<16xf32>
        %max3A = arith.constant 0.000000e+00 : f32
        %max3A_784 = vector.broadcast %max3A : f32 to vector<16xf32>
        %max3A_785 = arith.maximumf %add3A_783, %max3A_784 : vector<16xf32>
        %mul3A_786 = arith.mulf %get3A_781, %get3A_422 : vector<16xf32>
        %add3A_787 = arith.addf %mul3A_786, %get3A_432 : vector<16xf32>
        %max3A_788 = arith.constant 0.000000e+00 : f32
        %max3A_789 = vector.broadcast %max3A_788 : f32 to vector<16xf32>
        %max3A_790 = arith.maximumf %add3A_787, %max3A_789 : vector<16xf32>
        %add3A_791 = arith.constant 0 : i32
        %add3A_792 = arith.addi %mul3A_775, %add3A_791 : i32
        %swap3A = arith.index_cast %add3A_792 : i32 to index
        %swap3A_793 = arith.constant 0 : index
        %swap3A_794 = tpu.vector_load %arg9[%swap3A, %swap3A_793] {strides = array<i32>} : memref<1024x16xf32, #tpu.memory_space<vmem>>, vector<1x16xf32>,
        %swap3A_795 = vector.shape_cast %swap3A_794 : vector<1x16xf32> to vector<16xf32>
        %swap3A_796 = vector.shape_cast %max3A_785 : vector<16xf32> to vector<1x16xf32>
        tpu.vector_store %arg9[%swap3A, %swap3A_793], %swap3A_796 {strides = array<i32>} : memref<1024x16xf32, #tpu.memory_space<vmem>>, vector<1x16xf32>,
        %add3A_797 = arith.constant 0 : i32
        %add3A_798 = arith.addi %mul3A_775, %add3A_797 : i32
        %swap3A_799 = arith.index_cast %add3A_798 : i32 to index
        %swap3A_800 = arith.constant 0 : index
        %swap3A_801 = tpu.vector_load %arg10[%swap3A_799, %swap3A_800] {strides = array<i32>} : memref<1024x16xf32, #tpu.memory_space<vmem>>, vector<1x16xf32>,
        %swap3A_802 = vector.shape_cast %swap3A_801 : vector<1x16xf32> to vector<16xf32>
        %swap3A_803 = vector.shape_cast %max3A_790 : vector<16xf32> to vector<1x16xf32>
        tpu.vector_store %arg10[%swap3A_799, %swap3A_800], %swap3A_803 {strides = array<i32>} : memref<1024x16xf32, #tpu.memory_space<vmem>>, vector<1x16xf32>,
        %add3A_804 = arith.addf %scan3A_766, %max3A_785 : vector<16xf32>
        %mul3A_805 = arith.mulf %max3A_785, %max3A_785 : vector<16xf32>
        %add3A_806 = arith.addf %scan3A_767, %mul3A_805 : vector<16xf32>
        %add3A_807 = arith.addf %scan3A_768, %max3A_790 : vector<16xf32>
        %mul3A_808 = arith.mulf %max3A_790, %max3A_790 : vector<16xf32>
        %add3A_809 = arith.addf %scan3A_769, %mul3A_808 : vector<16xf32>
        %add3A_810 = arith.constant 0 : i32
        %add3A_811 = arith.addi %mul3A_775, %add3A_810 : i32
        %add3A_812 = arith.constant 1 : i32
        %add3A_813 = arith.addi %add3A_811, %add3A_812 : i32
        %get3A_814 = arith.index_cast %add3A_813 : i32 to index
        %get3A_815 = arith.constant 0 : index
        %get3A_816 = tpu.vector_load %arg6[%get3A_814, %get3A_815] {strides = array<i32>} : memref<1024x16xf32, #tpu.memory_space<vmem>>, vector<1x16xf32>,
        %get3A_817 = vector.shape_cast %get3A_816 : vector<1x16xf32> to vector<16xf32>
        %mul3A_818 = arith.mulf %get3A_817, %get3A_417 : vector<16xf32>
        %add3A_819 = arith.addf %mul3A_818, %get3A_427 : vector<16xf32>
        %max3A_820 = arith.constant 0.000000e+00 : f32
        %max3A_821 = vector.broadcast %max3A_820 : f32 to vector<16xf32>
        %max3A_822 = arith.maximumf %add3A_819, %max3A_821 : vector<16xf32>
        %mul3A_823 = arith.mulf %get3A_817, %get3A_422 : vector<16xf32>
        %add3A_824 = arith.addf %mul3A_823, %get3A_432 : vector<16xf32>
        %max3A_825 = arith.constant 0.000000e+00 : f32
        %max3A_826 = vector.broadcast %max3A_825 : f32 to vector<16xf32>
        %max3A_827 = arith.maximumf %add3A_824, %max3A_826 : vector<16xf32>
        %add3A_828 = arith.constant 0 : i32
        %add3A_829 = arith.addi %mul3A_775, %add3A_828 : i32
        %add3A_830 = arith.constant 1 : i32
        %add3A_831 = arith.addi %add3A_829, %add3A_830 : i32
        %swap3A_832 = arith.index_cast %add3A_831 : i32 to index
        %swap3A_833 = arith.constant 0 : index
        %swap3A_834 = tpu.vector_load %arg9[%swap3A_832, %swap3A_833] {strides = array<i32>} : memref<1024x16xf32, #tpu.memory_space<vmem>>, vector<1x16xf32>,
        %swap3A_835 = vector.shape_cast %swap3A_834 : vector<1x16xf32> to vector<16xf32>
        %swap3A_836 = vector.shape_cast %max3A_822 : vector<16xf32> to vector<1x16xf32>
        tpu.vector_store %arg9[%swap3A_832, %swap3A_833], %swap3A_836 {strides = array<i32>} : memref<1024x16xf32, #tpu.memory_space<vmem>>, vector<1x16xf32>,
        %add3A_837 = arith.constant 0 : i32
        %add3A_838 = arith.addi %mul3A_775, %add3A_837 : i32
        %add3A_839 = arith.constant 1 : i32
        %add3A_840 = arith.addi %add3A_838, %add3A_839 : i32
        %swap3A_841 = arith.index_cast %add3A_840 : i32 to index
        %swap3A_842 = arith.constant 0 : index
        %swap3A_843 = tpu.vector_load %arg10[%swap3A_841, %swap3A_842] {strides = array<i32>} : memref<1024x16xf32, #tpu.memory_space<vmem>>, vector<1x16xf32>,
        %swap3A_844 = vector.shape_cast %swap3A_843 : vector<1x16xf32> to vector<16xf32>
        %swap3A_845 = vector.shape_cast %max3A_827 : vector<16xf32> to vector<1x16xf32>
        tpu.vector_store %arg10[%swap3A_841, %swap3A_842], %swap3A_845 {strides = array<i32>} : memref<1024x16xf32, #tpu.memory_space<vmem>>, vector<1x16xf32>,
        %add3A_846 = arith.addf %scan3A_770, %max3A_822 : vector<16xf32>
        %mul3A_847 = arith.mulf %max3A_822, %max3A_822 : vector<16xf32>
        %add3A_848 = arith.addf %scan3A_771, %mul3A_847 : vector<16xf32>
        %add3A_849 = arith.addf %scan3A_772, %max3A_827 : vector<16xf32>
        %mul3A_850 = arith.mulf %max3A_827, %max3A_827 : vector<16xf32>
        %add3A_851 = arith.addf %scan3A_773, %mul3A_850 : vector<16xf32>
        %add3A_852 = arith.constant 2 : i32
        %add3A_853 = arith.addi %mul3A_775, %add3A_852 : i32
        %get3A_854 = arith.index_cast %add3A_853 : i32 to index
        %get3A_855 = arith.constant 0 : index
        %get3A_856 = tpu.vector_load %arg6[%get3A_854, %get3A_855] {strides = array<i32>} : memref<1024x16xf32, #tpu.memory_space<vmem>>, vector<1x16xf32>,
        %get3A_857 = vector.shape_cast %get3A_856 : vector<1x16xf32> to vector<16xf32>
        %mul3A_858 = arith.mulf %get3A_857, %get3A_417 : vector<16xf32>
        %add3A_859 = arith.addf %mul3A_858, %get3A_427 : vector<16xf32>
        %max3A_860 = arith.constant 0.000000e+00 : f32
        %max3A_861 = vector.broadcast %max3A_860 : f32 to vector<16xf32>
        %max3A_862 = arith.maximumf %add3A_859, %max3A_861 : vector<16xf32>
        %mul3A_863 = arith.mulf %get3A_857, %get3A_422 : vector<16xf32>
        %add3A_864 = arith.addf %mul3A_863, %get3A_432 : vector<16xf32>
        %max3A_865 = arith.constant 0.000000e+00 : f32
        %max3A_866 = vector.broadcast %max3A_865 : f32 to vector<16xf32>
        %max3A_867 = arith.maximumf %add3A_864, %max3A_866 : vector<16xf32>
        %add3A_868 = arith.constant 2 : i32
        %add3A_869 = arith.addi %mul3A_775, %add3A_868 : i32
        %swap3A_870 = arith.index_cast %add3A_869 : i32 to index
        %swap3A_871 = arith.constant 0 : index
        %swap3A_872 = tpu.vector_load %arg9[%swap3A_870, %swap3A_871] {strides = array<i32>} : memref<1024x16xf32, #tpu.memory_space<vmem>>, vector<1x16xf32>,
        %swap3A_873 = vector.shape_cast %swap3A_872 : vector<1x16xf32> to vector<16xf32>
        %swap3A_874 = vector.shape_cast %max3A_862 : vector<16xf32> to vector<1x16xf32>
        tpu.vector_store %arg9[%swap3A_870, %swap3A_871], %swap3A_874 {strides = array<i32>} : memref<1024x16xf32, #tpu.memory_space<vmem>>, vector<1x16xf32>,
        %add3A_875 = arith.constant 2 : i32
        %add3A_876 = arith.addi %mul3A_775, %add3A_875 : i32
        %swap3A_877 = arith.index_cast %add3A_876 : i32 to index
        %swap3A_878 = arith.constant 0 : index
        %swap3A_879 = tpu.vector_load %arg10[%swap3A_877, %swap3A_878] {strides = array<i32>} : memref<1024x16xf32, #tpu.memory_space<vmem>>, vector<1x16xf32>,
        %swap3A_880 = vector.shape_cast %swap3A_879 : vector<1x16xf32> to vector<16xf32>
        %swap3A_881 = vector.shape_cast %max3A_867 : vector<16xf32> to vector<1x16xf32>
        tpu.vector_store %arg10[%swap3A_877, %swap3A_878], %swap3A_881 {strides = array<i32>} : memref<1024x16xf32, #tpu.memory_space<vmem>>, vector<1x16xf32>,
        %add3A_882 = arith.addf %add3A_804, %max3A_862 : vector<16xf32>
        %mul3A_883 = arith.mulf %max3A_862, %max3A_862 : vector<16xf32>
        %add3A_884 = arith.addf %add3A_806, %mul3A_883 : vector<16xf32>
        %add3A_885 = arith.addf %add3A_807, %max3A_867 : vector<16xf32>
        %mul3A_886 = arith.mulf %max3A_867, %max3A_867 : vector<16xf32>
        %add3A_887 = arith.addf %add3A_809, %mul3A_886 : vector<16xf32>
        %add3A_888 = arith.constant 2 : i32
        %add3A_889 = arith.addi %mul3A_775, %add3A_888 : i32
        %add3A_890 = arith.constant 1 : i32
        %add3A_891 = arith.addi %add3A_889, %add3A_890 : i32
        %get3A_892 = arith.index_cast %add3A_891 : i32 to index
        %get3A_893 = arith.constant 0 : index
        %get3A_894 = tpu.vector_load %arg6[%get3A_892, %get3A_893] {strides = array<i32>} : memref<1024x16xf32, #tpu.memory_space<vmem>>, vector<1x16xf32>,
        %get3A_895 = vector.shape_cast %get3A_894 : vector<1x16xf32> to vector<16xf32>
        %mul3A_896 = arith.mulf %get3A_895, %get3A_417 : vector<16xf32>
        %add3A_897 = arith.addf %mul3A_896, %get3A_427 : vector<16xf32>
        %max3A_898 = arith.constant 0.000000e+00 : f32
        %max3A_899 = vector.broadcast %max3A_898 : f32 to vector<16xf32>
        %max3A_900 = arith.maximumf %add3A_897, %max3A_899 : vector<16xf32>
        %mul3A_901 = arith.mulf %get3A_895, %get3A_422 : vector<16xf32>
        %add3A_902 = arith.addf %mul3A_901, %get3A_432 : vector<16xf32>
        %max3A_903 = arith.constant 0.000000e+00 : f32
        %max3A_904 = vector.broadcast %max3A_903 : f32 to vector<16xf32>
        %max3A_905 = arith.maximumf %add3A_902, %max3A_904 : vector<16xf32>
        %add3A_906 = arith.constant 2 : i32
        %add3A_907 = arith.addi %mul3A_775, %add3A_906 : i32
        %add3A_908 = arith.constant 1 : i32
        %add3A_909 = arith.addi %add3A_907, %add3A_908 : i32
        %swap3A_910 = arith.index_cast %add3A_909 : i32 to index
        %swap3A_911 = arith.constant 0 : index
        %swap3A_912 = tpu.vector_load %arg9[%swap3A_910, %swap3A_911] {strides = array<i32>} : memref<1024x16xf32, #tpu.memory_space<vmem>>, vector<1x16xf32>,
        %swap3A_913 = vector.shape_cast %swap3A_912 : vector<1x16xf32> to vector<16xf32>
        %swap3A_914 = vector.shape_cast %max3A_900 : vector<16xf32> to vector<1x16xf32>
        tpu.vector_store %arg9[%swap3A_910, %swap3A_911], %swap3A_914 {strides = array<i32>} : memref<1024x16xf32, #tpu.memory_space<vmem>>, vector<1x16xf32>,
        %add3A_915 = arith.constant 2 : i32
        %add3A_916 = arith.addi %mul3A_775, %add3A_915 : i32
        %add3A_917 = arith.constant 1 : i32
        %add3A_918 = arith.addi %add3A_916, %add3A_917 : i32
        %swap3A_919 = arith.index_cast %add3A_918 : i32 to index
        %swap3A_920 = arith.constant 0 : index
        %swap3A_921 = tpu.vector_load %arg10[%swap3A_919, %swap3A_920] {strides = array<i32>} : memref<1024x16xf32, #tpu.memory_space<vmem>>, vector<1x16xf32>,
        %swap3A_922 = vector.shape_cast %swap3A_921 : vector<1x16xf32> to vector<16xf32>
        %swap3A_923 = vector.shape_cast %max3A_905 : vector<16xf32> to vector<1x16xf32>
        tpu.vector_store %arg10[%swap3A_919, %swap3A_920], %swap3A_923 {strides = array<i32>} : memref<1024x16xf32, #tpu.memory_space<vmem>>, vector<1x16xf32>,
        %add3A_924 = arith.addf %add3A_846, %max3A_900 : vector<16xf32>
        %mul3A_925 = arith.mulf %max3A_900, %max3A_900 : vector<16xf32>
        %add3A_926 = arith.addf %add3A_848, %mul3A_925 : vector<16xf32>
        %add3A_927 = arith.addf %add3A_849, %max3A_905 : vector<16xf32>
        %mul3A_928 = arith.mulf %max3A_905, %max3A_905 : vector<16xf32>
        %add3A_929 = arith.addf %add3A_851, %mul3A_928 : vector<16xf32>
        scf.yield %add3A_882, %add3A_884, %add3A_885, %add3A_887, %add3A_924, %add3A_926, %add3A_927, %add3A_929 : vector<16xf32>, vector<16xf32>, vector<16xf32>, vector<16xf32>, vector<16xf32>, vector<16xf32>, vector<16xf32>, vector<16xf32>
      }
      %scan3A_480 = arith.constant 256 : i32
      %add3A_481 = arith.addf %scan3A_479#0, %scan3A_479#4 : vector<16xf32>
      %add3A_482 = arith.addf %scan3A_479#1, %scan3A_479#5 : vector<16xf32>
      %add3A_483 = arith.addf %scan3A_479#2, %scan3A_479#6 : vector<16xf32>
      %add3A_484 = arith.addf %scan3A_479#3, %scan3A_479#7 : vector<16xf32>
      %mul3A_485 = arith.constant 9.765625E-4 : f32
      %mul3A_486 = vector.broadcast %mul3A_485 : f32 to vector<16xf32>
      %mul3A_487 = arith.mulf %add3A_481, %mul3A_486 : vector<16xf32>
      %mul3A_488 = arith.constant 9.765625E-4 : f32
      %mul3A_489 = vector.broadcast %mul3A_488 : f32 to vector<16xf32>
      %mul3A_490 = arith.mulf %add3A_483, %mul3A_489 : vector<16xf32>
      %mul3A_491 = arith.constant 9.765625E-4 : f32
      %mul3A_492 = vector.broadcast %mul3A_491 : f32 to vector<16xf32>
      %mul3A_493 = arith.mulf %add3A_482, %mul3A_492 : vector<16xf32>
      %mul3A_494 = arith.mulf %mul3A_487, %mul3A_487 : vector<16xf32>
      %sub3A_495 = arith.subf %mul3A_493, %mul3A_494 : vector<16xf32>
      %add3A_496 = arith.constant 9.99999974E-6 : f32
      %add3A_497 = vector.broadcast %add3A_496 : f32 to vector<16xf32>
      %add3A_498 = arith.addf %sub3A_495, %add3A_497 : vector<16xf32>
      %bitcast_convert_type3A_499 = tpu.bitcast %add3A_498 : vector<16xf32> -> vector<16xi32>
      %shift_right_arithmetic3A_500 = arith.constant 1 : i32
      %shift_right_arithmetic3A_501 = vector.broadcast %shift_right_arithmetic3A_500 : i32 to vector<16xi32>
      %shift_right_arithmetic3A_502 = arith.shrsi %bitcast_convert_type3A_499, %shift_right_arithmetic3A_501 : vector<16xi32>
      %sub3A_503 = arith.constant 1597463007 : i32
      %sub3A_504 = vector.broadcast %sub3A_503 : i32 to vector<16xi32>
      %sub3A_505 = arith.subi %sub3A_504, %shift_right_arithmetic3A_502 : vector<16xi32>
      %bitcast_convert_type3A_506 = tpu.bitcast %sub3A_505 : vector<16xi32> -> vector<16xf32>
      %mul3A_507 = arith.constant 5.000000e-01 : f32
      %mul3A_508 = vector.broadcast %mul3A_507 : f32 to vector<16xf32>
      %mul3A_509 = arith.mulf %mul3A_508, %add3A_498 : vector<16xf32>
      %mul3A_510 = arith.mulf %mul3A_509, %bitcast_convert_type3A_506 : vector<16xf32>
      %mul3A_511 = arith.mulf %mul3A_510, %bitcast_convert_type3A_506 : vector<16xf32>
      %sub3A_512 = arith.constant 1.500000e+00 : f32
      %sub3A_513 = vector.broadcast %sub3A_512 : f32 to vector<16xf32>
      %sub3A_514 = arith.subf %sub3A_513, %mul3A_511 : vector<16xf32>
      %mul3A_515 = arith.mulf %bitcast_convert_type3A_506, %sub3A_514 : vector<16xf32>
      %mul3A_516 = arith.constant 5.000000e-01 : f32
      %mul3A_517 = vector.broadcast %mul3A_516 : f32 to vector<16xf32>
      %mul3A_518 = arith.mulf %mul3A_517, %add3A_498 : vector<16xf32>
      %mul3A_519 = arith.mulf %mul3A_518, %mul3A_515 : vector<16xf32>
      %mul3A_520 = arith.mulf %mul3A_519, %mul3A_515 : vector<16xf32>
      %sub3A_521 = arith.constant 1.500000e+00 : f32
      %sub3A_522 = vector.broadcast %sub3A_521 : f32 to vector<16xf32>
      %sub3A_523 = arith.subf %sub3A_522, %mul3A_520 : vector<16xf32>
      %mul3A_524 = arith.mulf %mul3A_515, %sub3A_523 : vector<16xf32>
      %mul3A_525 = arith.constant 5.000000e-01 : f32
      %mul3A_526 = vector.broadcast %mul3A_525 : f32 to vector<16xf32>
      %mul3A_527 = arith.mulf %mul3A_526, %add3A_498 : vector<16xf32>
      %mul3A_528 = arith.mulf %mul3A_527, %mul3A_524 : vector<16xf32>
      %mul3A_529 = arith.mulf %mul3A_528, %mul3A_524 : vector<16xf32>
      %sub3A_530 = arith.constant 1.500000e+00 : f32
      %sub3A_531 = vector.broadcast %sub3A_530 : f32 to vector<16xf32>
      %sub3A_532 = arith.subf %sub3A_531, %mul3A_529 : vector<16xf32>
      %mul3A_533 = arith.mulf %mul3A_524, %sub3A_532 : vector<16xf32>
      %mul3A_534 = arith.constant 9.765625E-4 : f32
      %mul3A_535 = vector.broadcast %mul3A_534 : f32 to vector<16xf32>
      %mul3A_536 = arith.mulf %add3A_484, %mul3A_535 : vector<16xf32>
      %mul3A_537 = arith.mulf %mul3A_490, %mul3A_490 : vector<16xf32>
      %sub3A_538 = arith.subf %mul3A_536, %mul3A_537 : vector<16xf32>
      %add3A_539 = arith.constant 9.99999974E-6 : f32
      %add3A_540 = vector.broadcast %add3A_539 : f32 to vector<16xf32>
      %add3A_541 = arith.addf %sub3A_538, %add3A_540 : vector<16xf32>
      %bitcast_convert_type3A_542 = tpu.bitcast %add3A_541 : vector<16xf32> -> vector<16xi32>
      %shift_right_arithmetic3A_543 = arith.constant 1 : i32
      %shift_right_arithmetic3A_544 = vector.broadcast %shift_right_arithmetic3A_543 : i32 to vector<16xi32>
      %shift_right_arithmetic3A_545 = arith.shrsi %bitcast_convert_type3A_542, %shift_right_arithmetic3A_544 : vector<16xi32>
      %sub3A_546 = arith.constant 1597463007 : i32
      %sub3A_547 = vector.broadcast %sub3A_546 : i32 to vector<16xi32>
      %sub3A_548 = arith.subi %sub3A_547, %shift_right_arithmetic3A_545 : vector<16xi32>
      %bitcast_convert_type3A_549 = tpu.bitcast %sub3A_548 : vector<16xi32> -> vector<16xf32>
      %mul3A_550 = arith.constant 5.000000e-01 : f32
      %mul3A_551 = vector.broadcast %mul3A_550 : f32 to vector<16xf32>
      %mul3A_552 = arith.mulf %mul3A_551, %add3A_541 : vector<16xf32>
      %mul3A_553 = arith.mulf %mul3A_552, %bitcast_convert_type3A_549 : vector<16xf32>
      %mul3A_554 = arith.mulf %mul3A_553, %bitcast_convert_type3A_549 : vector<16xf32>
      %sub3A_555 = arith.constant 1.500000e+00 : f32
      %sub3A_556 = vector.broadcast %sub3A_555 : f32 to vector<16xf32>
      %sub3A_557 = arith.subf %sub3A_556, %mul3A_554 : vector<16xf32>
      %mul3A_558 = arith.mulf %bitcast_convert_type3A_549, %sub3A_557 : vector<16xf32>
      %mul3A_559 = arith.constant 5.000000e-01 : f32
      %mul3A_560 = vector.broadcast %mul3A_559 : f32 to vector<16xf32>
      %mul3A_561 = arith.mulf %mul3A_560, %add3A_541 : vector<16xf32>
      %mul3A_562 = arith.mulf %mul3A_561, %mul3A_558 : vector<16xf32>
      %mul3A_563 = arith.mulf %mul3A_562, %mul3A_558 : vector<16xf32>
      %sub3A_564 = arith.constant 1.500000e+00 : f32
      %sub3A_565 = vector.broadcast %sub3A_564 : f32 to vector<16xf32>
      %sub3A_566 = arith.subf %sub3A_565, %mul3A_563 : vector<16xf32>
      %mul3A_567 = arith.mulf %mul3A_558, %sub3A_566 : vector<16xf32>
      %mul3A_568 = arith.constant 5.000000e-01 : f32
      %mul3A_569 = vector.broadcast %mul3A_568 : f32 to vector<16xf32>
      %mul3A_570 = arith.mulf %mul3A_569, %add3A_541 : vector<16xf32>
      %mul3A_571 = arith.mulf %mul3A_570, %mul3A_567 : vector<16xf32>
      %mul3A_572 = arith.mulf %mul3A_571, %mul3A_567 : vector<16xf32>
      %sub3A_573 = arith.constant 1.500000e+00 : f32
      %sub3A_574 = vector.broadcast %sub3A_573 : f32 to vector<16xf32>
      %sub3A_575 = arith.subf %sub3A_574, %mul3A_572 : vector<16xf32>
      %mul3A_576 = arith.mulf %mul3A_567, %sub3A_575 : vector<16xf32>
      %neg3A_577 = arith.constant 0.000000e+00 : f32
      %neg3A_578 = vector.broadcast %neg3A_577 : f32 to vector<16xf32>
      %neg3A_579 = arith.subf %neg3A_578, %mul3A_487 : vector<16xf32>
      %mul3A_580 = arith.mulf %neg3A_579, %mul3A_533 : vector<16xf32>
      %neg3A_581 = arith.constant 0.000000e+00 : f32
      %neg3A_582 = vector.broadcast %neg3A_581 : f32 to vector<16xf32>
      %neg3A_583 = arith.subf %neg3A_582, %mul3A_490 : vector<16xf32>
      %mul3A_584 = arith.mulf %neg3A_583, %mul3A_576 : vector<16xf32>
      %gt3A_585 = arith.constant 0 : i32
      %gt3A_586 = arith.cmpi sgt, %add3A_392, %gt3A_585 : i32
      %convert_element_type3A_587 = arith.extui %gt3A_586 : i1 to i32
      %cond3A_588 = arith.constant 0 : i32
      %cond3A_589 = arith.cmpi ne, %convert_element_type3A_587, %cond3A_588 : i32
      scf.if %cond3A_589 {
        %sub3A_765 = arith.constant 1 : i32
        %sub3A_766 = arith.subi %add3A_392, %sub3A_765 : i32
        %mul3A_767 = arith.constant 32 : i32
        %mul3A_768 = arith.muli %mul3A_767, %sub3A_766 : i32
        %add3A_769 = arith.addi %add3A, %mul3A_768 : i32
        %mul3A_770 = arith.constant 16 : i32
        %mul3A_771 = arith.muli %add3A_769, %mul3A_770 : i32
        %dma_wait3A_772 = arith.constant 0 : i32
        %dma_wait3A_773 = tpu.memref_slice %arg4[%dma_wait3A_772, %mul3A_771] : memref<1024x6144xf32, #tpu.memory_space<hbm>> -> memref<1024x16xf32, #tpu.memory_space<hbm>>
        %dma_wait3A_774 = arith.constant 0 : i32
        %dma_wait3A_775 = tpu.memref_slice %arg4[%dma_wait3A_774, %mul3A_771] : memref<1024x6144xf32, #tpu.memory_space<hbm>> -> memref<1024x16xf32, #tpu.memory_space<hbm>>
        tpu.wait_dma2 semaphore(%arg17 : memref<!tpu.dma_semaphore, #tpu.memory_space<semaphore_mem>>) src(%arg12 : memref<1024x16xf32, #tpu.memory_space<vmem>>) dst(%dma_wait3A_775 : memref<1024x16xf32, #tpu.memory_space<hbm>>)
      } else {
      }
      %scan3A_590 = arith.constant 0 : i32
      %scan3A_591 = arith.constant 256 : i32
      %scan3A_592 = arith.addi %scan3A_590, %scan3A_591 : i32
      %scan3A_593 = arith.constant 1 : i32
      %scan3A_594:8 = scf.for %scan3A_765 = %scan3A_590 to %scan3A_592 step %scan3A_593 iter_args(%scan3A_766 = %broadcast_in_dim3A_474, %scan3A_767 = %broadcast_in_dim3A_474, %scan3A_768 = %broadcast_in_dim3A_474, %scan3A_769 = %broadcast_in_dim3A_474, %scan3A_770 = %broadcast_in_dim3A_474, %scan3A_771 = %broadcast_in_dim3A_474, %scan3A_772 = %broadcast_in_dim3A_474, %scan3A_773 = %broadcast_in_dim3A_474) -> (vector<16xf32>, vector<16xf32>, vector<16xf32>, vector<16xf32>, vector<16xf32>, vector<16xf32>, vector<16xf32>, vector<16xf32>)  : i32 {
        %mul3A_774 = arith.constant 4 : i32
        %mul3A_775 = arith.muli %scan3A_765, %mul3A_774 : i32
        %add3A_776 = arith.constant 0 : i32
        %add3A_777 = arith.addi %mul3A_775, %add3A_776 : i32
        %get3A_778 = arith.index_cast %add3A_777 : i32 to index
        %get3A_779 = arith.constant 0 : index
        %get3A_780 = tpu.vector_load %arg9[%get3A_778, %get3A_779] {strides = array<i32>} : memref<1024x16xf32, #tpu.memory_space<vmem>>, vector<1x16xf32>,
        %get3A_781 = vector.shape_cast %get3A_780 : vector<1x16xf32> to vector<16xf32>
        %mul3A_782 = arith.mulf %get3A_781, %mul3A_533 : vector<16xf32>
        %add3A_783 = arith.addf %mul3A_782, %mul3A_580 : vector<16xf32>
        %add3A_784 = arith.constant 0 : i32
        %add3A_785 = arith.addi %mul3A_775, %add3A_784 : i32
        %get3A_786 = arith.index_cast %add3A_785 : i32 to index
        %get3A_787 = arith.constant 0 : index
        %get3A_788 = tpu.vector_load %arg10[%get3A_786, %get3A_787] {strides = array<i32>} : memref<1024x16xf32, #tpu.memory_space<vmem>>, vector<1x16xf32>,
        %get3A_789 = vector.shape_cast %get3A_788 : vector<1x16xf32> to vector<16xf32>
        %mul3A_790 = arith.mulf %get3A_789, %mul3A_576 : vector<16xf32>
        %add3A_791 = arith.addf %mul3A_790, %mul3A_584 : vector<16xf32>
        %mul3A_792 = arith.mulf %add3A_783, %get3A_437 : vector<16xf32>
        %mul3A_793 = arith.mulf %add3A_791, %get3A_442 : vector<16xf32>
        %add3A_794 = arith.addf %mul3A_792, %mul3A_793 : vector<16xf32>
        %add3A_795 = arith.addf %add3A_794, %get3A_457 : vector<16xf32>
        %max3A = arith.constant 0.000000e+00 : f32
        %max3A_796 = vector.broadcast %max3A : f32 to vector<16xf32>
        %max3A_797 = arith.maximumf %add3A_795, %max3A_796 : vector<16xf32>
        %mul3A_798 = arith.mulf %add3A_783, %get3A_447 : vector<16xf32>
        %mul3A_799 = arith.mulf %add3A_791, %get3A_452 : vector<16xf32>
        %add3A_800 = arith.addf %mul3A_798, %mul3A_799 : vector<16xf32>
        %add3A_801 = arith.addf %add3A_800, %get3A_462 : vector<16xf32>
        %max3A_802 = arith.constant 0.000000e+00 : f32
        %max3A_803 = vector.broadcast %max3A_802 : f32 to vector<16xf32>
        %max3A_804 = arith.maximumf %add3A_801, %max3A_803 : vector<16xf32>
        %add3A_805 = arith.constant 0 : i32
        %add3A_806 = arith.addi %mul3A_775, %add3A_805 : i32
        %swap3A = arith.index_cast %add3A_806 : i32 to index
        %swap3A_807 = arith.constant 0 : index
        %swap3A_808 = tpu.vector_load %arg11[%swap3A, %swap3A_807] {strides = array<i32>} : memref<1024x16xf32, #tpu.memory_space<vmem>>, vector<1x16xf32>,
        %swap3A_809 = vector.shape_cast %swap3A_808 : vector<1x16xf32> to vector<16xf32>
        %swap3A_810 = vector.shape_cast %max3A_797 : vector<16xf32> to vector<1x16xf32>
        tpu.vector_store %arg11[%swap3A, %swap3A_807], %swap3A_810 {strides = array<i32>} : memref<1024x16xf32, #tpu.memory_space<vmem>>, vector<1x16xf32>,
        %add3A_811 = arith.constant 0 : i32
        %add3A_812 = arith.addi %mul3A_775, %add3A_811 : i32
        %swap3A_813 = arith.index_cast %add3A_812 : i32 to index
        %swap3A_814 = arith.constant 0 : index
        %swap3A_815 = tpu.vector_load %arg12[%swap3A_813, %swap3A_814] {strides = array<i32>} : memref<1024x16xf32, #tpu.memory_space<vmem>>, vector<1x16xf32>,
        %swap3A_816 = vector.shape_cast %swap3A_815 : vector<1x16xf32> to vector<16xf32>
        %swap3A_817 = vector.shape_cast %max3A_804 : vector<16xf32> to vector<1x16xf32>
        tpu.vector_store %arg12[%swap3A_813, %swap3A_814], %swap3A_817 {strides = array<i32>} : memref<1024x16xf32, #tpu.memory_space<vmem>>, vector<1x16xf32>,
        %add3A_818 = arith.addf %scan3A_766, %max3A_797 : vector<16xf32>
        %mul3A_819 = arith.mulf %max3A_797, %max3A_797 : vector<16xf32>
        %add3A_820 = arith.addf %scan3A_767, %mul3A_819 : vector<16xf32>
        %add3A_821 = arith.addf %scan3A_768, %max3A_804 : vector<16xf32>
        %mul3A_822 = arith.mulf %max3A_804, %max3A_804 : vector<16xf32>
        %add3A_823 = arith.addf %scan3A_769, %mul3A_822 : vector<16xf32>
        %add3A_824 = arith.constant 0 : i32
        %add3A_825 = arith.addi %mul3A_775, %add3A_824 : i32
        %add3A_826 = arith.constant 1 : i32
        %add3A_827 = arith.addi %add3A_825, %add3A_826 : i32
        %get3A_828 = arith.index_cast %add3A_827 : i32 to index
        %get3A_829 = arith.constant 0 : index
        %get3A_830 = tpu.vector_load %arg9[%get3A_828, %get3A_829] {strides = array<i32>} : memref<1024x16xf32, #tpu.memory_space<vmem>>, vector<1x16xf32>,
        %get3A_831 = vector.shape_cast %get3A_830 : vector<1x16xf32> to vector<16xf32>
        %mul3A_832 = arith.mulf %get3A_831, %mul3A_533 : vector<16xf32>
        %add3A_833 = arith.addf %mul3A_832, %mul3A_580 : vector<16xf32>
        %add3A_834 = arith.constant 0 : i32
        %add3A_835 = arith.addi %mul3A_775, %add3A_834 : i32
        %add3A_836 = arith.constant 1 : i32
        %add3A_837 = arith.addi %add3A_835, %add3A_836 : i32
        %get3A_838 = arith.index_cast %add3A_837 : i32 to index
        %get3A_839 = arith.constant 0 : index
        %get3A_840 = tpu.vector_load %arg10[%get3A_838, %get3A_839] {strides = array<i32>} : memref<1024x16xf32, #tpu.memory_space<vmem>>, vector<1x16xf32>,
        %get3A_841 = vector.shape_cast %get3A_840 : vector<1x16xf32> to vector<16xf32>
        %mul3A_842 = arith.mulf %get3A_841, %mul3A_576 : vector<16xf32>
        %add3A_843 = arith.addf %mul3A_842, %mul3A_584 : vector<16xf32>
        %mul3A_844 = arith.mulf %add3A_833, %get3A_437 : vector<16xf32>
        %mul3A_845 = arith.mulf %add3A_843, %get3A_442 : vector<16xf32>
        %add3A_846 = arith.addf %mul3A_844, %mul3A_845 : vector<16xf32>
        %add3A_847 = arith.addf %add3A_846, %get3A_457 : vector<16xf32>
        %max3A_848 = arith.constant 0.000000e+00 : f32
        %max3A_849 = vector.broadcast %max3A_848 : f32 to vector<16xf32>
        %max3A_850 = arith.maximumf %add3A_847, %max3A_849 : vector<16xf32>
        %mul3A_851 = arith.mulf %add3A_833, %get3A_447 : vector<16xf32>
        %mul3A_852 = arith.mulf %add3A_843, %get3A_452 : vector<16xf32>
        %add3A_853 = arith.addf %mul3A_851, %mul3A_852 : vector<16xf32>
        %add3A_854 = arith.addf %add3A_853, %get3A_462 : vector<16xf32>
        %max3A_855 = arith.constant 0.000000e+00 : f32
        %max3A_856 = vector.broadcast %max3A_855 : f32 to vector<16xf32>
        %max3A_857 = arith.maximumf %add3A_854, %max3A_856 : vector<16xf32>
        %add3A_858 = arith.constant 0 : i32
        %add3A_859 = arith.addi %mul3A_775, %add3A_858 : i32
        %add3A_860 = arith.constant 1 : i32
        %add3A_861 = arith.addi %add3A_859, %add3A_860 : i32
        %swap3A_862 = arith.index_cast %add3A_861 : i32 to index
        %swap3A_863 = arith.constant 0 : index
        %swap3A_864 = tpu.vector_load %arg11[%swap3A_862, %swap3A_863] {strides = array<i32>} : memref<1024x16xf32, #tpu.memory_space<vmem>>, vector<1x16xf32>,
        %swap3A_865 = vector.shape_cast %swap3A_864 : vector<1x16xf32> to vector<16xf32>
        %swap3A_866 = vector.shape_cast %max3A_850 : vector<16xf32> to vector<1x16xf32>
        tpu.vector_store %arg11[%swap3A_862, %swap3A_863], %swap3A_866 {strides = array<i32>} : memref<1024x16xf32, #tpu.memory_space<vmem>>, vector<1x16xf32>,
        %add3A_867 = arith.constant 0 : i32
        %add3A_868 = arith.addi %mul3A_775, %add3A_867 : i32
        %add3A_869 = arith.constant 1 : i32
        %add3A_870 = arith.addi %add3A_868, %add3A_869 : i32
        %swap3A_871 = arith.index_cast %add3A_870 : i32 to index
        %swap3A_872 = arith.constant 0 : index
        %swap3A_873 = tpu.vector_load %arg12[%swap3A_871, %swap3A_872] {strides = array<i32>} : memref<1024x16xf32, #tpu.memory_space<vmem>>, vector<1x16xf32>,
        %swap3A_874 = vector.shape_cast %swap3A_873 : vector<1x16xf32> to vector<16xf32>
        %swap3A_875 = vector.shape_cast %max3A_857 : vector<16xf32> to vector<1x16xf32>
        tpu.vector_store %arg12[%swap3A_871, %swap3A_872], %swap3A_875 {strides = array<i32>} : memref<1024x16xf32, #tpu.memory_space<vmem>>, vector<1x16xf32>,
        %add3A_876 = arith.addf %scan3A_770, %max3A_850 : vector<16xf32>
        %mul3A_877 = arith.mulf %max3A_850, %max3A_850 : vector<16xf32>
        %add3A_878 = arith.addf %scan3A_771, %mul3A_877 : vector<16xf32>
        %add3A_879 = arith.addf %scan3A_772, %max3A_857 : vector<16xf32>
        %mul3A_880 = arith.mulf %max3A_857, %max3A_857 : vector<16xf32>
        %add3A_881 = arith.addf %scan3A_773, %mul3A_880 : vector<16xf32>
        %add3A_882 = arith.constant 2 : i32
        %add3A_883 = arith.addi %mul3A_775, %add3A_882 : i32
        %get3A_884 = arith.index_cast %add3A_883 : i32 to index
        %get3A_885 = arith.constant 0 : index
        %get3A_886 = tpu.vector_load %arg9[%get3A_884, %get3A_885] {strides = array<i32>} : memref<1024x16xf32, #tpu.memory_space<vmem>>, vector<1x16xf32>,
        %get3A_887 = vector.shape_cast %get3A_886 : vector<1x16xf32> to vector<16xf32>
        %mul3A_888 = arith.mulf %get3A_887, %mul3A_533 : vector<16xf32>
        %add3A_889 = arith.addf %mul3A_888, %mul3A_580 : vector<16xf32>
        %add3A_890 = arith.constant 2 : i32
        %add3A_891 = arith.addi %mul3A_775, %add3A_890 : i32
        %get3A_892 = arith.index_cast %add3A_891 : i32 to index
        %get3A_893 = arith.constant 0 : index
        %get3A_894 = tpu.vector_load %arg10[%get3A_892, %get3A_893] {strides = array<i32>} : memref<1024x16xf32, #tpu.memory_space<vmem>>, vector<1x16xf32>,
        %get3A_895 = vector.shape_cast %get3A_894 : vector<1x16xf32> to vector<16xf32>
        %mul3A_896 = arith.mulf %get3A_895, %mul3A_576 : vector<16xf32>
        %add3A_897 = arith.addf %mul3A_896, %mul3A_584 : vector<16xf32>
        %mul3A_898 = arith.mulf %add3A_889, %get3A_437 : vector<16xf32>
        %mul3A_899 = arith.mulf %add3A_897, %get3A_442 : vector<16xf32>
        %add3A_900 = arith.addf %mul3A_898, %mul3A_899 : vector<16xf32>
        %add3A_901 = arith.addf %add3A_900, %get3A_457 : vector<16xf32>
        %max3A_902 = arith.constant 0.000000e+00 : f32
        %max3A_903 = vector.broadcast %max3A_902 : f32 to vector<16xf32>
        %max3A_904 = arith.maximumf %add3A_901, %max3A_903 : vector<16xf32>
        %mul3A_905 = arith.mulf %add3A_889, %get3A_447 : vector<16xf32>
        %mul3A_906 = arith.mulf %add3A_897, %get3A_452 : vector<16xf32>
        %add3A_907 = arith.addf %mul3A_905, %mul3A_906 : vector<16xf32>
        %add3A_908 = arith.addf %add3A_907, %get3A_462 : vector<16xf32>
        %max3A_909 = arith.constant 0.000000e+00 : f32
        %max3A_910 = vector.broadcast %max3A_909 : f32 to vector<16xf32>
        %max3A_911 = arith.maximumf %add3A_908, %max3A_910 : vector<16xf32>
        %add3A_912 = arith.constant 2 : i32
        %add3A_913 = arith.addi %mul3A_775, %add3A_912 : i32
        %swap3A_914 = arith.index_cast %add3A_913 : i32 to index
        %swap3A_915 = arith.constant 0 : index
        %swap3A_916 = tpu.vector_load %arg11[%swap3A_914, %swap3A_915] {strides = array<i32>} : memref<1024x16xf32, #tpu.memory_space<vmem>>, vector<1x16xf32>,
        %swap3A_917 = vector.shape_cast %swap3A_916 : vector<1x16xf32> to vector<16xf32>
        %swap3A_918 = vector.shape_cast %max3A_904 : vector<16xf32> to vector<1x16xf32>
        tpu.vector_store %arg11[%swap3A_914, %swap3A_915], %swap3A_918 {strides = array<i32>} : memref<1024x16xf32, #tpu.memory_space<vmem>>, vector<1x16xf32>,
        %add3A_919 = arith.constant 2 : i32
        %add3A_920 = arith.addi %mul3A_775, %add3A_919 : i32
        %swap3A_921 = arith.index_cast %add3A_920 : i32 to index
        %swap3A_922 = arith.constant 0 : index
        %swap3A_923 = tpu.vector_load %arg12[%swap3A_921, %swap3A_922] {strides = array<i32>} : memref<1024x16xf32, #tpu.memory_space<vmem>>, vector<1x16xf32>,
        %swap3A_924 = vector.shape_cast %swap3A_923 : vector<1x16xf32> to vector<16xf32>
        %swap3A_925 = vector.shape_cast %max3A_911 : vector<16xf32> to vector<1x16xf32>
        tpu.vector_store %arg12[%swap3A_921, %swap3A_922], %swap3A_925 {strides = array<i32>} : memref<1024x16xf32, #tpu.memory_space<vmem>>, vector<1x16xf32>,
        %add3A_926 = arith.addf %add3A_818, %max3A_904 : vector<16xf32>
        %mul3A_927 = arith.mulf %max3A_904, %max3A_904 : vector<16xf32>
        %add3A_928 = arith.addf %add3A_820, %mul3A_927 : vector<16xf32>
        %add3A_929 = arith.addf %add3A_821, %max3A_911 : vector<16xf32>
        %mul3A_930 = arith.mulf %max3A_911, %max3A_911 : vector<16xf32>
        %add3A_931 = arith.addf %add3A_823, %mul3A_930 : vector<16xf32>
        %add3A_932 = arith.constant 2 : i32
        %add3A_933 = arith.addi %mul3A_775, %add3A_932 : i32
        %add3A_934 = arith.constant 1 : i32
        %add3A_935 = arith.addi %add3A_933, %add3A_934 : i32
        %get3A_936 = arith.index_cast %add3A_935 : i32 to index
        %get3A_937 = arith.constant 0 : index
        %get3A_938 = tpu.vector_load %arg9[%get3A_936, %get3A_937] {strides = array<i32>} : memref<1024x16xf32, #tpu.memory_space<vmem>>, vector<1x16xf32>,
        %get3A_939 = vector.shape_cast %get3A_938 : vector<1x16xf32> to vector<16xf32>
        %mul3A_940 = arith.mulf %get3A_939, %mul3A_533 : vector<16xf32>
        %add3A_941 = arith.addf %mul3A_940, %mul3A_580 : vector<16xf32>
        %add3A_942 = arith.constant 2 : i32
        %add3A_943 = arith.addi %mul3A_775, %add3A_942 : i32
        %add3A_944 = arith.constant 1 : i32
        %add3A_945 = arith.addi %add3A_943, %add3A_944 : i32
        %get3A_946 = arith.index_cast %add3A_945 : i32 to index
        %get3A_947 = arith.constant 0 : index
        %get3A_948 = tpu.vector_load %arg10[%get3A_946, %get3A_947] {strides = array<i32>} : memref<1024x16xf32, #tpu.memory_space<vmem>>, vector<1x16xf32>,
        %get3A_949 = vector.shape_cast %get3A_948 : vector<1x16xf32> to vector<16xf32>
        %mul3A_950 = arith.mulf %get3A_949, %mul3A_576 : vector<16xf32>
        %add3A_951 = arith.addf %mul3A_950, %mul3A_584 : vector<16xf32>
        %mul3A_952 = arith.mulf %add3A_941, %get3A_437 : vector<16xf32>
        %mul3A_953 = arith.mulf %add3A_951, %get3A_442 : vector<16xf32>
        %add3A_954 = arith.addf %mul3A_952, %mul3A_953 : vector<16xf32>
        %add3A_955 = arith.addf %add3A_954, %get3A_457 : vector<16xf32>
        %max3A_956 = arith.constant 0.000000e+00 : f32
        %max3A_957 = vector.broadcast %max3A_956 : f32 to vector<16xf32>
        %max3A_958 = arith.maximumf %add3A_955, %max3A_957 : vector<16xf32>
        %mul3A_959 = arith.mulf %add3A_941, %get3A_447 : vector<16xf32>
        %mul3A_960 = arith.mulf %add3A_951, %get3A_452 : vector<16xf32>
        %add3A_961 = arith.addf %mul3A_959, %mul3A_960 : vector<16xf32>
        %add3A_962 = arith.addf %add3A_961, %get3A_462 : vector<16xf32>
        %max3A_963 = arith.constant 0.000000e+00 : f32
        %max3A_964 = vector.broadcast %max3A_963 : f32 to vector<16xf32>
        %max3A_965 = arith.maximumf %add3A_962, %max3A_964 : vector<16xf32>
        %add3A_966 = arith.constant 2 : i32
        %add3A_967 = arith.addi %mul3A_775, %add3A_966 : i32
        %add3A_968 = arith.constant 1 : i32
        %add3A_969 = arith.addi %add3A_967, %add3A_968 : i32
        %swap3A_970 = arith.index_cast %add3A_969 : i32 to index
        %swap3A_971 = arith.constant 0 : index
        %swap3A_972 = tpu.vector_load %arg11[%swap3A_970, %swap3A_971] {strides = array<i32>} : memref<1024x16xf32, #tpu.memory_space<vmem>>, vector<1x16xf32>,
        %swap3A_973 = vector.shape_cast %swap3A_972 : vector<1x16xf32> to vector<16xf32>
        %swap3A_974 = vector.shape_cast %max3A_958 : vector<16xf32> to vector<1x16xf32>
        tpu.vector_store %arg11[%swap3A_970, %swap3A_971], %swap3A_974 {strides = array<i32>} : memref<1024x16xf32, #tpu.memory_space<vmem>>, vector<1x16xf32>,
        %add3A_975 = arith.constant 2 : i32
        %add3A_976 = arith.addi %mul3A_775, %add3A_975 : i32
        %add3A_977 = arith.constant 1 : i32
        %add3A_978 = arith.addi %add3A_976, %add3A_977 : i32
        %swap3A_979 = arith.index_cast %add3A_978 : i32 to index
        %swap3A_980 = arith.constant 0 : index
        %swap3A_981 = tpu.vector_load %arg12[%swap3A_979, %swap3A_980] {strides = array<i32>} : memref<1024x16xf32, #tpu.memory_space<vmem>>, vector<1x16xf32>,
        %swap3A_982 = vector.shape_cast %swap3A_981 : vector<1x16xf32> to vector<16xf32>
        %swap3A_983 = vector.shape_cast %max3A_965 : vector<16xf32> to vector<1x16xf32>
        tpu.vector_store %arg12[%swap3A_979, %swap3A_980], %swap3A_983 {strides = array<i32>} : memref<1024x16xf32, #tpu.memory_space<vmem>>, vector<1x16xf32>,
        %add3A_984 = arith.addf %add3A_876, %max3A_958 : vector<16xf32>
        %mul3A_985 = arith.mulf %max3A_958, %max3A_958 : vector<16xf32>
        %add3A_986 = arith.addf %add3A_878, %mul3A_985 : vector<16xf32>
        %add3A_987 = arith.addf %add3A_879, %max3A_965 : vector<16xf32>
        %mul3A_988 = arith.mulf %max3A_965, %max3A_965 : vector<16xf32>
        %add3A_989 = arith.addf %add3A_881, %mul3A_988 : vector<16xf32>
        scf.yield %add3A_926, %add3A_928, %add3A_929, %add3A_931, %add3A_984, %add3A_986, %add3A_987, %add3A_989 : vector<16xf32>, vector<16xf32>, vector<16xf32>, vector<16xf32>, vector<16xf32>, vector<16xf32>, vector<16xf32>, vector<16xf32>
      }
      %scan3A_595 = arith.constant 256 : i32
      %add3A_596 = arith.addf %scan3A_594#0, %scan3A_594#4 : vector<16xf32>
      %add3A_597 = arith.addf %scan3A_594#1, %scan3A_594#5 : vector<16xf32>
      %add3A_598 = arith.addf %scan3A_594#2, %scan3A_594#6 : vector<16xf32>
      %add3A_599 = arith.addf %scan3A_594#3, %scan3A_594#7 : vector<16xf32>
      %mul3A_600 = arith.constant 9.765625E-4 : f32
      %mul3A_601 = vector.broadcast %mul3A_600 : f32 to vector<16xf32>
      %mul3A_602 = arith.mulf %add3A_596, %mul3A_601 : vector<16xf32>
      %mul3A_603 = arith.constant 9.765625E-4 : f32
      %mul3A_604 = vector.broadcast %mul3A_603 : f32 to vector<16xf32>
      %mul3A_605 = arith.mulf %add3A_598, %mul3A_604 : vector<16xf32>
      %mul3A_606 = arith.constant 9.765625E-4 : f32
      %mul3A_607 = vector.broadcast %mul3A_606 : f32 to vector<16xf32>
      %mul3A_608 = arith.mulf %add3A_597, %mul3A_607 : vector<16xf32>
      %mul3A_609 = arith.mulf %mul3A_602, %mul3A_602 : vector<16xf32>
      %sub3A_610 = arith.subf %mul3A_608, %mul3A_609 : vector<16xf32>
      %add3A_611 = arith.constant 9.99999974E-6 : f32
      %add3A_612 = vector.broadcast %add3A_611 : f32 to vector<16xf32>
      %add3A_613 = arith.addf %sub3A_610, %add3A_612 : vector<16xf32>
      %bitcast_convert_type3A_614 = tpu.bitcast %add3A_613 : vector<16xf32> -> vector<16xi32>
      %shift_right_arithmetic3A_615 = arith.constant 1 : i32
      %shift_right_arithmetic3A_616 = vector.broadcast %shift_right_arithmetic3A_615 : i32 to vector<16xi32>
      %shift_right_arithmetic3A_617 = arith.shrsi %bitcast_convert_type3A_614, %shift_right_arithmetic3A_616 : vector<16xi32>
      %sub3A_618 = arith.constant 1597463007 : i32
      %sub3A_619 = vector.broadcast %sub3A_618 : i32 to vector<16xi32>
      %sub3A_620 = arith.subi %sub3A_619, %shift_right_arithmetic3A_617 : vector<16xi32>
      %bitcast_convert_type3A_621 = tpu.bitcast %sub3A_620 : vector<16xi32> -> vector<16xf32>
      %mul3A_622 = arith.constant 5.000000e-01 : f32
      %mul3A_623 = vector.broadcast %mul3A_622 : f32 to vector<16xf32>
      %mul3A_624 = arith.mulf %mul3A_623, %add3A_613 : vector<16xf32>
      %mul3A_625 = arith.mulf %mul3A_624, %bitcast_convert_type3A_621 : vector<16xf32>
      %mul3A_626 = arith.mulf %mul3A_625, %bitcast_convert_type3A_621 : vector<16xf32>
      %sub3A_627 = arith.constant 1.500000e+00 : f32
      %sub3A_628 = vector.broadcast %sub3A_627 : f32 to vector<16xf32>
      %sub3A_629 = arith.subf %sub3A_628, %mul3A_626 : vector<16xf32>
      %mul3A_630 = arith.mulf %bitcast_convert_type3A_621, %sub3A_629 : vector<16xf32>
      %mul3A_631 = arith.constant 5.000000e-01 : f32
      %mul3A_632 = vector.broadcast %mul3A_631 : f32 to vector<16xf32>
      %mul3A_633 = arith.mulf %mul3A_632, %add3A_613 : vector<16xf32>
      %mul3A_634 = arith.mulf %mul3A_633, %mul3A_630 : vector<16xf32>
      %mul3A_635 = arith.mulf %mul3A_634, %mul3A_630 : vector<16xf32>
      %sub3A_636 = arith.constant 1.500000e+00 : f32
      %sub3A_637 = vector.broadcast %sub3A_636 : f32 to vector<16xf32>
      %sub3A_638 = arith.subf %sub3A_637, %mul3A_635 : vector<16xf32>
      %mul3A_639 = arith.mulf %mul3A_630, %sub3A_638 : vector<16xf32>
      %mul3A_640 = arith.constant 5.000000e-01 : f32
      %mul3A_641 = vector.broadcast %mul3A_640 : f32 to vector<16xf32>
      %mul3A_642 = arith.mulf %mul3A_641, %add3A_613 : vector<16xf32>
      %mul3A_643 = arith.mulf %mul3A_642, %mul3A_639 : vector<16xf32>
      %mul3A_644 = arith.mulf %mul3A_643, %mul3A_639 : vector<16xf32>
      %sub3A_645 = arith.constant 1.500000e+00 : f32
      %sub3A_646 = vector.broadcast %sub3A_645 : f32 to vector<16xf32>
      %sub3A_647 = arith.subf %sub3A_646, %mul3A_644 : vector<16xf32>
      %mul3A_648 = arith.mulf %mul3A_639, %sub3A_647 : vector<16xf32>
      %mul3A_649 = arith.constant 9.765625E-4 : f32
      %mul3A_650 = vector.broadcast %mul3A_649 : f32 to vector<16xf32>
      %mul3A_651 = arith.mulf %add3A_599, %mul3A_650 : vector<16xf32>
      %mul3A_652 = arith.mulf %mul3A_605, %mul3A_605 : vector<16xf32>
      %sub3A_653 = arith.subf %mul3A_651, %mul3A_652 : vector<16xf32>
      %add3A_654 = arith.constant 9.99999974E-6 : f32
      %add3A_655 = vector.broadcast %add3A_654 : f32 to vector<16xf32>
      %add3A_656 = arith.addf %sub3A_653, %add3A_655 : vector<16xf32>
      %bitcast_convert_type3A_657 = tpu.bitcast %add3A_656 : vector<16xf32> -> vector<16xi32>
      %shift_right_arithmetic3A_658 = arith.constant 1 : i32
      %shift_right_arithmetic3A_659 = vector.broadcast %shift_right_arithmetic3A_658 : i32 to vector<16xi32>
      %shift_right_arithmetic3A_660 = arith.shrsi %bitcast_convert_type3A_657, %shift_right_arithmetic3A_659 : vector<16xi32>
      %sub3A_661 = arith.constant 1597463007 : i32
      %sub3A_662 = vector.broadcast %sub3A_661 : i32 to vector<16xi32>
      %sub3A_663 = arith.subi %sub3A_662, %shift_right_arithmetic3A_660 : vector<16xi32>
      %bitcast_convert_type3A_664 = tpu.bitcast %sub3A_663 : vector<16xi32> -> vector<16xf32>
      %mul3A_665 = arith.constant 5.000000e-01 : f32
      %mul3A_666 = vector.broadcast %mul3A_665 : f32 to vector<16xf32>
      %mul3A_667 = arith.mulf %mul3A_666, %add3A_656 : vector<16xf32>
      %mul3A_668 = arith.mulf %mul3A_667, %bitcast_convert_type3A_664 : vector<16xf32>
      %mul3A_669 = arith.mulf %mul3A_668, %bitcast_convert_type3A_664 : vector<16xf32>
      %sub3A_670 = arith.constant 1.500000e+00 : f32
      %sub3A_671 = vector.broadcast %sub3A_670 : f32 to vector<16xf32>
      %sub3A_672 = arith.subf %sub3A_671, %mul3A_669 : vector<16xf32>
      %mul3A_673 = arith.mulf %bitcast_convert_type3A_664, %sub3A_672 : vector<16xf32>
      %mul3A_674 = arith.constant 5.000000e-01 : f32
      %mul3A_675 = vector.broadcast %mul3A_674 : f32 to vector<16xf32>
      %mul3A_676 = arith.mulf %mul3A_675, %add3A_656 : vector<16xf32>
      %mul3A_677 = arith.mulf %mul3A_676, %mul3A_673 : vector<16xf32>
      %mul3A_678 = arith.mulf %mul3A_677, %mul3A_673 : vector<16xf32>
      %sub3A_679 = arith.constant 1.500000e+00 : f32
      %sub3A_680 = vector.broadcast %sub3A_679 : f32 to vector<16xf32>
      %sub3A_681 = arith.subf %sub3A_680, %mul3A_678 : vector<16xf32>
      %mul3A_682 = arith.mulf %mul3A_673, %sub3A_681 : vector<16xf32>
      %mul3A_683 = arith.constant 5.000000e-01 : f32
      %mul3A_684 = vector.broadcast %mul3A_683 : f32 to vector<16xf32>
      %mul3A_685 = arith.mulf %mul3A_684, %add3A_656 : vector<16xf32>
      %mul3A_686 = arith.mulf %mul3A_685, %mul3A_682 : vector<16xf32>
      %mul3A_687 = arith.mulf %mul3A_686, %mul3A_682 : vector<16xf32>
      %sub3A_688 = arith.constant 1.500000e+00 : f32
      %sub3A_689 = vector.broadcast %sub3A_688 : f32 to vector<16xf32>
      %sub3A_690 = arith.subf %sub3A_689, %mul3A_687 : vector<16xf32>
      %mul3A_691 = arith.mulf %mul3A_682, %sub3A_690 : vector<16xf32>
      %mul3A_692 = arith.mulf %mul3A_648, %get3A_467 : vector<16xf32>
      %mul3A_693 = arith.mulf %mul3A_691, %get3A_472 : vector<16xf32>
      %mul3A_694 = arith.mulf %mul3A_602, %mul3A_692 : vector<16xf32>
      %mul3A_695 = arith.mulf %mul3A_605, %mul3A_693 : vector<16xf32>
      %add3A_696 = arith.addf %mul3A_694, %mul3A_695 : vector<16xf32>
      %scan3A_697 = arith.constant 0 : i32
      %scan3A_698 = arith.constant 256 : i32
      %scan3A_699 = arith.addi %scan3A_697, %scan3A_698 : i32
      %scan3A_700 = arith.constant 1 : i32
      %scan3A_701:4 = scf.for %scan3A_765 = %scan3A_697 to %scan3A_699 step %scan3A_700 iter_args(%scan3A_766 = %broadcast_in_dim3A_474, %scan3A_767 = %broadcast_in_dim3A_474, %scan3A_768 = %broadcast_in_dim3A_474, %scan3A_769 = %broadcast_in_dim3A_474) -> (vector<16xf32>, vector<16xf32>, vector<16xf32>, vector<16xf32>)  : i32 {
        %mul3A_770 = arith.constant 4 : i32
        %mul3A_771 = arith.muli %scan3A_765, %mul3A_770 : i32
        %add3A_772 = arith.constant 0 : i32
        %add3A_773 = arith.addi %mul3A_771, %add3A_772 : i32
        %get3A_774 = arith.index_cast %add3A_773 : i32 to index
        %get3A_775 = arith.constant 0 : index
        %get3A_776 = tpu.vector_load %arg11[%get3A_774, %get3A_775] {strides = array<i32>} : memref<1024x16xf32, #tpu.memory_space<vmem>>, vector<1x16xf32>,
        %get3A_777 = vector.shape_cast %get3A_776 : vector<1x16xf32> to vector<16xf32>
        %mul3A_778 = arith.mulf %get3A_777, %mul3A_692 : vector<16xf32>
        %add3A_779 = arith.constant 0 : i32
        %add3A_780 = arith.addi %mul3A_771, %add3A_779 : i32
        %get3A_781 = arith.index_cast %add3A_780 : i32 to index
        %get3A_782 = arith.constant 0 : index
        %get3A_783 = tpu.vector_load %arg12[%get3A_781, %get3A_782] {strides = array<i32>} : memref<1024x16xf32, #tpu.memory_space<vmem>>, vector<1x16xf32>,
        %get3A_784 = vector.shape_cast %get3A_783 : vector<1x16xf32> to vector<16xf32>
        %mul3A_785 = arith.mulf %get3A_784, %mul3A_693 : vector<16xf32>
        %add3A_786 = arith.addf %mul3A_778, %mul3A_785 : vector<16xf32>
        %sub3A_787 = arith.subf %add3A_786, %add3A_696 : vector<16xf32>
        %add3A_788 = arith.constant 0 : i32
        %add3A_789 = arith.addi %mul3A_771, %add3A_788 : i32
        %swap3A = arith.index_cast %add3A_789 : i32 to index
        %swap3A_790 = arith.constant 0 : index
        %swap3A_791 = tpu.vector_load %arg6[%swap3A, %swap3A_790] {strides = array<i32>} : memref<1024x16xf32, #tpu.memory_space<vmem>>, vector<1x16xf32>,
        %swap3A_792 = vector.shape_cast %swap3A_791 : vector<1x16xf32> to vector<16xf32>
        %swap3A_793 = vector.shape_cast %sub3A_787 : vector<16xf32> to vector<1x16xf32>
        tpu.vector_store %arg6[%swap3A, %swap3A_790], %swap3A_793 {strides = array<i32>} : memref<1024x16xf32, #tpu.memory_space<vmem>>, vector<1x16xf32>,
        %add3A_794 = arith.addf %scan3A_766, %sub3A_787 : vector<16xf32>
        %mul3A_795 = arith.mulf %sub3A_787, %sub3A_787 : vector<16xf32>
        %add3A_796 = arith.addf %scan3A_767, %mul3A_795 : vector<16xf32>
        %add3A_797 = arith.constant 0 : i32
        %add3A_798 = arith.addi %mul3A_771, %add3A_797 : i32
        %add3A_799 = arith.constant 1 : i32
        %add3A_800 = arith.addi %add3A_798, %add3A_799 : i32
        %get3A_801 = arith.index_cast %add3A_800 : i32 to index
        %get3A_802 = arith.constant 0 : index
        %get3A_803 = tpu.vector_load %arg11[%get3A_801, %get3A_802] {strides = array<i32>} : memref<1024x16xf32, #tpu.memory_space<vmem>>, vector<1x16xf32>,
        %get3A_804 = vector.shape_cast %get3A_803 : vector<1x16xf32> to vector<16xf32>
        %mul3A_805 = arith.mulf %get3A_804, %mul3A_692 : vector<16xf32>
        %add3A_806 = arith.constant 0 : i32
        %add3A_807 = arith.addi %mul3A_771, %add3A_806 : i32
        %add3A_808 = arith.constant 1 : i32
        %add3A_809 = arith.addi %add3A_807, %add3A_808 : i32
        %get3A_810 = arith.index_cast %add3A_809 : i32 to index
        %get3A_811 = arith.constant 0 : index
        %get3A_812 = tpu.vector_load %arg12[%get3A_810, %get3A_811] {strides = array<i32>} : memref<1024x16xf32, #tpu.memory_space<vmem>>, vector<1x16xf32>,
        %get3A_813 = vector.shape_cast %get3A_812 : vector<1x16xf32> to vector<16xf32>
        %mul3A_814 = arith.mulf %get3A_813, %mul3A_693 : vector<16xf32>
        %add3A_815 = arith.addf %mul3A_805, %mul3A_814 : vector<16xf32>
        %sub3A_816 = arith.subf %add3A_815, %add3A_696 : vector<16xf32>
        %add3A_817 = arith.constant 0 : i32
        %add3A_818 = arith.addi %mul3A_771, %add3A_817 : i32
        %add3A_819 = arith.constant 1 : i32
        %add3A_820 = arith.addi %add3A_818, %add3A_819 : i32
        %swap3A_821 = arith.index_cast %add3A_820 : i32 to index
        %swap3A_822 = arith.constant 0 : index
        %swap3A_823 = tpu.vector_load %arg6[%swap3A_821, %swap3A_822] {strides = array<i32>} : memref<1024x16xf32, #tpu.memory_space<vmem>>, vector<1x16xf32>,
        %swap3A_824 = vector.shape_cast %swap3A_823 : vector<1x16xf32> to vector<16xf32>
        %swap3A_825 = vector.shape_cast %sub3A_816 : vector<16xf32> to vector<1x16xf32>
        tpu.vector_store %arg6[%swap3A_821, %swap3A_822], %swap3A_825 {strides = array<i32>} : memref<1024x16xf32, #tpu.memory_space<vmem>>, vector<1x16xf32>,
        %add3A_826 = arith.addf %scan3A_768, %sub3A_816 : vector<16xf32>
        %mul3A_827 = arith.mulf %sub3A_816, %sub3A_816 : vector<16xf32>
        %add3A_828 = arith.addf %scan3A_769, %mul3A_827 : vector<16xf32>
        %add3A_829 = arith.constant 2 : i32
        %add3A_830 = arith.addi %mul3A_771, %add3A_829 : i32
        %get3A_831 = arith.index_cast %add3A_830 : i32 to index
        %get3A_832 = arith.constant 0 : index
        %get3A_833 = tpu.vector_load %arg11[%get3A_831, %get3A_832] {strides = array<i32>} : memref<1024x16xf32, #tpu.memory_space<vmem>>, vector<1x16xf32>,
        %get3A_834 = vector.shape_cast %get3A_833 : vector<1x16xf32> to vector<16xf32>
        %mul3A_835 = arith.mulf %get3A_834, %mul3A_692 : vector<16xf32>
        %add3A_836 = arith.constant 2 : i32
        %add3A_837 = arith.addi %mul3A_771, %add3A_836 : i32
        %get3A_838 = arith.index_cast %add3A_837 : i32 to index
        %get3A_839 = arith.constant 0 : index
        %get3A_840 = tpu.vector_load %arg12[%get3A_838, %get3A_839] {strides = array<i32>} : memref<1024x16xf32, #tpu.memory_space<vmem>>, vector<1x16xf32>,
        %get3A_841 = vector.shape_cast %get3A_840 : vector<1x16xf32> to vector<16xf32>
        %mul3A_842 = arith.mulf %get3A_841, %mul3A_693 : vector<16xf32>
        %add3A_843 = arith.addf %mul3A_835, %mul3A_842 : vector<16xf32>
        %sub3A_844 = arith.subf %add3A_843, %add3A_696 : vector<16xf32>
        %add3A_845 = arith.constant 2 : i32
        %add3A_846 = arith.addi %mul3A_771, %add3A_845 : i32
        %swap3A_847 = arith.index_cast %add3A_846 : i32 to index
        %swap3A_848 = arith.constant 0 : index
        %swap3A_849 = tpu.vector_load %arg6[%swap3A_847, %swap3A_848] {strides = array<i32>} : memref<1024x16xf32, #tpu.memory_space<vmem>>, vector<1x16xf32>,
        %swap3A_850 = vector.shape_cast %swap3A_849 : vector<1x16xf32> to vector<16xf32>
        %swap3A_851 = vector.shape_cast %sub3A_844 : vector<16xf32> to vector<1x16xf32>
        tpu.vector_store %arg6[%swap3A_847, %swap3A_848], %swap3A_851 {strides = array<i32>} : memref<1024x16xf32, #tpu.memory_space<vmem>>, vector<1x16xf32>,
        %add3A_852 = arith.addf %add3A_794, %sub3A_844 : vector<16xf32>
        %mul3A_853 = arith.mulf %sub3A_844, %sub3A_844 : vector<16xf32>
        %add3A_854 = arith.addf %add3A_796, %mul3A_853 : vector<16xf32>
        %add3A_855 = arith.constant 2 : i32
        %add3A_856 = arith.addi %mul3A_771, %add3A_855 : i32
        %add3A_857 = arith.constant 1 : i32
        %add3A_858 = arith.addi %add3A_856, %add3A_857 : i32
        %get3A_859 = arith.index_cast %add3A_858 : i32 to index
        %get3A_860 = arith.constant 0 : index
        %get3A_861 = tpu.vector_load %arg11[%get3A_859, %get3A_860] {strides = array<i32>} : memref<1024x16xf32, #tpu.memory_space<vmem>>, vector<1x16xf32>,
        %get3A_862 = vector.shape_cast %get3A_861 : vector<1x16xf32> to vector<16xf32>
        %mul3A_863 = arith.mulf %get3A_862, %mul3A_692 : vector<16xf32>
        %add3A_864 = arith.constant 2 : i32
        %add3A_865 = arith.addi %mul3A_771, %add3A_864 : i32
        %add3A_866 = arith.constant 1 : i32
        %add3A_867 = arith.addi %add3A_865, %add3A_866 : i32
        %get3A_868 = arith.index_cast %add3A_867 : i32 to index
        %get3A_869 = arith.constant 0 : index
        %get3A_870 = tpu.vector_load %arg12[%get3A_868, %get3A_869] {strides = array<i32>} : memref<1024x16xf32, #tpu.memory_space<vmem>>, vector<1x16xf32>,
        %get3A_871 = vector.shape_cast %get3A_870 : vector<1x16xf32> to vector<16xf32>
        %mul3A_872 = arith.mulf %get3A_871, %mul3A_693 : vector<16xf32>
        %add3A_873 = arith.addf %mul3A_863, %mul3A_872 : vector<16xf32>
        %sub3A_874 = arith.subf %add3A_873, %add3A_696 : vector<16xf32>
        %add3A_875 = arith.constant 2 : i32
        %add3A_876 = arith.addi %mul3A_771, %add3A_875 : i32
        %add3A_877 = arith.constant 1 : i32
        %add3A_878 = arith.addi %add3A_876, %add3A_877 : i32
        %swap3A_879 = arith.index_cast %add3A_878 : i32 to index
        %swap3A_880 = arith.constant 0 : index
        %swap3A_881 = tpu.vector_load %arg6[%swap3A_879, %swap3A_880] {strides = array<i32>} : memref<1024x16xf32, #tpu.memory_space<vmem>>, vector<1x16xf32>,
        %swap3A_882 = vector.shape_cast %swap3A_881 : vector<1x16xf32> to vector<16xf32>
        %swap3A_883 = vector.shape_cast %sub3A_874 : vector<16xf32> to vector<1x16xf32>
        tpu.vector_store %arg6[%swap3A_879, %swap3A_880], %swap3A_883 {strides = array<i32>} : memref<1024x16xf32, #tpu.memory_space<vmem>>, vector<1x16xf32>,
        %add3A_884 = arith.addf %add3A_826, %sub3A_874 : vector<16xf32>
        %mul3A_885 = arith.mulf %sub3A_874, %sub3A_874 : vector<16xf32>
        %add3A_886 = arith.addf %add3A_828, %mul3A_885 : vector<16xf32>
        scf.yield %add3A_852, %add3A_854, %add3A_884, %add3A_886 : vector<16xf32>, vector<16xf32>, vector<16xf32>, vector<16xf32>
      }
      %scan3A_702 = arith.constant 256 : i32
      %add3A_703 = arith.addf %scan3A_701#0, %scan3A_701#2 : vector<16xf32>
      %add3A_704 = arith.addf %scan3A_701#1, %scan3A_701#3 : vector<16xf32>
      %mul3A_705 = arith.constant 9.765625E-4 : f32
      %mul3A_706 = vector.broadcast %mul3A_705 : f32 to vector<16xf32>
      %mul3A_707 = arith.mulf %add3A_703, %mul3A_706 : vector<16xf32>
      %mul3A_708 = arith.constant 9.765625E-4 : f32
      %mul3A_709 = vector.broadcast %mul3A_708 : f32 to vector<16xf32>
      %mul3A_710 = arith.mulf %add3A_704, %mul3A_709 : vector<16xf32>
      %mul3A_711 = arith.mulf %mul3A_707, %mul3A_707 : vector<16xf32>
      %sub3A_712 = arith.subf %mul3A_710, %mul3A_711 : vector<16xf32>
      %add3A_713 = arith.constant 9.99999974E-6 : f32
      %add3A_714 = vector.broadcast %add3A_713 : f32 to vector<16xf32>
      %add3A_715 = arith.addf %sub3A_712, %add3A_714 : vector<16xf32>
      %bitcast_convert_type3A_716 = tpu.bitcast %add3A_715 : vector<16xf32> -> vector<16xi32>
      %shift_right_arithmetic3A_717 = arith.constant 1 : i32
      %shift_right_arithmetic3A_718 = vector.broadcast %shift_right_arithmetic3A_717 : i32 to vector<16xi32>
      %shift_right_arithmetic3A_719 = arith.shrsi %bitcast_convert_type3A_716, %shift_right_arithmetic3A_718 : vector<16xi32>
      %sub3A_720 = arith.constant 1597463007 : i32
      %sub3A_721 = vector.broadcast %sub3A_720 : i32 to vector<16xi32>
      %sub3A_722 = arith.subi %sub3A_721, %shift_right_arithmetic3A_719 : vector<16xi32>
      %bitcast_convert_type3A_723 = tpu.bitcast %sub3A_722 : vector<16xi32> -> vector<16xf32>
      %mul3A_724 = arith.constant 5.000000e-01 : f32
      %mul3A_725 = vector.broadcast %mul3A_724 : f32 to vector<16xf32>
      %mul3A_726 = arith.mulf %mul3A_725, %add3A_715 : vector<16xf32>
      %mul3A_727 = arith.mulf %mul3A_726, %bitcast_convert_type3A_723 : vector<16xf32>
      %mul3A_728 = arith.mulf %mul3A_727, %bitcast_convert_type3A_723 : vector<16xf32>
      %sub3A_729 = arith.constant 1.500000e+00 : f32
      %sub3A_730 = vector.broadcast %sub3A_729 : f32 to vector<16xf32>
      %sub3A_731 = arith.subf %sub3A_730, %mul3A_728 : vector<16xf32>
      %mul3A_732 = arith.mulf %bitcast_convert_type3A_723, %sub3A_731 : vector<16xf32>
      %mul3A_733 = arith.constant 5.000000e-01 : f32
      %mul3A_734 = vector.broadcast %mul3A_733 : f32 to vector<16xf32>
      %mul3A_735 = arith.mulf %mul3A_734, %add3A_715 : vector<16xf32>
      %mul3A_736 = arith.mulf %mul3A_735, %mul3A_732 : vector<16xf32>
      %mul3A_737 = arith.mulf %mul3A_736, %mul3A_732 : vector<16xf32>
      %sub3A_738 = arith.constant 1.500000e+00 : f32
      %sub3A_739 = vector.broadcast %sub3A_738 : f32 to vector<16xf32>
      %sub3A_740 = arith.subf %sub3A_739, %mul3A_737 : vector<16xf32>
      %mul3A_741 = arith.mulf %mul3A_732, %sub3A_740 : vector<16xf32>
      %mul3A_742 = arith.constant 5.000000e-01 : f32
      %mul3A_743 = vector.broadcast %mul3A_742 : f32 to vector<16xf32>
      %mul3A_744 = arith.mulf %mul3A_743, %add3A_715 : vector<16xf32>
      %mul3A_745 = arith.mulf %mul3A_744, %mul3A_741 : vector<16xf32>
      %mul3A_746 = arith.mulf %mul3A_745, %mul3A_741 : vector<16xf32>
      %sub3A_747 = arith.constant 1.500000e+00 : f32
      %sub3A_748 = vector.broadcast %sub3A_747 : f32 to vector<16xf32>
      %sub3A_749 = arith.subf %sub3A_748, %mul3A_746 : vector<16xf32>
      %mul3A_750 = arith.mulf %mul3A_741, %sub3A_749 : vector<16xf32>
      %neg3A_751 = arith.constant 0.000000e+00 : f32
      %neg3A_752 = vector.broadcast %neg3A_751 : f32 to vector<16xf32>
      %neg3A_753 = arith.subf %neg3A_752, %mul3A_707 : vector<16xf32>
      %mul3A_754 = arith.mulf %neg3A_753, %mul3A_750 : vector<16xf32>
      %scan3A_755 = arith.constant 0 : i32
      %scan3A_756 = arith.constant 0 : i32
      %scan3A_757 = arith.constant 256 : i32
      %scan3A_758 = arith.addi %scan3A_756, %scan3A_757 : i32
      %scan3A_759 = arith.constant 1 : i32
      scf.for %scan3A_765 = %scan3A_756 to %scan3A_758 step %scan3A_759  : i32 {
        %mul3A_766 = arith.constant 4 : i32
        %mul3A_767 = arith.muli %scan3A_765, %mul3A_766 : i32
        %add3A_768 = arith.constant 0 : i32
        %add3A_769 = arith.addi %mul3A_767, %add3A_768 : i32
        %get3A_770 = arith.index_cast %add3A_769 : i32 to index
        %get3A_771 = arith.constant 0 : index
        %get3A_772 = tpu.vector_load %arg6[%get3A_770, %get3A_771] {strides = array<i32>} : memref<1024x16xf32, #tpu.memory_space<vmem>>, vector<1x16xf32>,
        %get3A_773 = vector.shape_cast %get3A_772 : vector<1x16xf32> to vector<16xf32>
        %mul3A_774 = arith.mulf %get3A_773, %mul3A_750 : vector<16xf32>
        %add3A_775 = arith.addf %mul3A_774, %mul3A_754 : vector<16xf32>
        %add3A_776 = arith.constant 0 : i32
        %add3A_777 = arith.addi %mul3A_767, %add3A_776 : i32
        %swap3A = arith.index_cast %add3A_777 : i32 to index
        %swap3A_778 = arith.constant 0 : index
        %swap3A_779 = tpu.vector_load %arg12[%swap3A, %swap3A_778] {strides = array<i32>} : memref<1024x16xf32, #tpu.memory_space<vmem>>, vector<1x16xf32>,
        %swap3A_780 = vector.shape_cast %swap3A_779 : vector<1x16xf32> to vector<16xf32>
        %swap3A_781 = vector.shape_cast %add3A_775 : vector<16xf32> to vector<1x16xf32>
        tpu.vector_store %arg12[%swap3A, %swap3A_778], %swap3A_781 {strides = array<i32>} : memref<1024x16xf32, #tpu.memory_space<vmem>>, vector<1x16xf32>,
        %add3A_782 = arith.constant 1 : i32
        %add3A_783 = arith.addi %mul3A_767, %add3A_782 : i32
        %get3A_784 = arith.index_cast %add3A_783 : i32 to index
        %get3A_785 = arith.constant 0 : index
        %get3A_786 = tpu.vector_load %arg6[%get3A_784, %get3A_785] {strides = array<i32>} : memref<1024x16xf32, #tpu.memory_space<vmem>>, vector<1x16xf32>,
        %get3A_787 = vector.shape_cast %get3A_786 : vector<1x16xf32> to vector<16xf32>
        %mul3A_788 = arith.mulf %get3A_787, %mul3A_750 : vector<16xf32>
        %add3A_789 = arith.addf %mul3A_788, %mul3A_754 : vector<16xf32>
        %add3A_790 = arith.constant 1 : i32
        %add3A_791 = arith.addi %mul3A_767, %add3A_790 : i32
        %swap3A_792 = arith.index_cast %add3A_791 : i32 to index
        %swap3A_793 = arith.constant 0 : index
        %swap3A_794 = tpu.vector_load %arg12[%swap3A_792, %swap3A_793] {strides = array<i32>} : memref<1024x16xf32, #tpu.memory_space<vmem>>, vector<1x16xf32>,
        %swap3A_795 = vector.shape_cast %swap3A_794 : vector<1x16xf32> to vector<16xf32>
        %swap3A_796 = vector.shape_cast %add3A_789 : vector<16xf32> to vector<1x16xf32>
        tpu.vector_store %arg12[%swap3A_792, %swap3A_793], %swap3A_796 {strides = array<i32>} : memref<1024x16xf32, #tpu.memory_space<vmem>>, vector<1x16xf32>,
        %add3A_797 = arith.constant 2 : i32
        %add3A_798 = arith.addi %mul3A_767, %add3A_797 : i32
        %get3A_799 = arith.index_cast %add3A_798 : i32 to index
        %get3A_800 = arith.constant 0 : index
        %get3A_801 = tpu.vector_load %arg6[%get3A_799, %get3A_800] {strides = array<i32>} : memref<1024x16xf32, #tpu.memory_space<vmem>>, vector<1x16xf32>,
        %get3A_802 = vector.shape_cast %get3A_801 : vector<1x16xf32> to vector<16xf32>
        %mul3A_803 = arith.mulf %get3A_802, %mul3A_750 : vector<16xf32>
        %add3A_804 = arith.addf %mul3A_803, %mul3A_754 : vector<16xf32>
        %add3A_805 = arith.constant 2 : i32
        %add3A_806 = arith.addi %mul3A_767, %add3A_805 : i32
        %swap3A_807 = arith.index_cast %add3A_806 : i32 to index
        %swap3A_808 = arith.constant 0 : index
        %swap3A_809 = tpu.vector_load %arg12[%swap3A_807, %swap3A_808] {strides = array<i32>} : memref<1024x16xf32, #tpu.memory_space<vmem>>, vector<1x16xf32>,
        %swap3A_810 = vector.shape_cast %swap3A_809 : vector<1x16xf32> to vector<16xf32>
        %swap3A_811 = vector.shape_cast %add3A_804 : vector<16xf32> to vector<1x16xf32>
        tpu.vector_store %arg12[%swap3A_807, %swap3A_808], %swap3A_811 {strides = array<i32>} : memref<1024x16xf32, #tpu.memory_space<vmem>>, vector<1x16xf32>,
        %add3A_812 = arith.constant 3 : i32
        %add3A_813 = arith.addi %mul3A_767, %add3A_812 : i32
        %get3A_814 = arith.index_cast %add3A_813 : i32 to index
        %get3A_815 = arith.constant 0 : index
        %get3A_816 = tpu.vector_load %arg6[%get3A_814, %get3A_815] {strides = array<i32>} : memref<1024x16xf32, #tpu.memory_space<vmem>>, vector<1x16xf32>,
        %get3A_817 = vector.shape_cast %get3A_816 : vector<1x16xf32> to vector<16xf32>
        %mul3A_818 = arith.mulf %get3A_817, %mul3A_750 : vector<16xf32>
        %add3A_819 = arith.addf %mul3A_818, %mul3A_754 : vector<16xf32>
        %add3A_820 = arith.constant 3 : i32
        %add3A_821 = arith.addi %mul3A_767, %add3A_820 : i32
        %swap3A_822 = arith.index_cast %add3A_821 : i32 to index
        %swap3A_823 = arith.constant 0 : index
        %swap3A_824 = tpu.vector_load %arg12[%swap3A_822, %swap3A_823] {strides = array<i32>} : memref<1024x16xf32, #tpu.memory_space<vmem>>, vector<1x16xf32>,
        %swap3A_825 = vector.shape_cast %swap3A_824 : vector<1x16xf32> to vector<16xf32>
        %swap3A_826 = vector.shape_cast %add3A_819 : vector<16xf32> to vector<1x16xf32>
        tpu.vector_store %arg12[%swap3A_822, %swap3A_823], %swap3A_826 {strides = array<i32>} : memref<1024x16xf32, #tpu.memory_space<vmem>>, vector<1x16xf32>,
      }
      %scan3A_760 = arith.constant 256 : i32
      %dma_start3A_761 = arith.constant 0 : i32
      %dma_start3A_762 = tpu.memref_slice %arg4[%dma_start3A_761, %mul3A_397] : memref<1024x6144xf32, #tpu.memory_space<hbm>> -> memref<1024x16xf32, #tpu.memory_space<hbm>>
      %dma_start3A_763 = arith.constant 0 : i32
      %dma_start3A_764 = tpu.memref_slice %arg4[%dma_start3A_763, %mul3A_397] : memref<1024x6144xf32, #tpu.memory_space<hbm>> -> memref<1024x16xf32, #tpu.memory_space<hbm>>
      tpu.enqueue_dma source(%arg12 : memref<1024x16xf32, #tpu.memory_space<vmem>>) target(%dma_start3A_764 : memref<1024x16xf32, #tpu.memory_space<hbm>>) target_semaphore(%arg17 : memref<!tpu.dma_semaphore, #tpu.memory_space<semaphore_mem>>)
    }
    %scan3A_16 = arith.constant 6 : i32
    %add3A_17 = arith.constant 352 : i32
    %add3A_18 = arith.addi %add3A, %add3A_17 : i32
    %mul3A_19 = arith.constant 16 : i32
    %mul3A_20 = arith.muli %add3A_18, %mul3A_19 : i32
    %dma_wait3A = arith.constant 0 : i32
    %dma_wait3A_21 = tpu.memref_slice %arg4[%dma_wait3A, %mul3A_20] : memref<1024x6144xf32, #tpu.memory_space<hbm>> -> memref<1024x16xf32, #tpu.memory_space<hbm>>
    %dma_wait3A_22 = arith.constant 0 : i32
    %dma_wait3A_23 = tpu.memref_slice %arg4[%dma_wait3A_22, %mul3A_20] : memref<1024x6144xf32, #tpu.memory_space<hbm>> -> memref<1024x16xf32, #tpu.memory_space<hbm>>
    tpu.wait_dma2 semaphore(%arg17 : memref<!tpu.dma_semaphore, #tpu.memory_space<semaphore_mem>>) src(%arg12 : memref<1024x16xf32, #tpu.memory_space<vmem>>) dst(%dma_wait3A_23 : memref<1024x16xf32, #tpu.memory_space<hbm>>)
    return
  }
}

module attributes {stable_mosaic.version = 14 : i64} {
  func.func @_tc_block(%arg0: i32, %arg1: memref<1024x512xf32, #tpu.memory_space<vmem>>, %arg2: memref<12x512xf32, #tpu.memory_space<vmem>>, %arg3: memref<1024x512xf32, #tpu.memory_space<vmem>>) attributes {dimension_semantics = [#tpu.dimension_semantics<arbitrary>], iteration_bounds = array<i64: 18>, scalar_prefetch = 0 : i64, scratch_operands = 0 : i64, tpu.core_type = #tpu.core_type<tc>, window_params = [{transform_indices = @transform_0, window_bounds = array<i64: 1024, 512>}, {transform_indices = @transform_1, window_bounds = array<i64: 12, 512>}, {transform_indices = @transform_2, window_bounds = array<i64: 1024, 512>}]} {
    %get3A = arith.constant 0 : index
    %get3A_0 = arith.constant 0 : index
    %get3A_1 = vector.load %arg1[%get3A, %get3A_0] : memref<1024x512xf32, #tpu.memory_space<vmem>>, vector<1024x512xf32>
    %get3A_2 = arith.constant 0 : index
    %get3A_3 = arith.constant 0 : index
    %get3A_4 = vector.load %arg2[%get3A_2, %get3A_3] : memref<12x512xf32, #tpu.memory_space<vmem>>, vector<1x512xf32>
    %mul3A = vector.broadcast %get3A_4 : vector<1x512xf32> to vector<1024x512xf32>
    %mul3A_5 = arith.mulf %get3A_1, %mul3A : vector<1024x512xf32>
    %get3A_6 = arith.constant 2 : index
    %get3A_7 = arith.constant 0 : index
    %get3A_8 = vector.load %arg2[%get3A_6, %get3A_7] : memref<12x512xf32, #tpu.memory_space<vmem>>, vector<1x512xf32>
    %add3A = vector.broadcast %get3A_8 : vector<1x512xf32> to vector<1024x512xf32>
    %add3A_9 = arith.addf %mul3A_5, %add3A : vector<1024x512xf32>
    %max3A = arith.constant 0.000000e+00 : f32
    %max3A_10 = vector.broadcast %max3A : f32 to vector<1024x512xf32>
    %max3A_11 = arith.maximumf %add3A_9, %max3A_10 : vector<1024x512xf32>
    %get3A_12 = arith.constant 1 : index
    %get3A_13 = arith.constant 0 : index
    %get3A_14 = vector.load %arg2[%get3A_12, %get3A_13] : memref<12x512xf32, #tpu.memory_space<vmem>>, vector<1x512xf32>
    %mul3A_15 = vector.broadcast %get3A_14 : vector<1x512xf32> to vector<1024x512xf32>
    %mul3A_16 = arith.mulf %get3A_1, %mul3A_15 : vector<1024x512xf32>
    %get3A_17 = arith.constant 3 : index
    %get3A_18 = arith.constant 0 : index
    %get3A_19 = vector.load %arg2[%get3A_17, %get3A_18] : memref<12x512xf32, #tpu.memory_space<vmem>>, vector<1x512xf32>
    %add3A_20 = vector.broadcast %get3A_19 : vector<1x512xf32> to vector<1024x512xf32>
    %add3A_21 = arith.addf %mul3A_16, %add3A_20 : vector<1024x512xf32>
    %max3A_22 = arith.constant 0.000000e+00 : f32
    %max3A_23 = vector.broadcast %max3A_22 : f32 to vector<1024x512xf32>
    %max3A_24 = arith.maximumf %add3A_21, %max3A_23 : vector<1024x512xf32>
    %reduce_sum3A = arith.constant dense<0.000000e+00> : vector<512xf32>
    %reduce_sum3A_25 = vector.multi_reduction <add>, %max3A_11, %reduce_sum3A [0] : vector<1024x512xf32> to vector<512xf32>
    %broadcast_in_dim3A = vector.shape_cast %reduce_sum3A_25 : vector<512xf32> to vector<1x512xf32>
    %div3A = arith.constant 1.024000e+03 : f32
    %div3A_26 = vector.broadcast %div3A : f32 to vector<1x512xf32>
    %div3A_27 = arith.divf %broadcast_in_dim3A, %div3A_26 : vector<1x512xf32>
    %mul3A_28 = arith.mulf %max3A_11, %max3A_11 : vector<1024x512xf32>
    %reduce_sum3A_29 = arith.constant dense<0.000000e+00> : vector<512xf32>
    %reduce_sum3A_30 = vector.multi_reduction <add>, %mul3A_28, %reduce_sum3A_29 [0] : vector<1024x512xf32> to vector<512xf32>
    %broadcast_in_dim3A_31 = vector.shape_cast %reduce_sum3A_30 : vector<512xf32> to vector<1x512xf32>
    %div3A_32 = arith.constant 1.024000e+03 : f32
    %div3A_33 = vector.broadcast %div3A_32 : f32 to vector<1x512xf32>
    %div3A_34 = arith.divf %broadcast_in_dim3A_31, %div3A_33 : vector<1x512xf32>
    %mul3A_35 = arith.mulf %div3A_27, %div3A_27 : vector<1x512xf32>
    %sub3A = arith.subf %div3A_34, %mul3A_35 : vector<1x512xf32>
    %sub3A_36 = vector.broadcast %div3A_27 : vector<1x512xf32> to vector<1024x512xf32>
    %sub3A_37 = arith.subf %max3A_11, %sub3A_36 : vector<1024x512xf32>
    %add3A_38 = arith.constant 9.99999974E-6 : f32
    %add3A_39 = vector.broadcast %add3A_38 : f32 to vector<1x512xf32>
    %add3A_40 = arith.addf %sub3A, %add3A_39 : vector<1x512xf32>
    %rsqrt3A = math.rsqrt %add3A_40 : vector<1x512xf32>
    %mul3A_41 = vector.broadcast %rsqrt3A : vector<1x512xf32> to vector<1024x512xf32>
    %mul3A_42 = arith.mulf %sub3A_37, %mul3A_41 : vector<1024x512xf32>
    %reduce_sum3A_43 = arith.constant dense<0.000000e+00> : vector<512xf32>
    %reduce_sum3A_44 = vector.multi_reduction <add>, %max3A_24, %reduce_sum3A_43 [0] : vector<1024x512xf32> to vector<512xf32>
    %broadcast_in_dim3A_45 = vector.shape_cast %reduce_sum3A_44 : vector<512xf32> to vector<1x512xf32>
    %div3A_46 = arith.constant 1.024000e+03 : f32
    %div3A_47 = vector.broadcast %div3A_46 : f32 to vector<1x512xf32>
    %div3A_48 = arith.divf %broadcast_in_dim3A_45, %div3A_47 : vector<1x512xf32>
    %mul3A_49 = arith.mulf %max3A_24, %max3A_24 : vector<1024x512xf32>
    %reduce_sum3A_50 = arith.constant dense<0.000000e+00> : vector<512xf32>
    %reduce_sum3A_51 = vector.multi_reduction <add>, %mul3A_49, %reduce_sum3A_50 [0] : vector<1024x512xf32> to vector<512xf32>
    %broadcast_in_dim3A_52 = vector.shape_cast %reduce_sum3A_51 : vector<512xf32> to vector<1x512xf32>
    %div3A_53 = arith.constant 1.024000e+03 : f32
    %div3A_54 = vector.broadcast %div3A_53 : f32 to vector<1x512xf32>
    %div3A_55 = arith.divf %broadcast_in_dim3A_52, %div3A_54 : vector<1x512xf32>
    %mul3A_56 = arith.mulf %div3A_48, %div3A_48 : vector<1x512xf32>
    %sub3A_57 = arith.subf %div3A_55, %mul3A_56 : vector<1x512xf32>
    %sub3A_58 = vector.broadcast %div3A_48 : vector<1x512xf32> to vector<1024x512xf32>
    %sub3A_59 = arith.subf %max3A_24, %sub3A_58 : vector<1024x512xf32>
    %add3A_60 = arith.constant 9.99999974E-6 : f32
    %add3A_61 = vector.broadcast %add3A_60 : f32 to vector<1x512xf32>
    %add3A_62 = arith.addf %sub3A_57, %add3A_61 : vector<1x512xf32>
    %rsqrt3A_63 = math.rsqrt %add3A_62 : vector<1x512xf32>
    %mul3A_64 = vector.broadcast %rsqrt3A_63 : vector<1x512xf32> to vector<1024x512xf32>
    %mul3A_65 = arith.mulf %sub3A_59, %mul3A_64 : vector<1024x512xf32>
    %get3A_66 = arith.constant 4 : index
    %get3A_67 = arith.constant 0 : index
    %get3A_68 = vector.load %arg2[%get3A_66, %get3A_67] : memref<12x512xf32, #tpu.memory_space<vmem>>, vector<1x512xf32>
    %mul3A_69 = vector.broadcast %get3A_68 : vector<1x512xf32> to vector<1024x512xf32>
    %mul3A_70 = arith.mulf %mul3A_42, %mul3A_69 : vector<1024x512xf32>
    %get3A_71 = arith.constant 5 : index
    %get3A_72 = arith.constant 0 : index
    %get3A_73 = vector.load %arg2[%get3A_71, %get3A_72] : memref<12x512xf32, #tpu.memory_space<vmem>>, vector<1x512xf32>
    %mul3A_74 = vector.broadcast %get3A_73 : vector<1x512xf32> to vector<1024x512xf32>
    %mul3A_75 = arith.mulf %mul3A_65, %mul3A_74 : vector<1024x512xf32>
    %add3A_76 = arith.addf %mul3A_70, %mul3A_75 : vector<1024x512xf32>
    %get3A_77 = arith.constant 8 : index
    %get3A_78 = arith.constant 0 : index
    %get3A_79 = vector.load %arg2[%get3A_77, %get3A_78] : memref<12x512xf32, #tpu.memory_space<vmem>>, vector<1x512xf32>
    %add3A_80 = vector.broadcast %get3A_79 : vector<1x512xf32> to vector<1024x512xf32>
    %add3A_81 = arith.addf %add3A_76, %add3A_80 : vector<1024x512xf32>
    %max3A_82 = arith.constant 0.000000e+00 : f32
    %max3A_83 = vector.broadcast %max3A_82 : f32 to vector<1024x512xf32>
    %max3A_84 = arith.maximumf %add3A_81, %max3A_83 : vector<1024x512xf32>
    %get3A_85 = arith.constant 6 : index
    %get3A_86 = arith.constant 0 : index
    %get3A_87 = vector.load %arg2[%get3A_85, %get3A_86] : memref<12x512xf32, #tpu.memory_space<vmem>>, vector<1x512xf32>
    %mul3A_88 = vector.broadcast %get3A_87 : vector<1x512xf32> to vector<1024x512xf32>
    %mul3A_89 = arith.mulf %mul3A_42, %mul3A_88 : vector<1024x512xf32>
    %get3A_90 = arith.constant 7 : index
    %get3A_91 = arith.constant 0 : index
    %get3A_92 = vector.load %arg2[%get3A_90, %get3A_91] : memref<12x512xf32, #tpu.memory_space<vmem>>, vector<1x512xf32>
    %mul3A_93 = vector.broadcast %get3A_92 : vector<1x512xf32> to vector<1024x512xf32>
    %mul3A_94 = arith.mulf %mul3A_65, %mul3A_93 : vector<1024x512xf32>
    %add3A_95 = arith.addf %mul3A_89, %mul3A_94 : vector<1024x512xf32>
    %get3A_96 = arith.constant 9 : index
    %get3A_97 = arith.constant 0 : index
    %get3A_98 = vector.load %arg2[%get3A_96, %get3A_97] : memref<12x512xf32, #tpu.memory_space<vmem>>, vector<1x512xf32>
    %add3A_99 = vector.broadcast %get3A_98 : vector<1x512xf32> to vector<1024x512xf32>
    %add3A_100 = arith.addf %add3A_95, %add3A_99 : vector<1024x512xf32>
    %max3A_101 = arith.constant 0.000000e+00 : f32
    %max3A_102 = vector.broadcast %max3A_101 : f32 to vector<1024x512xf32>
    %max3A_103 = arith.maximumf %add3A_100, %max3A_102 : vector<1024x512xf32>
    %reduce_sum3A_104 = arith.constant dense<0.000000e+00> : vector<512xf32>
    %reduce_sum3A_105 = vector.multi_reduction <add>, %max3A_84, %reduce_sum3A_104 [0] : vector<1024x512xf32> to vector<512xf32>
    %broadcast_in_dim3A_106 = vector.shape_cast %reduce_sum3A_105 : vector<512xf32> to vector<1x512xf32>
    %div3A_107 = arith.constant 1.024000e+03 : f32
    %div3A_108 = vector.broadcast %div3A_107 : f32 to vector<1x512xf32>
    %div3A_109 = arith.divf %broadcast_in_dim3A_106, %div3A_108 : vector<1x512xf32>
    %mul3A_110 = arith.mulf %max3A_84, %max3A_84 : vector<1024x512xf32>
    %reduce_sum3A_111 = arith.constant dense<0.000000e+00> : vector<512xf32>
    %reduce_sum3A_112 = vector.multi_reduction <add>, %mul3A_110, %reduce_sum3A_111 [0] : vector<1024x512xf32> to vector<512xf32>
    %broadcast_in_dim3A_113 = vector.shape_cast %reduce_sum3A_112 : vector<512xf32> to vector<1x512xf32>
    %div3A_114 = arith.constant 1.024000e+03 : f32
    %div3A_115 = vector.broadcast %div3A_114 : f32 to vector<1x512xf32>
    %div3A_116 = arith.divf %broadcast_in_dim3A_113, %div3A_115 : vector<1x512xf32>
    %mul3A_117 = arith.mulf %div3A_109, %div3A_109 : vector<1x512xf32>
    %sub3A_118 = arith.subf %div3A_116, %mul3A_117 : vector<1x512xf32>
    %sub3A_119 = vector.broadcast %div3A_109 : vector<1x512xf32> to vector<1024x512xf32>
    %sub3A_120 = arith.subf %max3A_84, %sub3A_119 : vector<1024x512xf32>
    %add3A_121 = arith.constant 9.99999974E-6 : f32
    %add3A_122 = vector.broadcast %add3A_121 : f32 to vector<1x512xf32>
    %add3A_123 = arith.addf %sub3A_118, %add3A_122 : vector<1x512xf32>
    %rsqrt3A_124 = math.rsqrt %add3A_123 : vector<1x512xf32>
    %mul3A_125 = vector.broadcast %rsqrt3A_124 : vector<1x512xf32> to vector<1024x512xf32>
    %mul3A_126 = arith.mulf %sub3A_120, %mul3A_125 : vector<1024x512xf32>
    %reduce_sum3A_127 = arith.constant dense<0.000000e+00> : vector<512xf32>
    %reduce_sum3A_128 = vector.multi_reduction <add>, %max3A_103, %reduce_sum3A_127 [0] : vector<1024x512xf32> to vector<512xf32>
    %broadcast_in_dim3A_129 = vector.shape_cast %reduce_sum3A_128 : vector<512xf32> to vector<1x512xf32>
    %div3A_130 = arith.constant 1.024000e+03 : f32
    %div3A_131 = vector.broadcast %div3A_130 : f32 to vector<1x512xf32>
    %div3A_132 = arith.divf %broadcast_in_dim3A_129, %div3A_131 : vector<1x512xf32>
    %mul3A_133 = arith.mulf %max3A_103, %max3A_103 : vector<1024x512xf32>
    %reduce_sum3A_134 = arith.constant dense<0.000000e+00> : vector<512xf32>
    %reduce_sum3A_135 = vector.multi_reduction <add>, %mul3A_133, %reduce_sum3A_134 [0] : vector<1024x512xf32> to vector<512xf32>
    %broadcast_in_dim3A_136 = vector.shape_cast %reduce_sum3A_135 : vector<512xf32> to vector<1x512xf32>
    %div3A_137 = arith.constant 1.024000e+03 : f32
    %div3A_138 = vector.broadcast %div3A_137 : f32 to vector<1x512xf32>
    %div3A_139 = arith.divf %broadcast_in_dim3A_136, %div3A_138 : vector<1x512xf32>
    %mul3A_140 = arith.mulf %div3A_132, %div3A_132 : vector<1x512xf32>
    %sub3A_141 = arith.subf %div3A_139, %mul3A_140 : vector<1x512xf32>
    %sub3A_142 = vector.broadcast %div3A_132 : vector<1x512xf32> to vector<1024x512xf32>
    %sub3A_143 = arith.subf %max3A_103, %sub3A_142 : vector<1024x512xf32>
    %add3A_144 = arith.constant 9.99999974E-6 : f32
    %add3A_145 = vector.broadcast %add3A_144 : f32 to vector<1x512xf32>
    %add3A_146 = arith.addf %sub3A_141, %add3A_145 : vector<1x512xf32>
    %rsqrt3A_147 = math.rsqrt %add3A_146 : vector<1x512xf32>
    %mul3A_148 = vector.broadcast %rsqrt3A_147 : vector<1x512xf32> to vector<1024x512xf32>
    %mul3A_149 = arith.mulf %sub3A_143, %mul3A_148 : vector<1024x512xf32>
    %get3A_150 = arith.constant 10 : index
    %get3A_151 = arith.constant 0 : index
    %get3A_152 = vector.load %arg2[%get3A_150, %get3A_151] : memref<12x512xf32, #tpu.memory_space<vmem>>, vector<1x512xf32>
    %mul3A_153 = vector.broadcast %get3A_152 : vector<1x512xf32> to vector<1024x512xf32>
    %mul3A_154 = arith.mulf %mul3A_126, %mul3A_153 : vector<1024x512xf32>
    %get3A_155 = arith.constant 11 : index
    %get3A_156 = arith.constant 0 : index
    %get3A_157 = vector.load %arg2[%get3A_155, %get3A_156] : memref<12x512xf32, #tpu.memory_space<vmem>>, vector<1x512xf32>
    %mul3A_158 = vector.broadcast %get3A_157 : vector<1x512xf32> to vector<1024x512xf32>
    %mul3A_159 = arith.mulf %mul3A_149, %mul3A_158 : vector<1024x512xf32>
    %add3A_160 = arith.addf %mul3A_154, %mul3A_159 : vector<1024x512xf32>
    %reduce_sum3A_161 = arith.constant dense<0.000000e+00> : vector<512xf32>
    %reduce_sum3A_162 = vector.multi_reduction <add>, %add3A_160, %reduce_sum3A_161 [0] : vector<1024x512xf32> to vector<512xf32>
    %broadcast_in_dim3A_163 = vector.shape_cast %reduce_sum3A_162 : vector<512xf32> to vector<1x512xf32>
    %div3A_164 = arith.constant 1.024000e+03 : f32
    %div3A_165 = vector.broadcast %div3A_164 : f32 to vector<1x512xf32>
    %div3A_166 = arith.divf %broadcast_in_dim3A_163, %div3A_165 : vector<1x512xf32>
    %mul3A_167 = arith.mulf %add3A_160, %add3A_160 : vector<1024x512xf32>
    %reduce_sum3A_168 = arith.constant dense<0.000000e+00> : vector<512xf32>
    %reduce_sum3A_169 = vector.multi_reduction <add>, %mul3A_167, %reduce_sum3A_168 [0] : vector<1024x512xf32> to vector<512xf32>
    %broadcast_in_dim3A_170 = vector.shape_cast %reduce_sum3A_169 : vector<512xf32> to vector<1x512xf32>
    %div3A_171 = arith.constant 1.024000e+03 : f32
    %div3A_172 = vector.broadcast %div3A_171 : f32 to vector<1x512xf32>
    %div3A_173 = arith.divf %broadcast_in_dim3A_170, %div3A_172 : vector<1x512xf32>
    %mul3A_174 = arith.mulf %div3A_166, %div3A_166 : vector<1x512xf32>
    %sub3A_175 = arith.subf %div3A_173, %mul3A_174 : vector<1x512xf32>
    %sub3A_176 = vector.broadcast %div3A_166 : vector<1x512xf32> to vector<1024x512xf32>
    %sub3A_177 = arith.subf %add3A_160, %sub3A_176 : vector<1024x512xf32>
    %add3A_178 = arith.constant 9.99999974E-6 : f32
    %add3A_179 = vector.broadcast %add3A_178 : f32 to vector<1x512xf32>
    %add3A_180 = arith.addf %sub3A_175, %add3A_179 : vector<1x512xf32>
    %rsqrt3A_181 = math.rsqrt %add3A_180 : vector<1x512xf32>
    %mul3A_182 = vector.broadcast %rsqrt3A_181 : vector<1x512xf32> to vector<1024x512xf32>
    %mul3A_183 = arith.mulf %sub3A_177, %mul3A_182 : vector<1024x512xf32>
    %swap3A = arith.constant 0 : index
    %swap3A_184 = arith.constant 0 : index
    %swap3A_185 = vector.load %arg3[%swap3A, %swap3A_184] : memref<1024x512xf32, #tpu.memory_space<vmem>>, vector<1024x512xf32>
    tpu.vector_store %arg3[%swap3A, %swap3A_184], %mul3A_183 {strides = array<i32>} : memref<1024x512xf32, #tpu.memory_space<vmem>>, vector<1024x512xf32>,
    return
  }
  func.func @transform_0(%arg0: i32) -> (i32, i32) {
    %add3A = arith.constant 12 : i32
    %add3A_0 = arith.addi %arg0, %add3A : i32
    %c0_i32 = arith.constant 0 : i32
    %c0_i32_1 = arith.constant 0 : i32
    return %c0_i32, %add3A_0 : i32, i32
  }
  func.func @transform_1(%arg0: i32) -> (i32, i32) {
    %add3A = arith.constant 12 : i32
    %add3A_0 = arith.addi %arg0, %add3A : i32
    %c0_i32 = arith.constant 0 : i32
    %c0_i32_1 = arith.constant 0 : i32
    return %c0_i32, %add3A_0 : i32, i32
  }
  func.func @transform_2(%arg0: i32) -> (i32, i32) {
    %c0_i32 = arith.constant 0 : i32
    %c0_i32_0 = arith.constant 0 : i32
    return %c0_i32, %arg0 : i32, i32
  }
}

</mosaic_0001>

<sc_bundles>
// kernel: _run.4.cloned.1.call-start
scs
__scs_entry_jumppad:
0x0: {  	(pc) =	sbr.rel $0x88, $3  }
0x1: {  	(tag) =	ssettag $0x0;
	lr =	simm.s32 $0x1  }
0x2: {  	[smem:$0x3F9F] =	sst lr;
	_ =	strace $0xD0000000  }
0x3: {  	_ = 	snop  }
0x4: {  	_ = 	snop  }
0x5: {  	_ = 	snop  }
0x6: {  	_ = 	snop  }
0x7: {  	_ = 	snop  }
__scs_overlays_trampoline_lowered:
0x8: {  	[smem:$0x3FAE] =	sst s0  }
0x9: {  	[smem:$0x3FAF] =	sst s1  }
0xa: {  	[smem:$0x3FB0] =	sst s2  }
0xb: {  	[smem:$0x3FB1] =	sst s3  }
0xc: {  	[smem:$0x3FB2] =	sst s4  }
0xd: {  	[smem:$0x3FB3] =	sst s5  }
0xe: {  	[smem:$0x3FB4] =	sst s6  }
0xf: {  	[smem:$0x3FB5] =	sst s7  }
0x10: {  	[smem:$0x3FB6] =	sst s8  }
0x11: {  	[smem:$0x3FB7] =	sst s9;
	s0 =	simm.s32 @!p0 $0x0  }
0x12: {  	s1 =	sld [smem:$0x3F9D];
	s0 =	simm.s32 @p0 $0x1  }
0x13: {  	[smem:$0x3FB8] =	sst s0;
	s0 =	simm.s32 @!p1 $0x0  }
0x14: {  	s2 =	sld [smem:$0x3F9C];
	s0 =	simm.s32 @p1 $0x1  }
0x15: {  	[smem:$0x3FB9] =	sst s0;
	s0 =	simm.s32 @!p2 $0x0  }
0x16: {  	s3 =	sld [smem:$0x3FDB];
	s0 =	simm.s32 @p2 $0x1  }
0x17: {  	s4 =	simm.s32 $0x1BF5;
	[smem:$0x3FBB] =	sst s0  }
0x18: {  	s0 =	sld [smem:$0x3F9E];
	_ =	swait.ge [sflag:s4], $0x0  }
0x19: {  	s7 =	sld [smem:$0x3F9F]  }
0x1a: {  	s8 =	sadd.s32 $0xFFFFE003, lr  }
0x1b: {  	s9 =	sadd.s32 $0xFFFFFEF7, lr;
	s5 =	simm.s32 $0xFFFFFFFF;
	p2 =	slt.u32 s8, $0xFFFFF086  }
0x1c: {  	p1 =	slt.u32 s9, $0xF7A;
	s5 =	simm.s32 @!p2 $0x0  }
0x1d: {  	s5 =	simm.s32 @p1 $0x1;
	p0 =	seq.s32 s7, s2  }
0x1e: {  	s7 =	smul.u32 @!p0 $0xF7A, s2;
	p2 =	seq.s32 @!p0 s5, $0x0  }
0x1f: {  	s9 =	smul.u32 $0xF7A, s1;
	s8 =	simm.s32 @!p0 $0x1BF5;
	p2 =	por !p2, p0  }
0x20: {  	[sflag:s8] =	ssyncset.s32 @!p0 $0xFFFFF086;
	s6 =	sadd.s32 @!p0 s3, s7;
	s7 =	simm.s32 @!p0 $0x108  }
0x21: {  	s3 =	sadd.s32 s3, s9;
	s6 =	sadd.s32 @!p0 $0x88, s6;
	s7 =	simm.s32 @p2 $0x1082  }
0x22: {  	[simem:s7], [sflag:s8] =	dma.local @!p0 [hbm:s6], $0xF7A  }
0x23: {  	s9 =	sor.u32 $0xD0000000, s2;
	s6 =	simm.s32 $0x108;
	_ =	swait.ge @!p0 [sflag:s8], $0x0  }
0x24: {  	s3 =	sadd.s32 $0x88, s3;
	s6 =	simm.s32 @!p1 $0x1082;
	[sflag:s4] =	ssyncset.s32 $0xFFFFF086  }
0x25: {  	[simem:s6], [sflag:s4] =	dma.local [hbm:s3], $0xF7A  }
0x26: {  	[smem:$0x3F9F] =	sst s1;
	(tag) =	ssettag s2;
	_ =	strace s9  }
0x27: {  	s1 =	sld [smem:$0x3FAF]  }
0x28: {  	s2 =	sld [smem:$0x3FB0]  }
0x29: {  	s4 =	sld [smem:$0x3FB2]  }
0x2a: {  	p0 =	seq.s32 s5, $0x0;
	s5 =	sld [smem:$0x3FB3]  }
0x2b: {  	s6 =	sld [smem:$0x3FB4]  }
0x2c: {  	s7 =	sld [smem:$0x3FB5]  }
0x2d: {  	s3 =	simm.s32 $0x108;
	s8 =	sld [smem:$0x3FB6]  }
0x2e: {  	s3 =	simm.s32 @!p0 $0x1082;
	s9 =	sld [smem:$0x3FB7]  }
0x2f: {  	lr =	sadd.s32 s0, s3;
	s0 =	sld [smem:$0x3FAE]  }
0x30: {  	s3 =	sld [smem:$0x3FB1]  }
0x31: {  	[smem:$0x3FBA] =	sst s10  }
0x32: {  	s10 =	sld [smem:$0x3FB8];
	_ =	sdelay $0x3  }
0x33: {  	p0 =	seq.s32 s10, $0x1;
	s10 =	sld [smem:$0x3FBA];
	_ =	sdelay $0x3  }
0x34: {  	[smem:$0x3FBA] =	sst s10  }
0x35: {  	s10 =	sld [smem:$0x3FB9];
	_ =	sdelay $0x3  }
0x36: {  	p1 =	seq.s32 s10, $0x1;
	s10 =	sld [smem:$0x3FBA];
	_ =	sdelay $0x3  }
0x37: {  	[smem:$0x3FBA] =	sst s10  }
0x38: {  	s10 =	sld [smem:$0x3FBB]  }
0x39: {  	_ = 	snop;
	(pc) =	sbr.ind lr, $3  }
0x3a: {  	_ = 	snop  }
0x3b: {  	_ = 	snop  }
0x3c: {  	p2 =	seq.s32 s10, $0x1;
	s10 =	sld [smem:$0x3FBA]  }
0x3d: {  	_ =	shalt  }
0x3e: {  	_ =	shalt  }
0x3f: {  	_ =	shalt  }
0x40: {  	_ =	shalt  }
0x41: {  	_ =	shalt  }
0x42: {  	_ =	shalt  }
0x43: {  	_ =	shalt  }
0x44: {  	_ =	shalt  }
0x45: {  	_ =	shalt  }
0x46: {  	_ =	shalt  }
0x47: {  	_ =	shalt  }
0x48: {  	_ =	shalt  }
0x49: {  	_ =	shalt  }
0x4a: {  	_ =	shalt  }
0x4b: {  	_ =	shalt  }
0x4c: {  	_ =	shalt  }
0x4d: {  	_ =	shalt  }
0x4e: {  	_ =	shalt  }
0x4f: {  	_ =	shalt  }
0x50: {  	_ =	shalt  }
0x51: {  	_ =	shalt  }
0x52: {  	_ =	shalt  }
0x53: {  	_ =	shalt  }
0x54: {  	_ =	shalt  }
0x55: {  	_ =	shalt  }
0x56: {  	_ =	shalt  }
0x57: {  	_ =	shalt  }
0x58: {  	_ =	shalt  }
0x59: {  	_ =	shalt  }
0x5a: {  	_ =	shalt  }
0x5b: {  	_ =	shalt  }
0x5c: {  	_ =	shalt  }
0x5d: {  	_ =	shalt  }
0x5e: {  	_ =	shalt  }
0x5f: {  	_ =	shalt  }
0x60: {  	_ =	shalt  }
0x61: {  	_ =	shalt  }
0x62: {  	_ =	shalt  }
0x63: {  	_ =	shalt  }
0x64: {  	_ =	shalt  }
0x65: {  	_ =	shalt  }
0x66: {  	_ =	shalt  }
0x67: {  	_ =	shalt  }
0x68: {  	_ =	shalt  }
0x69: {  	_ =	shalt  }
0x6a: {  	_ =	shalt  }
0x6b: {  	_ =	shalt  }
0x6c: {  	_ =	shalt  }
0x6d: {  	_ =	shalt  }
0x6e: {  	_ =	shalt  }
0x6f: {  	_ =	shalt  }
0x70: {  	_ =	shalt  }
0x71: {  	_ =	shalt  }
0x72: {  	_ =	shalt  }
0x73: {  	_ =	shalt  }
0x74: {  	_ =	shalt  }
0x75: {  	_ =	shalt  }
0x76: {  	_ =	shalt  }
0x77: {  	_ =	shalt  }
0x78: {  	_ =	shalt  }
0x79: {  	_ =	shalt  }
0x7a: {  	_ =	shalt  }
0x7b: {  	_ =	shalt  }
0x7c: {  	_ =	shalt  }
0x7d: {  	_ =	shalt  }
0x7e: {  	_ =	shalt  }
0x7f: {  	_ =	shalt  }
0x80: {  	_ =	shalt  }
0x81: {  	_ =	shalt  }
0x82: {  	_ =	shalt  }
0x83: {  	_ =	shalt  }
0x84: {  	_ =	shalt  }
0x85: {  	_ =	shalt  }
0x86: {  	_ =	shalt  }
0x87: {  	_ =	shalt  }
.Lfunc_end0:
.L_simem_size_0:
called_computation.1_lowered:
.L_overlay_start_0:
0x88: {  	s2 =	sld [smem:$0x3FD9]  }
0x89: {  	s3 =	sld [smem:$0x3FFE];
	_ =	sdelay $0x1  }
0x8a: {  	s1 =	srdreg.scid  }
0x8b: {  	s0 =	sand.u32 $0x1, s1  }
0x8c: {  	s16 =	sshll.u32 s0, $0xA;
	s2 =	sadd.s32 s3, s2  }
0x8d: {  	s2 =	sadd.s32 s2, s16  }
0x8e: {  	[smem:$0x3FC6] =	sst s2  }
0x8f: {  	_ = 	snop  }
0x90: {  	(tm) =	ssettm $0x1  }
0x91: {  	s17 =	sld [smem:$0x3FFB];
	_ =	sdelay $0x3  }
0x92: {  	_ =	strace s17  }
0x93: {  	s2 =	sld [smem:$0x3FFC];
	_ =	sdelay $0x3  }
0x94: {  	_ =	strace s2  }
0x95: {  	s2 =	sld [smem:$0x3FFD];
	_ =	sdelay $0x3  }
0x96: {  	_ =	strace s2  }
0x97: {  	_ =	strace $0x8FFFFFFF  }
0x98: {  	s18 =	sld [smem:$0x3FDB];
	_ =	sdelay $0x1  }
0x99: {  	s19 =	simm.s32 $_scs_section_size  }
0x9a: {  	s4 =	simm.s32 $_size__tile_overlayer_lowered;
	s5 =	simm.s32 $_tile_overlayer_lowered  }
0x9b: {  	s22 =	simm.s32 $0x1BFF;
	s21 =	sshll.u32 s5, $0x1;
	s2 =	sadd.s32 s19, s18  }
0x9c: {  	s6 =	simm.s32 $0x0;
	s20 =	sshll.u32 s4, $0x1;
	s4 =	sadd.s32 s21, s2  }
0x9d: {  	[timem:s6], [sflag:s22] =	dma.local [hbm:s4], s20  }
0x9e: {  	_ =	swait.ge [sflag:s22], s20  }
0x9f: {  	s3 =	ssub.s32 $0x0, s20;
	[sflag:s22] =	ssyncset.done $0x0  }
0xa0: {  	[sflag:s22] =	ssyncadd.s32 s3;
	_ =	sdelay $0x1  }
0xa1: {  	s23 =	simm.s32 $0x1B8B  }
0xa2: {  	_ =	swait.ge [sflag:s23], $0x1  }
0xa3: {  	[sflag:s23] =	ssyncset.done $0x0  }
0xa4: {  	s25 =	simm.s32 $0x1B8E;
	s24 =	sld [smem:$0x3FFE];
	[sflag:s23] =	ssyncadd.s32 $0xFFFFFFFF  }
0xa5: {  	s26 =	simm.s32 $execute0_lowered;
	[smem:$0x3FD2] =	sst s25  }
0xa6: {  	s4 =	sshll.u32 s26, $0x1;
	_ =	strace $0x80000046;
	[dreg:$0x1] =	wrdreg $0xFFFFFFFF  }
0xa7: {  	s28 =	simm.s32 $_size_execute0_lowered;
	s2 =	sadd.s32 s2, s4;
	[dreg:$0x0] =	wrdreg $0x0  }
0xa8: {  	s4 =	sshll.u32 s28, $0x1;
	[dreg:$0x2] =	wrdreg s2  }
0xa9: {  	[dreg:$0x3] =	wrdreg s4  }
0xaa: {  	[dreg:$0x4] =	wrdreg $0xC0  }
0xab: {  	_ =	task [dreg:s6], $0x5FFFF  }
0xac: {  	[dreg:$0x1] =	wrdreg $0xFFFFFFFF  }
0xad: {  	[dreg:$0x0] =	wrdreg $0x60  }
0xae: {  	[dreg:$0x2] =	wrdreg s24  }
0xaf: {  	[dreg:$0x3] =	wrdreg $0x9  }
0xb0: {  	_ =	task.clear_ibuf [dreg:s6], $0x4FFFF;
	_ =	strace $0x90000046  }
0xb1: {  	s29 =	simm.s32 $0x9;
	_ =	strace $0x80000048  }
0xb2: {  	_ =	swait.ge [sflag:s29], $0x1  }
0xb3: {  	[sflag:s29] =	ssyncadd.s32 $0xFFFFFFFF  }
0xb4: {  	_ =	strace $0x90000048  }
0xb5: {  	_ =	sfence  }
0xb6: {  	s30 =	sld [smem:$0x0];
	_ =	sdelay $0x2  }
0xb7: {  	s31 =	sshll.u32 s1, $0xD;
	s1 =	sshrl.u32 s1, $0x2  }
0xb8: {  	s3 =	sand.u32 $0x4000, s31;
	s1 =	sadd.s32 s1, s30  }
0xb9: {  	s0 =	sor.u32 s3, s0;
	s1 =	sshll.u32 s1, $0x11  }
0xba: {  	s0 =	sor.u32 s1, s0  }
0xbb: {  	s0 =	sadd.s32 $0x8F2B, s0  }
0xbc: {  	[sflag:s0] =	ssyncadd.remote.s32 $0x1  }
0xbd: {  	_ =	sfence.sel $0xFFFF  }
0xbe: {  	[dreg:$0x0] =	wrdreg $0xFFFFFFFF;
	(pc) =	sbr.abs _section_cstart, $3  }
0xbf: {  	[dreg:$0x1] =	wrdreg $0xFFFFFFFF  }
0xc0: {  	_ =	task.clear_ibuf [dreg:s6], $0x2FFFF;
	_ =	strace $0x9FFFFFFF  }
0xc1: {  	(tm) =	ssettm $0x7FFFFFFF  }
tec
execute0_lowered:
.L_overlay_start_1:
0x0: {  	(tag) =	ssettag $0x1  }
0x1: {  	s5 =	rddreg [dreg:$0x0]  }
0x2: {  	s0 =	rddreg [dreg:$0x1]  }
0x3: {  	s1 =	simm.s32 $0x0;
	s2 =	srdreg.scid;
	s12 =	simm.s32 $0x10  }
0x4: {  	s13 =	simm.s32 $0x1800;
	s14 =	simm.s32 $0x8000;
	s15 =	simm.s32 $0x1  }
0x5: {  	s16 =	simm.s32 $0x3;
	s17 =	simm.s32 $0x4000;
	s18 =	simm.s32 $0x80C0  }
0x6: {  	s19 =	simm.s32 $0x14180;
	s20 =	simm.s32 $0x2;
	s21 =	simm.s32 $0x4  }
0x7: {  	s22 =	simm.s32 $0x5;
	s23 =	simm.s32 $0x0;
	[smem:$0x7FF] =	sst s1  }
0x8: {  	s3 =	sadd.s32 $0x1D8E00, s5;
	s6 =	sand.u32 $0x1, s2;
	s4 =	sadd.s32 $0x298E00, s5  }
0x9: {  	s2 =	stileid.u32;
	s5 =	sadd.s32 $0x29B200, s5;
	s7 =	ssub.s32 $0x2, s6  }
0xa: {  	s9 =	sshll.u32 s2, $0x2;
	s6 =	sshll.u32 s6, $0x1;
	s8 =	sshrl.u32 s7, $0x1  }
0xb: {  	_ =	strace $0x80000047;
	s10 =	sor.u32 s6, s9;
	s11 =	ssub.s32 s7, s8  }
0xc: {  	s6 =	sadd.s32 s3, s10;
	s7 =	sadd.s32 s4, s10;
	s8 =	sor.u32 $0x40, s10  }
0xd: {  	s9 =	sor.u32 $0x80, s10;
	s10 =	sadd.s32 s5, s10;
	s11 =	smax.u32 s11, $0x1  }
.LBB2_1:
0xe: {  	[tilespmem:s1], [sflag:$0x1] =	stream.strided.gather [hbm4b:s6+s12], $0x4000, s13, s12, $0x38;
	[tilespmem:$0x18180] =	vst v63  }
0xf: {  	s24 =	simm.s32 $0x0  }
0x10: {  	[tilespmem:s14], [sflag:$0x3] =	stream.strided.gather [hbm4b:s7+s12], $0xC0, s13, s12, $0x38;
	[tilespmem:$0x18180] =	vst v63  }
.LBB2_2:
0x11: {  	_ =	swait.ge [sflag:s15], $0x4000  }
0x12: {  	[sflag:s15] =	ssyncset.done $0x0  }
0x13: {  	[sflag:s15] =	ssyncadd.s32 $0xFFFFC000  }
0x14: {  	s26 =	sshll.u32 s24, $0x7;
	_ =	swait.ge [sflag:s16], $0xC0  }
0x15: {  	s25 =	sor.u32 s8, s26;
	[sflag:s16] =	ssyncset.done $0x0  }
0x16: {  	s28 =	sadd.s32 s3, s25;
	[sflag:s16] =	ssyncadd.s32 $0xFFFFFF40  }
0x17: {  	[tilespmem:s17], [sflag:$0x2] =	stream.strided.gather [hbm4b:s28+s12], $0x4000, s13, s12, $0x38;
	[tilespmem:$0x18180] =	vst v63  }
0x18: {  	s28 =	sadd.s32 s4, s25  }
0x19: {  	[tilespmem:s18], [sflag:$0x4] =	stream.strided.gather [hbm4b:s28+s12], $0xC0, s13, s12, $0x38;
	[tilespmem:$0x18180] =	vst v63  }
0x1a: {  	v10 =	vld [tilespmem:$0x8000]  }
0x1b: {  	v9 =	vld [tilespmem:$0x8010]  }
0x1c: {  	s29 =	simm.s32 $0x0;
	v11 =	vld [tilespmem:$0x8020]  }
0x1d: {  	v0 =	vld [tilespmem:s29+$0x10]  }
0x1e: {  	v12 =	vld [tilespmem:s29+$0x20]  }
0x1f: {  	v14 =	vld [tilespmem:s29+$0x30]  }
0x20: {  	v13 =	vld [tilespmem:s29+$0x0]  }
0x21: {  	v8 =	vld [tilespmem:$0x8030]  }
0x22: {  	v2 =	vld [tilespmem:$0x8040]  }
0x23: {  	v4 =	vld [tilespmem:$0x8050];
	v1 =	vmul.f32 v0, v10  }
0x24: {  	v5 =	vld [tilespmem:$0x8060];
	v15 =	vmul.f32 v12, v10;
	v16 =	vmul.f32 v0, v9  }
0x25: {  	v18 =	vimm.f32 $0.0e+00;
	v6 =	vld [tilespmem:$0x8070];
	v19 =	vmul.f32 v14, v10;
	v20 =	vmul.f32 v13, v10  }
0x26: {  	v7 =	vld [tilespmem:$0x8080];
	v21 =	vmul.f32 v12, v9;
	v13 =	vmul.f32 v13, v9;
	v17 =	vadd.f32 v1, v11  }
0x27: {  	v3 =	vld [tilespmem:$0x8090];
	v29 =	vmul.f32 v14, v9;
	v15 =	vadd.f32 v15, v11;
	v16 =	vadd.f32 v16, v8  }
0x28: {  	v0 =	vld [tilespmem:$0x80A0];
	v19 =	vadd.f32 v19, v11;
	v21 =	vadd.f32 v21, v8;
	v17 =	vmax.f32 v17, $0.0e+00  }
0x29: {  	v1 =	vld [tilespmem:$0x80B0];
	v20 =	vadd.f32 v20, v11;
	v25 =	vadd.f32 v13, v8;
	v15 =	vmax.f32 v15, $0.0e+00;
	[tilespmem:s29+$0x8190] =	vst v17  }
0x2a: {  	v16 =	vmax.f32 v16, $0.0e+00;
	v13 =	vmax.f32 v21, $0.0e+00;
	v19 =	vmax.f32 v19, $0.0e+00;
	[tilespmem:s29+$0x81A0] =	vst v15  }
0x2b: {  	s28 =	simm.s32 $0x40;
	v20 =	vmax.f32 v20, $0.0e+00;
	v25 =	vmax.f32 v25, $0.0e+00;
	[tilespmem:s29+$0xC190] =	vst v16;
	v22 =	vadd.f32 v17, v18  }
0x2c: {  	v23 =	vmul.f32 v16, v16;
	v17 =	vmul.f32 v17, v17;
	v26 =	vadd.f32 v16, v18;
	v24 =	vld [tilespmem:s28+$0x20]  }
0x2d: {  	v30 =	vadd.f32 v20, v18;
	v21 =	vld [tilespmem:s28+$0x10];
	v32 =	vadd.f32 v19, v22;
	v22 =	vmul.f32 v25, v25  }
0x2e: {  	v31 =	vmul.f32 v20, v20;
	v16 =	vadd.f32 v25, v18;
	[tilespmem:s29+$0xC1A0] =	vst v13;
	v17 =	vadd.f32 v17, v18  }
0x2f: {  	v28 =	vld [tilespmem:s28+$0x0];
	[tilespmem:s29+$0x81B0] =	vst v19;
	v23 =	vadd.f32 v23, v18;
	v19 =	vmul.f32 v19, v19;
	v33 =	vadd.f32 v22, v18  }
0x30: {  	v12 =	vmul.f32 v15, v15;
	v14 =	vld [tilespmem:s28+$0x30];
	v22 =	vadd.f32 v29, v8;
	v18 =	vadd.f32 v31, v18  }
0x31: {  	v27 =	vmul.f32 v13, v13;
	[tilespmem:s29+$0x8180] =	vst v20;
	v20 =	vadd.f32 v19, v17;
	v17 =	vadd.f32 v15, v30  }
0x32: {  	v29 =	vmul.f32 v21, v10;
	v31 =	vmul.f32 v24, v10;
	v35 =	vmax.f32 v22, $0.0e+00  }
0x33: {  	v21 =	vmul.f32 v21, v9;
	v36 =	vmul.f32 v24, v9;
	v22 =	vadd.f32 v35, v26  }
0x34: {  	v34 =	vmul.f32 v28, v10;
	v29 =	vadd.f32 v29, v11;
	v26 =	vadd.f32 v31, v11  }
0x35: {  	[tilespmem:s29+$0xC180] =	vst v25;
	v19 =	vmul.f32 v14, v10;
	v21 =	vadd.f32 v21, v8;
	v31 =	vmul.f32 v28, v9  }
0x36: {  	[tilespmem:s29+$0xC1B0] =	vst v35;
	v30 =	vadd.f32 v36, v8;
	v28 =	vadd.f32 v34, v11;
	v24 =	vmax.f32 v29, $0.0e+00  }
0x37: {  	v15 =	vmax.f32 v26, $0.0e+00;
	v25 =	vadd.f32 v19, v11;
	v26 =	vmul.f32 v35, v35;
	[tilespmem:s28+$0x8190] =	vst v24  }
0x38: {  	v29 =	vmax.f32 v21, $0.0e+00;
	v19 =	vadd.f32 v27, v33;
	v21 =	vmul.f32 v15, v15;
	[tilespmem:s28+$0x81A0] =	vst v15  }
0x39: {  	s29 =	simm.s32 $0x200;
	[tilespmem:s28+$0xC190] =	vst v29;
	v27 =	vadd.f32 v24, v32;
	v23 =	vadd.f32 v26, v23;
	v26 =	vmul.f32 v29, v29  }
.LBB2_3:
0x3a: {  	s30 =	sshra.s32 s29, $0x2;
	p0 =	sne.s32 s29, $0xFF00;
	s29 =	sadd.s32 $0x100, s29;
	v31 =	vadd.f32 v31, v8;
	v24 =	vmul.f32 v24, v24;
	v22 =	vadd.f32 v29, v22  }
0x3b: {  	v30 =	vmax.f32 v30, $0.0e+00;
	v25 =	vmax.f32 v25, $0.0e+00;
	v18 =	vadd.f32 v12, v18;
	v12 =	vmovc v21;
	v29 =	vld [tilespmem:s30+$0x20]  }
0x3c: {  	v16 =	vadd.f32 v13, v16;
	v32 =	vmul.f32 v30, v30;
	v21 =	vld [tilespmem:s30+$0x10];
	v20 =	vadd.f32 v24, v20;
	[tilespmem:s28+$0xC1A0] =	vst v30  }
0x3d: {  	v27 =	vadd.f32 v25, v27;
	v13 =	vmovc v30;
	v24 =	vmax.f32 v28, $0.0e+00;
	v28 =	vmax.f32 v31, $0.0e+00;
	v33 =	vld [tilespmem:s30+$0x0];
	[tilespmem:s28+$0x81B0] =	vst v25  }
0x3e: {  	v23 =	vadd.f32 v26, v23;
	v26 =	vmul.f32 v14, v9;
	v30 =	vmul.f32 v28, v28;
	[tilespmem:s28+$0x8180] =	vst v24;
	v14 =	vld [tilespmem:s30+$0x30]  }
0x3f: {  	v17 =	vadd.f32 v24, v17;
	v16 =	vadd.f32 v28, v16;
	v24 =	vmul.f32 v24, v24;
	[tilespmem:s28+$0xC180] =	vst v28  }
0x40: {  	v26 =	vadd.f32 v26, v8;
	v25 =	vmul.f32 v25, v25;
	v19 =	vadd.f32 v30, v19  }
0x41: {  	v18 =	vadd.f32 v24, v18;
	v28 =	vmul.f32 v21, v10;
	v21 =	vmul.f32 v21, v9  }
0x42: {  	v26 =	vmax.f32 v26, $0.0e+00;
	v24 =	vmul.f32 v29, v10;
	v34 =	vmul.f32 v33, v10  }
0x43: {  	v30 =	vmul.f32 v29, v9;
	v22 =	vadd.f32 v26, v22;
	v28 =	vadd.f32 v28, v11;
	[tilespmem:s28+$0xC1B0] =	vst v26;
	s28 =	smov.u32 s30  }
0x44: {  	v20 =	vadd.f32 v25, v20;
	v29 =	vadd.f32 v24, v11;
	v31 =	vmul.f32 v14, v10  }
.Ltmp0:
0x45: {  	v17 =	vadd.f32 v15, v17;
	v21 =	vadd.f32 v21, v8;
	v24 =	vmax.f32 v28, $0.0e+00;
	(pc) =	sbr.rel @p0 .LBB2_3-.Ltmp0, $4  }
0x46: {  	v26 =	vmul.f32 v26, v26;
	v15 =	vmax.f32 v29, $0.0e+00;
	v25 =	vadd.f32 v31, v11;
	[tilespmem:s28+$0x8190] =	vst v24  }
0x47: {  	v19 =	vadd.f32 v32, v19;
	v29 =	vmax.f32 v21, $0.0e+00;
	v21 =	vmul.f32 v15, v15;
	[tilespmem:s28+$0x81A0] =	vst v15  }
0x48: {  	v30 =	vadd.f32 v30, v8;
	v31 =	vmul.f32 v33, v9;
	v23 =	vadd.f32 v26, v23  }
0x49: {  	v28 =	vadd.f32 v34, v11;
	v27 =	vadd.f32 v24, v27;
	v26 =	vmul.f32 v29, v29;
	[tilespmem:s28+$0xC190] =	vst v29  }
0x4a: {  	v10 =	vadd.f32 v31, v8;
	v11 =	vmul.f32 v24, v24;
	v22 =	vadd.f32 v29, v22  }
0x4b: {  	v24 =	vmax.f32 v30, $0.0e+00;
	v25 =	vmax.f32 v25, $0.0e+00;
	v12 =	vadd.f32 v12, v18  }
0x4c: {  	v13 =	vadd.f32 v13, v16;
	v9 =	vmul.f32 v14, v9;
	v14 =	vmax.f32 v28, $0.0e+00  }
0x4d: {  	v16 =	vadd.f32 v25, v27;
	v11 =	vadd.f32 v11, v20;
	v10 =	vmax.f32 v10, $0.0e+00  }
0x4e: {  	v20 =	vadd.f32 v26, v23;
	v8 =	vadd.f32 v9, v8;
	v18 =	vmul.f32 v10, v10  }
0x4f: {  	v9 =	vadd.f32 v14, v17;
	v17 =	vmul.f32 v14, v14;
	v13 =	vadd.f32 v10, v13  }
0x50: {  	v8 =	vmax.f32 v8, $0.0e+00;
	v18 =	vadd.f32 v18, v19;
	v19 =	vmul.f32 v25, v25  }
0x51: {  	v23 =	vmul.f32 v24, v24;
	v12 =	vadd.f32 v17, v12;
	v17 =	vadd.f32 v8, v22  }
0x52: {  	v13 =	vadd.f32 v24, v13;
	v11 =	vadd.f32 v19, v11;
	v19 =	vmul.f32 v8, v8  }
0x53: {  	v9 =	vadd.f32 v15, v9;
	v15 =	vadd.f32 v23, v18  }
0x54: {  	v13 =	vadd.f32 v17, v13;
	v18 =	vadd.f32 v19, v20  }
0x55: {  	v12 =	vadd.f32 v21, v12;
	v9 =	vadd.f32 v16, v9  }
0x56: {  	v13 =	vmul.f32 $9.765625000e-04, v13;
	v15 =	vadd.f32 v18, v15  }
0x57: {  	v11 =	vadd.f32 v11, v12;
	v12 =	vmul.f32 $9.765625000e-04, v9  }
0x58: {  	v9 =	vmul.f32 $9.765625000e-04, v15;
	v15 =	vmul.f32 v13, v13  }
0x59: {  	v11 =	vmul.f32 $9.765625000e-04, v11;
	v16 =	vmul.f32 v12, v12  }
0x5a: {  	v9 =	vsub.f32 v9, v15  }
0x5b: {  	v11 =	vsub.f32 v11, v16  }
0x5c: {  	v9 =	vadd.f32 $9.999999740e-06, v9  }
0x5d: {  	v11 =	vadd.f32 $9.999999740e-06, v11  }
0x5e: {  	v15 =	vshra.s32 v9, $0x1;
	v9 =	vmul.f32 $5.000000000e-01, v9  }
0x5f: {  	v16 =	vshra.s32 v11, $0x1;
	v11 =	vmul.f32 $5.000000000e-01, v11;
	v15 =	vsub.s32 $0x5F3759DF, v15  }
0x60: {  	v16 =	vsub.s32 $0x5F3759DF, v16;
	v17 =	vmul.f32 v15, v9  }
0x61: {  	v18 =	vmul.f32 v16, v11  }
0x62: {  	v17 =	vmul.f32 v15, v17  }
0x63: {  	v18 =	vmul.f32 v16, v18  }
0x64: {  	v17 =	vsub.f32 $1.500000000e+00, v17  }
0x65: {  	v18 =	vsub.f32 $1.500000000e+00, v18  }
0x66: {  	v15 =	vmul.f32 v15, v17  }
0x67: {  	v16 =	vmul.f32 v16, v18  }
0x68: {  	v17 =	vmul.f32 v15, v9  }
0x69: {  	[tilespmem:s28+$0xC1A0] =	vst v24;
	v18 =	vmul.f32 v16, v11  }
0x6a: {  	[tilespmem:s28+$0x81B0] =	vst v25;
	v17 =	vmul.f32 v17, v15  }
0x6b: {  	[tilespmem:s28+$0x8180] =	vst v14;
	v18 =	vmul.f32 v18, v16  }
0x6c: {  	p0 =	seq.s32 s24, $0x0;
	[tilespmem:s28+$0xC180] =	vst v10;
	v17 =	vsub.f32 $1.500000000e+00, v17  }
0x6d: {  	[tilespmem:s28+$0xC1B0] =	vst v8;
	s28 =	simm.s32 @!p0 $0x5;
	v14 =	vsub.f32 $1.500000000e+00, v18  }
0x6e: {  	_ =	swait.ge @!p0 [sflag:s28], $0x4000;
	v10 =	vmul.f32 v17, v15  }
0x6f: {  	[sflag:s28] =	ssyncset.done @!p0 $0x0;
	v14 =	vmul.f32 v14, v16  }
0x70: {  	[sflag:s28] =	ssyncadd.s32 @!p0 $0xFFFFC000;
	s28 =	simm.s32 $0x0;
	v8 =	vmul.f32 v10, v9  }
0x71: {  	v19 =	vld [tilespmem:s28+$0xC180];
	v9 =	vmul.f32 v14, v11  }
0x72: {  	v18 =	vld [tilespmem:s28+$0x81B0];
	v8 =	vmul.f32 v8, v10  }
0x73: {  	v11 =	vld [tilespmem:s28+$0xC1A0];
	v9 =	vmul.f32 v9, v14  }
0x74: {  	v16 =	vld [tilespmem:s28+$0xC1B0];
	v8 =	vsub.f32 $1.500000000e+00, v8  }
0x75: {  	v15 =	vld [tilespmem:s28+$0x81A0];
	v9 =	vsub.f32 $1.500000000e+00, v9  }
0x76: {  	v8 =	vmul.f32 v8, v10;
	v10 =	vsub.f32 $0.0e+00, v13;
	v13 =	vld [tilespmem:s28+$0xC190]  }
0x77: {  	v12 =	vsub.f32 $0.0e+00, v12;
	v9 =	vmul.f32 v9, v14;
	v14 =	vld [tilespmem:s28+$0x8180]  }
0x78: {  	v10 =	vmul.f32 v8, v10;
	v17 =	vmul.f32 v11, v8  }
0x79: {  	v11 =	vmul.f32 v9, v12;
	v12 =	vmul.f32 v16, v8  }
0x7a: {  	v15 =	vmul.f32 v15, v9;
	v18 =	vmul.f32 v18, v9  }
0x7b: {  	v19 =	vmul.f32 v19, v8;
	v16 =	vadd.f32 v17, v10;
	v12 =	vadd.f32 v12, v10  }
0x7c: {  	v15 =	vadd.f32 v15, v11;
	v13 =	vmul.f32 v13, v8;
	v14 =	vmul.f32 v14, v9  }
0x7d: {  	v17 =	vld [tilespmem:s28+$0x8190];
	v18 =	vadd.f32 v18, v11;
	v20 =	vmul.f32 v16, v4;
	v16 =	vmul.f32 v16, v6  }
0x7e: {  	v19 =	vadd.f32 v19, v10;
	v22 =	vmul.f32 v15, v2;
	v15 =	vmul.f32 v15, v5  }
0x7f: {  	v21 =	vmul.f32 v12, v4;
	v12 =	vmul.f32 v12, v6;
	v13 =	vadd.f32 v13, v10  }
0x80: {  	v14 =	vadd.f32 v14, v11;
	v15 =	vadd.f32 v16, v15;
	v16 =	vmul.f32 v18, v2  }
0x81: {  	v20 =	vadd.f32 v20, v22;
	v22 =	vmul.f32 v19, v6;
	v19 =	vmul.f32 v19, v4  }
0x82: {  	v18 =	vmul.f32 v18, v5;
	v17 =	vmul.f32 v17, v9  }
0x83: {  	v23 =	vmul.f32 v14, v5;
	v24 =	vmul.f32 v13, v4  }
0x84: {  	v14 =	vmul.f32 v14, v2;
	v20 =	vadd.f32 v20, v7;
	v17 =	vadd.f32 v17, v11  }
0x85: {  	v13 =	vmul.f32 v13, v6;
	v21 =	vadd.f32 v21, v16;
	v22 =	vadd.f32 v22, v23  }
0x86: {  	v16 =	vimm.f32 $0.0e+00;
	v14 =	vadd.f32 v19, v14;
	v25 =	vmul.f32 v17, v2  }
0x87: {  	v23 =	vadd.f32 v15, v3;
	v17 =	vmul.f32 v17, v5;
	v27 =	vadd.f32 v22, v3  }
0x88: {  	v19 =	vimm.f32 $0.0e+00;
	v22 =	vadd.f32 v14, v7;
	v24 =	vadd.f32 v24, v25  }
0x89: {  	v14 =	vimm.f32 $0.0e+00;
	v17 =	vadd.f32 v13, v17;
	v13 =	vmax.f32 v20, $0.0e+00  }
0x8a: {  	v25 =	vadd.f32 v21, v7;
	v21 =	vimm.f32 $0.0e+00;
	v15 =	vadd.f32 v24, v7  }
0x8b: {  	v20 =	vimm.f32 $0.0e+00;
	v17 =	vadd.f32 v17, v3;
	v24 =	vadd.f32 v12, v18  }
0x8c: {  	[tilespmem:s28+$0x101A0] =	vst v13;
	v18 =	vimm.f32 $0.0e+00;
	v12 =	vimm.f32 $0.0e+00;
	v28 =	vmax.f32 v15, $0.0e+00  }
0x8d: {  	s29 =	simm.s32 $0x100;
	v17 =	vmax.f32 v17, $0.0e+00;
	v15 =	vimm.f32 $0.0e+00;
	v26 =	vmul.f32 v28, v28;
	[tilespmem:s28+$0x10190] =	vst v28  }
.LBB2_5:
0x8e: {  	s30 =	sshra.s32 s29, $0x2;
	p0 =	sne.s32 s29, $0xFF00;
	s29 =	sadd.s32 $0x100, s29;
	v27 =	vmax.f32 v27, $0.0e+00;
	v16 =	vadd.f32 v28, v16;
	v21 =	vadd.f32 v17, v21  }
0x8f: {  	v30 =	vmul.f32 v17, v17;
	v25 =	vmax.f32 v25, $0.0e+00;
	v28 =	vld [tilespmem:s30+$0xC1A0];
	[tilespmem:s28+$0x14180] =	vst v27;
	v29 =	vmul.f32 v27, v27  }
0x90: {  	v23 =	vmax.f32 v23, $0.0e+00;
	v14 =	vadd.f32 v27, v14;
	v18 =	vadd.f32 v26, v18;
	v31 =	vld [tilespmem:s30+$0x81A0];
	[tilespmem:s28+$0x101B0] =	vst v25  }
0x91: {  	v24 =	vadd.f32 v24, v3;
	v27 =	vmul.f32 v25, v25;
	v20 =	vadd.f32 v30, v20;
	v26 =	vld [tilespmem:s30+$0xC1B0];
	[tilespmem:s28+$0x141A0] =	vst v23  }
0x92: {  	v19 =	vadd.f32 v29, v19;
	v29 =	vmul.f32 v13, v13;
	v14 =	vadd.f32 v23, v14;
	v30 =	vld [tilespmem:s30+$0xC190]  }
0x93: {  	v16 =	vadd.f32 v25, v16;
	v32 =	vld [tilespmem:s30+$0x8180];
	[tilespmem:s28+$0x14190] =	vst v17;
	v17 =	vmul.f32 v23, v23;
	v23 =	vmax.f32 v24, $0.0e+00  }
0x94: {  	v22 =	vmax.f32 v22, $0.0e+00;
	v18 =	vadd.f32 v27, v18;
	v24 =	vld [tilespmem:s30+$0xC180];
	[tilespmem:s28+$0x141B0] =	vst v23;
	v25 =	vmul.f32 v23, v23  }
0x95: {  	v15 =	vadd.f32 v22, v15;
	v28 =	vmul.f32 v28, v8;
	v27 =	vmul.f32 v31, v9;
	[tilespmem:s28+$0x10180] =	vst v22;
	s28 =	smov.u32 s30  }
0x96: {  	v22 =	vmul.f32 v22, v22;
	v19 =	vadd.f32 v17, v19;
	v31 =	vld [tilespmem:s28+$0x81B0];
	v26 =	vmul.f32 v26, v8  }
0x97: {  	v28 =	vadd.f32 v28, v10;
	v20 =	vadd.f32 v25, v20;
	v17 =	vmul.f32 v30, v8  }
0x98: {  	v12 =	vadd.f32 v22, v12;
	v25 =	vmul.f32 v32, v9;
	v30 =	vld [tilespmem:s28+$0x8190];
	v26 =	vadd.f32 v26, v10  }
0x99: {  	v15 =	vadd.f32 v13, v15;
	v21 =	vadd.f32 v23, v21;
	v22 =	vmul.f32 v28, v4  }
0x9a: {  	v13 =	vadd.f32 v27, v11;
	v23 =	vmul.f32 v28, v6;
	v12 =	vadd.f32 v29, v12  }
0x9b: {  	v17 =	vadd.f32 v17, v10;
	v28 =	vmul.f32 v26, v4;
	v27 =	vmul.f32 v31, v9  }
0x9c: {  	v24 =	vmul.f32 v24, v8;
	v29 =	vmul.f32 v13, v2;
	v25 =	vadd.f32 v25, v11  }
0x9d: {  	v13 =	vmul.f32 v13, v5;
	v30 =	vmul.f32 v30, v9;
	v31 =	vadd.f32 v27, v11  }
0x9e: {  	v24 =	vadd.f32 v24, v10;
	v22 =	vadd.f32 v22, v29;
	v27 =	vmul.f32 v25, v5  }
0x9f: {  	v23 =	vadd.f32 v23, v13;
	v29 =	vadd.f32 v30, v11;
	v13 =	vmul.f32 v31, v2  }
0xa0: {  	v32 =	vmul.f32 v17, v4;
	v22 =	vadd.f32 v22, v7;
	v30 =	vmul.f32 v24, v6  }
0xa1: {  	v33 =	vmul.f32 v29, v2;
	v29 =	vmul.f32 v29, v5;
	v34 =	vadd.f32 v28, v13  }
0xa2: {  	v17 =	vmul.f32 v17, v6;
	v24 =	vmul.f32 v24, v4;
	v13 =	vmax.f32 v22, $0.0e+00  }
0xa3: {  	v22 =	vmul.f32 v25, v2;
	v25 =	vadd.f32 v30, v27;
	v27 =	vadd.f32 v32, v33  }
.Ltmp1:
0xa4: {  	v23 =	vadd.f32 v23, v3;
	v17 =	vadd.f32 v17, v29;
	[tilespmem:s28+$0x101A0] =	vst v13;
	(pc) =	sbr.rel @p0 .LBB2_5-.Ltmp1, $4  }
0xa5: {  	v22 =	vadd.f32 v24, v22;
	v29 =	vmul.f32 v26, v6;
	v24 =	vadd.f32 v27, v7  }
0xa6: {  	v30 =	vmul.f32 v31, v5;
	v27 =	vadd.f32 v25, v3;
	v17 =	vadd.f32 v17, v3  }
0xa7: {  	v22 =	vadd.f32 v22, v7;
	v25 =	vadd.f32 v34, v7;
	v28 =	vmax.f32 v24, $0.0e+00  }
0xa8: {  	v17 =	vmax.f32 v17, $0.0e+00;
	v24 =	vadd.f32 v29, v30;
	[tilespmem:s28+$0x10190] =	vst v28;
	v26 =	vmul.f32 v28, v28  }
0xa9: {  	v2 =	vmax.f32 v27, $0.0e+00;
	v4 =	vadd.f32 v28, v16;
	v5 =	vadd.f32 v17, v21  }
0xaa: {  	v7 =	vmul.f32 v17, v17;
	v8 =	vmax.f32 v25, $0.0e+00;
	v11 =	vmax.f32 v23, $0.0e+00  }
0xab: {  	v16 =	vmul.f32 v13, v13;
	v61 =	vmax.f32 v22, $0.0e+00;
	v9 =	vadd.f32 v2, v14  }
0xac: {  	v6 =	vmul.f32 v2, v2;
	v10 =	vadd.f32 v26, v18;
	v3 =	vadd.f32 v24, v3  }
0xad: {  	v14 =	vmul.f32 v8, v8;
	v15 =	vadd.f32 v61, v15;
	v7 =	vadd.f32 v7, v20  }
0xae: {  	v62 =	vmul.f32 v61, v61;
	v4 =	vadd.f32 v8, v4;
	v6 =	vadd.f32 v6, v19  }
0xaf: {  	v63 =	vmul.f32 v11, v11;
	v9 =	vadd.f32 v11, v9;
	v10 =	vadd.f32 v14, v10  }
0xb0: {  	v3 =	vmax.f32 v3, $0.0e+00;
	v12 =	vadd.f32 v62, v12;
	v13 =	vadd.f32 v13, v15  }
0xb1: {  	v14 =	vmul.f32 v3, v3;
	v5 =	vadd.f32 v3, v5;
	v6 =	vadd.f32 v63, v6  }
0xb2: {  	v12 =	vadd.f32 v16, v12;
	v4 =	vadd.f32 v4, v13  }
0xb3: {  	v7 =	vadd.f32 v14, v7;
	v5 =	vadd.f32 v5, v9  }
0xb4: {  	v9 =	vadd.f32 v10, v12;
	v4 =	vmul.f32 $9.765625000e-04, v4  }
0xb5: {  	v6 =	vadd.f32 v7, v6;
	v5 =	vmul.f32 $9.765625000e-04, v5  }
0xb6: {  	v7 =	vmul.f32 $9.765625000e-04, v9;
	v9 =	vmul.f32 v4, v4  }
0xb7: {  	v6 =	vmul.f32 $9.765625000e-04, v6;
	v10 =	vmul.f32 v5, v5  }
0xb8: {  	v7 =	vsub.f32 v7, v9  }
0xb9: {  	v6 =	vsub.f32 v6, v10  }
0xba: {  	v7 =	vadd.f32 $9.999999740e-06, v7  }
0xbb: {  	v6 =	vadd.f32 $9.999999740e-06, v6  }
0xbc: {  	v9 =	vshra.s32 v7, $0x1  }
0xbd: {  	v7 =	vmul.f32 $5.000000000e-01, v7;
	v10 =	vshra.s32 v6, $0x1;
	v6 =	vmul.f32 $5.000000000e-01, v6  }
0xbe: {  	v9 =	vsub.s32 $0x5F3759DF, v9;
	v10 =	vsub.s32 $0x5F3759DF, v10  }
0xbf: {  	v12 =	vmul.f32 v9, v7;
	v13 =	vmul.f32 v10, v6;
	_ =	sdelay $0x1  }
0xc0: {  	v12 =	vmul.f32 v9, v12;
	v13 =	vmul.f32 v10, v13;
	_ =	sdelay $0x1  }
0xc1: {  	v12 =	vsub.f32 $1.500000000e+00, v12;
	v13 =	vsub.f32 $1.500000000e+00, v13;
	_ =	sdelay $0x1  }
0xc2: {  	v9 =	vmul.f32 v9, v12;
	v10 =	vmul.f32 v10, v13;
	_ =	sdelay $0x1  }
0xc3: {  	v12 =	vmul.f32 v9, v7;
	v13 =	vmul.f32 v10, v6;
	_ =	sdelay $0x1  }
0xc4: {  	v12 =	vmul.f32 v12, v9;
	v13 =	vmul.f32 v13, v10;
	_ =	sdelay $0x1  }
0xc5: {  	[tilespmem:s28+$0x14180] =	vst v2;
	v2 =	vsub.f32 $1.500000000e+00, v12;
	v12 =	vsub.f32 $1.500000000e+00, v13;
	_ =	sdelay $0x1  }
0xc6: {  	[tilespmem:s28+$0x101B0] =	vst v8;
	v2 =	vmul.f32 v2, v9;
	v8 =	vmul.f32 v12, v10  }
0xc7: {  	[tilespmem:s28+$0x14190] =	vst v17  }
0xc8: {  	[tilespmem:s28+$0x141B0] =	vst v3;
	v3 =	vmul.f32 v2, v7;
	v6 =	vmul.f32 v8, v6  }
0xc9: {  	[tilespmem:s28+$0x141A0] =	vst v11  }
0xca: {  	[tilespmem:s28+$0x10180] =	vst v61;
	s28 =	simm.s32 $0x0;
	v3 =	vmul.f32 v3, v2;
	v6 =	vmul.f32 v6, v8  }
0xcb: {  	v9 =	vld [tilespmem:s28+$0x14180]  }
0xcc: {  	v10 =	vld [tilespmem:s28+$0x101A0];
	v3 =	vsub.f32 $1.500000000e+00, v3;
	v6 =	vsub.f32 $1.500000000e+00, v6  }
0xcd: {  	v7 =	vld [tilespmem:s28+$0x10180]  }
0xce: {  	v2 =	vmul.f32 v3, v2;
	v3 =	vmul.f32 v6, v8;
	v6 =	vld [tilespmem:s28+$0x10190]  }
0xcf: {  	v8 =	vld [tilespmem:s28+$0x14190]  }
0xd0: {  	v12 =	vld [tilespmem:s28+$0x141A0];
	v2 =	vmul.f32 v2, v0;
	v1 =	vmul.f32 v3, v1  }
0xd1: {  	v13 =	vld [tilespmem:s28+$0x141B0]  }
0xd2: {  	v3 =	vld [tilespmem:s28+$0x101B0];
	v0 =	vmul.f32 v2, v4;
	v4 =	vmul.f32 v1, v5  }
0xd3: {  	v5 =	vmul.f32 v7, v2;
	v7 =	vmul.f32 v9, v1  }
0xd4: {  	s29 =	simm.s32 $0x40;
	v0 =	vadd.f32 v4, v0;
	v4 =	vmul.f32 v6, v2;
	v6 =	vmul.f32 v8, v1  }
0xd5: {  	v11 =	vld [tilespmem:s29+$0x10180];
	v5 =	vadd.f32 v7, v5;
	v7 =	vmul.f32 v10, v2;
	v8 =	vmul.f32 v12, v1  }
0xd6: {  	v14 =	vmul.f32 v13, v1;
	v10 =	vld [tilespmem:s29+$0x14180];
	v6 =	vadd.f32 v6, v4  }
0xd7: {  	v9 =	vmul.f32 v3, v2;
	v3 =	vld [tilespmem:s29+$0x101A0];
	v12 =	vsub.f32 v5, v0;
	v15 =	vadd.f32 v8, v7  }
0xd8: {  	v5 =	vimm.f32 $0.0e+00;
	v4 =	vld [tilespmem:s29+$0x141A0];
	v8 =	vimm.f32 $0.0e+00;
	v7 =	vimm.f32 $0.0e+00  }
0xd9: {  	s30 =	simm.s32 $0x200;
	v14 =	vadd.f32 v14, v9;
	v9 =	vld [tilespmem:s29+$0x10190];
	v13 =	vsub.f32 v6, v0;
	v6 =	vimm.f32 $0.0e+00  }
.LBB2_7:
0xda: {  	p0 =	sne.s32 s30, $0xFF00;
	v16 =	vmul.f32 v11, v2;
	v17 =	vld [tilespmem:s29+$0x14190];
	[tilespmem:s28+$0x0] =	vst v12;
	v11 =	vmul.f32 v12, v12;
	v15 =	vsub.f32 v15, v0  }
0xdb: {  	v18 =	vmul.f32 v10, v1;
	v19 =	vld [tilespmem:s29+$0x101B0];
	[tilespmem:s28+$0x10] =	vst v13;
	v10 =	vmul.f32 v13, v13;
	v14 =	vsub.f32 v14, v0  }
0xdc: {  	v5 =	vadd.f32 v12, v5;
	v20 =	vld [tilespmem:s29+$0x141B0];
	v8 =	vadd.f32 v11, v8;
	[tilespmem:s28+$0x20] =	vst v15;
	v11 =	vmul.f32 v15, v15  }
0xdd: {  	v6 =	vadd.f32 v13, v6;
	v7 =	vadd.f32 v10, v7;
	[tilespmem:s28+$0x30] =	vst v14;
	v10 =	vmul.f32 v14, v14;
	s28 =	smov.u32 s29  }
0xde: {  	v5 =	vadd.f32 v15, v5;
	s29 =	sshra.s32 s30, $0x2;
	v9 =	vmul.f32 v9, v2;
	v8 =	vadd.f32 v11, v8  }
.Ltmp2:
0xdf: {  	v6 =	vadd.f32 v14, v6;
	v11 =	vld [tilespmem:s29+$0x10180];
	v12 =	vmul.f32 v17, v1;
	v7 =	vadd.f32 v10, v7;
	(pc) =	sbr.rel @p0 .LBB2_7-.Ltmp2, $4  }
0xe0: {  	v13 =	vadd.f32 v18, v16;
	v14 =	vmul.f32 v3, v2;
	v15 =	vmul.f32 v4, v1;
	v10 =	vld [tilespmem:s29+$0x14180]  }
0xe1: {  	v17 =	vmul.f32 v19, v2;
	v3 =	vld [tilespmem:s29+$0x101A0];
	v16 =	vadd.f32 v12, v9;
	v18 =	vmul.f32 v20, v1  }
0xe2: {  	v15 =	vadd.f32 v15, v14;
	v12 =	vsub.f32 v13, v0;
	v4 =	vld [tilespmem:s29+$0x141A0]  }
0xe3: {  	s30 =	sadd.s32 $0x100, s30;
	v9 =	vld [tilespmem:s29+$0x10190];
	v13 =	vsub.f32 v16, v0;
	v14 =	vadd.f32 v18, v17  }
0xe4: {  	v16 =	vld [tilespmem:s29+$0x14190];
	[tilespmem:s28+$0x0] =	vst v12;
	v11 =	vmul.f32 v11, v2;
	v18 =	vmul.f32 v12, v12  }
0xe5: {  	v15 =	vsub.f32 v15, v0;
	v5 =	vadd.f32 v12, v5;
	v17 =	vld [tilespmem:s29+$0x101B0];
	[tilespmem:s28+$0x10] =	vst v13;
	v10 =	vmul.f32 v10, v1  }
0xe6: {  	v19 =	vmul.f32 v13, v13;
	v14 =	vsub.f32 v14, v0;
	v6 =	vadd.f32 v13, v6;
	v20 =	vld [tilespmem:s29+$0x141B0]  }
0xe7: {  	v8 =	vadd.f32 v18, v8;
	v59 =	vmul.f32 v15, v15;
	v5 =	vadd.f32 v15, v5  }
0xe8: {  	v3 =	vmul.f32 v3, v2;
	v7 =	vadd.f32 v19, v7;
	v4 =	vmul.f32 v4, v1  }
0xe9: {  	v10 =	vadd.f32 v10, v11;
	v9 =	vmul.f32 v9, v2;
	v60 =	vmul.f32 v16, v1  }
0xea: {  	v8 =	vadd.f32 v59, v8;
	v3 =	vadd.f32 v4, v3  }
0xeb: {  	v2 =	vmul.f32 v17, v2;
	v9 =	vadd.f32 v60, v9;
	v1 =	vmul.f32 v20, v1  }
0xec: {  	v61 =	vmul.f32 v14, v14;
	v10 =	vsub.f32 v10, v0;
	v3 =	vsub.f32 v3, v0  }
0xed: {  	v4 =	vsub.f32 v9, v0;
	v1 =	vadd.f32 v1, v2  }
0xee: {  	v2 =	vadd.f32 v14, v6;
	v6 =	vadd.f32 v61, v7  }
0xef: {  	v7 =	vmul.f32 v10, v10;
	v9 =	vmul.f32 v4, v4;
	v0 =	vsub.f32 v1, v0  }
0xf0: {  	v1 =	vadd.f32 v10, v5;
	v2 =	vadd.f32 v4, v2  }
0xf1: {  	v5 =	vadd.f32 v7, v8;
	v7 =	vmul.f32 v3, v3;
	v6 =	vadd.f32 v9, v6  }
0xf2: {  	v8 =	vmul.f32 v0, v0;
	v1 =	vadd.f32 v3, v1;
	v2 =	vadd.f32 v0, v2  }
0xf3: {  	v5 =	vadd.f32 v7, v5  }
0xf4: {  	v6 =	vadd.f32 v8, v6;
	v1 =	vadd.f32 v2, v1;
	_ =	sdelay $0x1  }
0xf5: {  	v2 =	vadd.f32 v6, v5;
	v1 =	vmul.f32 $9.765625000e-04, v1;
	_ =	sdelay $0x1  }
0xf6: {  	v2 =	vmul.f32 $9.765625000e-04, v2;
	v5 =	vmul.f32 v1, v1;
	_ =	sdelay $0x1  }
0xf7: {  	v2 =	vsub.f32 v2, v5;
	_ =	sdelay $0x1  }
0xf8: {  	v2 =	vadd.f32 $9.999999740e-06, v2;
	_ =	sdelay $0x1  }
0xf9: {  	v5 =	vshra.s32 v2, $0x1;
	v2 =	vmul.f32 $5.000000000e-01, v2  }
0xfa: {  	v5 =	vsub.s32 $0x5F3759DF, v5  }
0xfb: {  	v6 =	vmul.f32 v5, v2;
	_ =	sdelay $0x1  }
0xfc: {  	v6 =	vmul.f32 v5, v6;
	_ =	sdelay $0x1  }
0xfd: {  	v6 =	vsub.f32 $1.500000000e+00, v6;
	_ =	sdelay $0x1  }
0xfe: {  	v5 =	vmul.f32 v5, v6;
	_ =	sdelay $0x1  }
0xff: {  	v6 =	vmul.f32 v5, v2;
	_ =	sdelay $0x1  }
0x100: {  	v6 =	vmul.f32 v6, v5;
	_ =	sdelay $0x1  }
0x101: {  	v6 =	vsub.f32 $1.500000000e+00, v6  }
0x102: {  	[tilespmem:s28+$0x20] =	vst v15  }
0x103: {  	[tilespmem:s28+$0x30] =	vst v14;
	v5 =	vmul.f32 v6, v5  }
0x104: {  	[tilespmem:s29+$0x0] =	vst v10  }
0x105: {  	[tilespmem:s29+$0x20] =	vst v3;
	v2 =	vmul.f32 v5, v2  }
0x106: {  	[tilespmem:s29+$0x10] =	vst v4  }
0x107: {  	s28 =	simm.s32 $0x0;
	[tilespmem:s29+$0x30] =	vst v0;
	v0 =	vmul.f32 v2, v5  }
0x108: {  	v2 =	vld [tilespmem:s28+$0x30]  }
0x109: {  	v3 =	vld [tilespmem:s28+$0x0];
	v0 =	vsub.f32 $1.500000000e+00, v0  }
0x10a: {  	v6 =	vld [tilespmem:s28+$0x10]  }
0x10b: {  	v7 =	vld [tilespmem:s28+$0x20];
	v1 =	vsub.f32 $0.0e+00, v1;
	v0 =	vmul.f32 v0, v5;
	_ =	sdelay $0x1  }
0x10c: {  	s29 =	simm.s32 $0x40;
	v1 =	vmul.f32 v0, v1;
	v4 =	vmul.f32 v2, v0  }
0x10d: {  	v2 =	vld [tilespmem:s29+$0x30];
	v3 =	vmul.f32 v3, v0  }
0x10e: {  	v5 =	vld [tilespmem:s29+$0x0];
	v6 =	vmul.f32 v6, v0;
	v8 =	vadd.f32 v4, v1  }
0x10f: {  	v63 =	vmul.f32 v7, v0;
	v4 =	vld [tilespmem:s29+$0x10];
	v62 =	vadd.f32 v3, v1  }
0x110: {  	v3 =	vld [tilespmem:s29+$0x20];
	v7 =	vadd.f32 v6, v1;
	[tilespmem:s28+$0x141B0] =	vst v8  }
0x111: {  	s30 =	simm.s32 $0x200;
	v6 =	vadd.f32 v63, v1;
	[tilespmem:s28+$0x14180] =	vst v62  }
.LBB2_9:
0x112: {  	s31 =	sshra.s32 s30, $0x2;
	p0 =	sne.s32 s30, $0xFF00;
	s30 =	sadd.s32 $0x100, s30;
	v8 =	vmul.f32 v2, v0;
	[tilespmem:s28+$0x14190] =	vst v7  }
.Ltmp3:
0x113: {  	v2 =	vld [tilespmem:s31+$0x30];
	v7 =	vmul.f32 v5, v0;
	[tilespmem:s28+$0x141A0] =	vst v6;
	s28 =	smov.u32 s29;
	s29 =	smov.u32 s31;
	(pc) =	sbr.rel @p0 .LBB2_9-.Ltmp3, $4  }
0x114: {  	v5 =	vld [tilespmem:s29+$0x0];
	v6 =	vmul.f32 v4, v0;
	v8 =	vadd.f32 v8, v1  }
0x115: {  	v4 =	vld [tilespmem:s29+$0x10];
	v9 =	vadd.f32 v7, v1;
	v10 =	vmul.f32 v3, v0  }
0x116: {  	v3 =	vld [tilespmem:s29+$0x20];
	v7 =	vadd.f32 v6, v1;
	[tilespmem:s28+$0x141B0] =	vst v8  }
0x117: {  	[tilespmem:s28+$0x14180] =	vst v9;
	v6 =	vadd.f32 v10, v1  }
0x118: {  	v2 =	vmul.f32 v2, v0  }
0x119: {  	v5 =	vmul.f32 v5, v0  }
0x11a: {  	[tilespmem:s28+$0x14190] =	vst v7;
	v4 =	vmul.f32 v4, v0;
	v2 =	vadd.f32 v2, v1  }
0x11b: {  	[tilespmem:s28+$0x141A0] =	vst v6;
	v5 =	vadd.f32 v5, v1;
	v0 =	vmul.f32 v3, v0  }
0x11c: {  	v3 =	vadd.f32 v4, v1;
	[tilespmem:s29+$0x141B0] =	vst v2  }
0x11d: {  	[tilespmem:s29+$0x14180] =	vst v5;
	v0 =	vadd.f32 v0, v1  }
0x11e: {  	[tilespmem:s29+$0x14190] =	vst v3  }
0x11f: {  	s28 =	sadd.s32 s26, s10;
	[tilespmem:s29+$0x141A0] =	vst v0  }
0x120: {  	[hbm4b:s28+s12] =	stream.strided.scatter [tilespmem:s19], [sflag:$0x5], $0x4000, s13, s12, $0x38;
	[tilespmem:$0x18180] =	vst v63  }
0x121: {  	_ =	swait.ge [sflag:s20], $0x4000  }
0x122: {  	[sflag:s20] =	ssyncset.done $0x0  }
0x123: {  	p0 =	seq.s32 s24, $0x5;
	[sflag:s20] =	ssyncadd.s32 $0xFFFFC000  }
0x124: {  	s26 =	sadd.s32 @!p0 s9, s26;
	_ =	swait.ge [sflag:s21], $0xC0  }
0x125: {  	s30 =	simm.s32 @!p0 $0x1800;
	s31 =	simm.s32 @!p0 $0x0;
	[sflag:s21] =	ssyncset.done $0x0  }
0x126: {  	s29 =	simm.s32 @!p0 $0x10;
	s28 =	sadd.s32 @!p0 s3, s26;
	[sflag:s21] =	ssyncadd.s32 $0xFFFFFF40  }
0x127: {  	[tilespmem:s31], [sflag:$0x1] =	stream.strided.gather @!p0 [hbm4b:s28+s29], $0x4000, s30, s29, $0x38;
	[tilespmem:$0x18180] =	vst v63  }
0x128: {  	s26 =	sadd.s32 @!p0 s4, s26;
	s28 =	simm.s32 @!p0 $0x8000  }
0x129: {  	[tilespmem:s28], [sflag:$0x3] =	stream.strided.gather @!p0 [hbm4b:s26+s29], $0xC0, s30, s29, $0x38;
	[tilespmem:$0x18180] =	vst v63  }
0x12a: {  	v10 =	vld [tilespmem:$0x80C0]  }
0x12b: {  	v9 =	vld [tilespmem:$0x80D0]  }
0x12c: {  	s28 =	simm.s32 $0x0;
	v11 =	vld [tilespmem:$0x80E0]  }
0x12d: {  	v0 =	vld [tilespmem:s28+$0x4010]  }
0x12e: {  	v12 =	vld [tilespmem:s28+$0x4020]  }
0x12f: {  	v14 =	vld [tilespmem:s28+$0x4030]  }
0x130: {  	v13 =	vld [tilespmem:s28+$0x4000]  }
0x131: {  	v8 =	vld [tilespmem:$0x80F0]  }
0x132: {  	v2 =	vld [tilespmem:$0x8100]  }
0x133: {  	v4 =	vld [tilespmem:$0x8110];
	v1 =	vmul.f32 v0, v10  }
0x134: {  	v5 =	vld [tilespmem:$0x8120];
	v15 =	vmul.f32 v12, v10;
	v16 =	vmul.f32 v0, v9  }
0x135: {  	v18 =	vimm.f32 $0.0e+00;
	v6 =	vld [tilespmem:$0x8130];
	v19 =	vmul.f32 v14, v10;
	v20 =	vmul.f32 v13, v10  }
0x136: {  	v7 =	vld [tilespmem:$0x8140];
	v21 =	vmul.f32 v12, v9;
	v13 =	vmul.f32 v13, v9;
	v17 =	vadd.f32 v1, v11  }
0x137: {  	v3 =	vld [tilespmem:$0x8150];
	v29 =	vmul.f32 v14, v9;
	v15 =	vadd.f32 v15, v11;
	v16 =	vadd.f32 v16, v8  }
0x138: {  	v0 =	vld [tilespmem:$0x8160];
	v19 =	vadd.f32 v19, v11;
	v21 =	vadd.f32 v21, v8;
	v17 =	vmax.f32 v17, $0.0e+00  }
0x139: {  	v1 =	vld [tilespmem:$0x8170];
	v20 =	vadd.f32 v20, v11;
	v25 =	vadd.f32 v13, v8;
	v15 =	vmax.f32 v15, $0.0e+00;
	[tilespmem:s28+$0x8190] =	vst v17  }
0x13a: {  	v16 =	vmax.f32 v16, $0.0e+00;
	v13 =	vmax.f32 v21, $0.0e+00;
	v19 =	vmax.f32 v19, $0.0e+00;
	[tilespmem:s28+$0x81A0] =	vst v15  }
0x13b: {  	s26 =	simm.s32 $0x40;
	v20 =	vmax.f32 v20, $0.0e+00;
	v25 =	vmax.f32 v25, $0.0e+00;
	[tilespmem:s28+$0xC190] =	vst v16;
	v22 =	vadd.f32 v17, v18  }
0x13c: {  	v23 =	vmul.f32 v16, v16;
	v17 =	vmul.f32 v17, v17;
	v26 =	vadd.f32 v16, v18;
	v24 =	vld [tilespmem:s26+$0x4020]  }
0x13d: {  	v30 =	vadd.f32 v20, v18;
	v21 =	vld [tilespmem:s26+$0x4010];
	v32 =	vadd.f32 v19, v22;
	v22 =	vmul.f32 v25, v25  }
0x13e: {  	v31 =	vmul.f32 v20, v20;
	v16 =	vadd.f32 v25, v18;
	[tilespmem:s28+$0xC1A0] =	vst v13;
	v17 =	vadd.f32 v17, v18  }
0x13f: {  	v28 =	vld [tilespmem:s26+$0x4000];
	[tilespmem:s28+$0x81B0] =	vst v19;
	v23 =	vadd.f32 v23, v18;
	v19 =	vmul.f32 v19, v19;
	v33 =	vadd.f32 v22, v18  }
0x140: {  	v12 =	vmul.f32 v15, v15;
	v14 =	vld [tilespmem:s26+$0x4030];
	v22 =	vadd.f32 v29, v8;
	v18 =	vadd.f32 v31, v18  }
0x141: {  	v27 =	vmul.f32 v13, v13;
	[tilespmem:s28+$0x8180] =	vst v20;
	v20 =	vadd.f32 v19, v17;
	v17 =	vadd.f32 v15, v30  }
0x142: {  	v29 =	vmul.f32 v21, v10;
	v31 =	vmul.f32 v24, v10;
	v35 =	vmax.f32 v22, $0.0e+00  }
0x143: {  	v21 =	vmul.f32 v21, v9;
	v36 =	vmul.f32 v24, v9;
	v22 =	vadd.f32 v35, v26  }
0x144: {  	v34 =	vmul.f32 v28, v10;
	v29 =	vadd.f32 v29, v11;
	v26 =	vadd.f32 v31, v11  }
0x145: {  	[tilespmem:s28+$0xC180] =	vst v25;
	v19 =	vmul.f32 v14, v10;
	v21 =	vadd.f32 v21, v8;
	v31 =	vmul.f32 v28, v9  }
0x146: {  	[tilespmem:s28+$0xC1B0] =	vst v35;
	v30 =	vadd.f32 v36, v8;
	v28 =	vadd.f32 v34, v11;
	v24 =	vmax.f32 v29, $0.0e+00  }
0x147: {  	v15 =	vmax.f32 v26, $0.0e+00;
	v25 =	vadd.f32 v19, v11;
	v26 =	vmul.f32 v35, v35;
	[tilespmem:s26+$0x8190] =	vst v24  }
0x148: {  	v29 =	vmax.f32 v21, $0.0e+00;
	v19 =	vadd.f32 v27, v33;
	v21 =	vmul.f32 v15, v15;
	[tilespmem:s26+$0x81A0] =	vst v15  }
0x149: {  	s28 =	simm.s32 $0x200;
	[tilespmem:s26+$0xC190] =	vst v29;
	v27 =	vadd.f32 v24, v32;
	v23 =	vadd.f32 v26, v23;
	v26 =	vmul.f32 v29, v29  }
.LBB2_11:
0x14a: {  	s29 =	sshra.s32 s28, $0x2;
	p0 =	sne.s32 s28, $0xFF00;
	s28 =	sadd.s32 $0x100, s28;
	v31 =	vadd.f32 v31, v8;
	v24 =	vmul.f32 v24, v24;
	v22 =	vadd.f32 v29, v22  }
0x14b: {  	v30 =	vmax.f32 v30, $0.0e+00;
	v25 =	vmax.f32 v25, $0.0e+00;
	v18 =	vadd.f32 v12, v18;
	v12 =	vmovc v21;
	v29 =	vld [tilespmem:s29+$0x4020]  }
0x14c: {  	v16 =	vadd.f32 v13, v16;
	v32 =	vmul.f32 v30, v30;
	v21 =	vld [tilespmem:s29+$0x4010];
	v20 =	vadd.f32 v24, v20;
	[tilespmem:s26+$0xC1A0] =	vst v30  }
0x14d: {  	v27 =	vadd.f32 v25, v27;
	v13 =	vmovc v30;
	v24 =	vmax.f32 v28, $0.0e+00;
	v28 =	vmax.f32 v31, $0.0e+00;
	v33 =	vld [tilespmem:s29+$0x4000];
	[tilespmem:s26+$0x81B0] =	vst v25  }
0x14e: {  	v23 =	vadd.f32 v26, v23;
	v26 =	vmul.f32 v14, v9;
	v30 =	vmul.f32 v28, v28;
	[tilespmem:s26+$0x8180] =	vst v24;
	v14 =	vld [tilespmem:s29+$0x4030]  }
0x14f: {  	v17 =	vadd.f32 v24, v17;
	v16 =	vadd.f32 v28, v16;
	v24 =	vmul.f32 v24, v24;
	[tilespmem:s26+$0xC180] =	vst v28  }
0x150: {  	v26 =	vadd.f32 v26, v8;
	v25 =	vmul.f32 v25, v25;
	v19 =	vadd.f32 v30, v19  }
0x151: {  	v18 =	vadd.f32 v24, v18;
	v28 =	vmul.f32 v21, v10;
	v21 =	vmul.f32 v21, v9  }
0x152: {  	v26 =	vmax.f32 v26, $0.0e+00;
	v24 =	vmul.f32 v29, v10;
	v34 =	vmul.f32 v33, v10  }
0x153: {  	v30 =	vmul.f32 v29, v9;
	v22 =	vadd.f32 v26, v22;
	v28 =	vadd.f32 v28, v11;
	[tilespmem:s26+$0xC1B0] =	vst v26;
	s26 =	smov.u32 s29  }
0x154: {  	v20 =	vadd.f32 v25, v20;
	v29 =	vadd.f32 v24, v11;
	v31 =	vmul.f32 v14, v10  }
.Ltmp4:
0x155: {  	v17 =	vadd.f32 v15, v17;
	v21 =	vadd.f32 v21, v8;
	v24 =	vmax.f32 v28, $0.0e+00;
	(pc) =	sbr.rel @p0 .LBB2_11-.Ltmp4, $4  }
0x156: {  	v26 =	vmul.f32 v26, v26;
	v15 =	vmax.f32 v29, $0.0e+00;
	v25 =	vadd.f32 v31, v11;
	[tilespmem:s26+$0x8190] =	vst v24  }
0x157: {  	v19 =	vadd.f32 v32, v19;
	v29 =	vmax.f32 v21, $0.0e+00;
	v21 =	vmul.f32 v15, v15;
	[tilespmem:s26+$0x81A0] =	vst v15  }
0x158: {  	v30 =	vadd.f32 v30, v8;
	v31 =	vmul.f32 v33, v9;
	v23 =	vadd.f32 v26, v23  }
0x159: {  	v28 =	vadd.f32 v34, v11;
	v27 =	vadd.f32 v24, v27;
	v26 =	vmul.f32 v29, v29;
	[tilespmem:s26+$0xC190] =	vst v29  }
0x15a: {  	v10 =	vadd.f32 v31, v8;
	v11 =	vmul.f32 v24, v24;
	v22 =	vadd.f32 v29, v22  }
0x15b: {  	v24 =	vmax.f32 v30, $0.0e+00;
	v25 =	vmax.f32 v25, $0.0e+00;
	v12 =	vadd.f32 v12, v18  }
0x15c: {  	v13 =	vadd.f32 v13, v16;
	v9 =	vmul.f32 v14, v9;
	v14 =	vmax.f32 v28, $0.0e+00  }
0x15d: {  	v16 =	vadd.f32 v25, v27;
	v11 =	vadd.f32 v11, v20;
	v10 =	vmax.f32 v10, $0.0e+00  }
0x15e: {  	v20 =	vadd.f32 v26, v23;
	v8 =	vadd.f32 v9, v8;
	v18 =	vmul.f32 v10, v10  }
0x15f: {  	v9 =	vadd.f32 v14, v17;
	v17 =	vmul.f32 v14, v14;
	v13 =	vadd.f32 v10, v13  }
0x160: {  	v8 =	vmax.f32 v8, $0.0e+00;
	v18 =	vadd.f32 v18, v19;
	v19 =	vmul.f32 v25, v25  }
0x161: {  	v23 =	vmul.f32 v24, v24;
	v12 =	vadd.f32 v17, v12;
	v17 =	vadd.f32 v8, v22  }
0x162: {  	v13 =	vadd.f32 v24, v13;
	v11 =	vadd.f32 v19, v11;
	v19 =	vmul.f32 v8, v8  }
0x163: {  	v9 =	vadd.f32 v15, v9;
	v15 =	vadd.f32 v23, v18  }
0x164: {  	v13 =	vadd.f32 v17, v13;
	v18 =	vadd.f32 v19, v20  }
0x165: {  	v12 =	vadd.f32 v21, v12;
	v9 =	vadd.f32 v16, v9  }
0x166: {  	v13 =	vmul.f32 $9.765625000e-04, v13;
	v15 =	vadd.f32 v18, v15  }
0x167: {  	v11 =	vadd.f32 v11, v12;
	v12 =	vmul.f32 $9.765625000e-04, v9  }
0x168: {  	v9 =	vmul.f32 $9.765625000e-04, v15;
	v15 =	vmul.f32 v13, v13  }
0x169: {  	v11 =	vmul.f32 $9.765625000e-04, v11;
	v16 =	vmul.f32 v12, v12  }
0x16a: {  	v9 =	vsub.f32 v9, v15  }
0x16b: {  	v11 =	vsub.f32 v11, v16  }
0x16c: {  	v9 =	vadd.f32 $9.999999740e-06, v9  }
0x16d: {  	v11 =	vadd.f32 $9.999999740e-06, v11  }
0x16e: {  	v15 =	vshra.s32 v9, $0x1;
	v9 =	vmul.f32 $5.000000000e-01, v9  }
0x16f: {  	v16 =	vshra.s32 v11, $0x1;
	v11 =	vmul.f32 $5.000000000e-01, v11;
	v15 =	vsub.s32 $0x5F3759DF, v15  }
0x170: {  	v16 =	vsub.s32 $0x5F3759DF, v16;
	v17 =	vmul.f32 v15, v9  }
0x171: {  	v18 =	vmul.f32 v16, v11  }
0x172: {  	v17 =	vmul.f32 v15, v17  }
0x173: {  	v18 =	vmul.f32 v16, v18  }
0x174: {  	v17 =	vsub.f32 $1.500000000e+00, v17  }
0x175: {  	v18 =	vsub.f32 $1.500000000e+00, v18  }
0x176: {  	v15 =	vmul.f32 v15, v17  }
0x177: {  	v16 =	vmul.f32 v16, v18  }
0x178: {  	v17 =	vmul.f32 v15, v9  }
0x179: {  	[tilespmem:s26+$0xC1A0] =	vst v24;
	v18 =	vmul.f32 v16, v11  }
0x17a: {  	[tilespmem:s26+$0x81B0] =	vst v25;
	v17 =	vmul.f32 v17, v15  }
0x17b: {  	[tilespmem:s26+$0x8180] =	vst v14;
	v18 =	vmul.f32 v18, v16  }
0x17c: {  	[tilespmem:s26+$0xC180] =	vst v10;
	v17 =	vsub.f32 $1.500000000e+00, v17  }
0x17d: {  	[tilespmem:s26+$0xC1B0] =	vst v8;
	v14 =	vsub.f32 $1.500000000e+00, v18  }
0x17e: {  	_ =	swait.ge [sflag:s22], $0x4000;
	v10 =	vmul.f32 v17, v15  }
0x17f: {  	[sflag:s22] =	ssyncset.done $0x0;
	v14 =	vmul.f32 v14, v16  }
0x180: {  	s26 =	simm.s32 $0x0;
	[sflag:s22] =	ssyncadd.s32 $0xFFFFC000;
	v8 =	vmul.f32 v10, v9  }
0x181: {  	v19 =	vld [tilespmem:s26+$0xC180];
	v9 =	vmul.f32 v14, v11  }
0x182: {  	v18 =	vld [tilespmem:s26+$0x81B0];
	v8 =	vmul.f32 v8, v10  }
0x183: {  	v11 =	vld [tilespmem:s26+$0xC1A0];
	v9 =	vmul.f32 v9, v14  }
0x184: {  	v16 =	vld [tilespmem:s26+$0xC1B0];
	v8 =	vsub.f32 $1.500000000e+00, v8  }
0x185: {  	v15 =	vld [tilespmem:s26+$0x81A0];
	v9 =	vsub.f32 $1.500000000e+00, v9  }
0x186: {  	v8 =	vmul.f32 v8, v10;
	v10 =	vsub.f32 $0.0e+00, v13;
	v13 =	vld [tilespmem:s26+$0xC190]  }
0x187: {  	v12 =	vsub.f32 $0.0e+00, v12;
	v9 =	vmul.f32 v9, v14;
	v14 =	vld [tilespmem:s26+$0x8180]  }
0x188: {  	v10 =	vmul.f32 v8, v10;
	v17 =	vmul.f32 v11, v8  }
0x189: {  	v11 =	vmul.f32 v9, v12;
	v12 =	vmul.f32 v16, v8  }
0x18a: {  	v15 =	vmul.f32 v15, v9;
	v18 =	vmul.f32 v18, v9  }
0x18b: {  	v19 =	vmul.f32 v19, v8;
	v16 =	vadd.f32 v17, v10;
	v12 =	vadd.f32 v12, v10  }
0x18c: {  	v15 =	vadd.f32 v15, v11;
	v13 =	vmul.f32 v13, v8;
	v14 =	vmul.f32 v14, v9  }
0x18d: {  	v17 =	vld [tilespmem:s26+$0x8190];
	v18 =	vadd.f32 v18, v11;
	v20 =	vmul.f32 v16, v4;
	v16 =	vmul.f32 v16, v6  }
0x18e: {  	v19 =	vadd.f32 v19, v10;
	v22 =	vmul.f32 v15, v2;
	v15 =	vmul.f32 v15, v5  }
0x18f: {  	v21 =	vmul.f32 v12, v4;
	v12 =	vmul.f32 v12, v6;
	v13 =	vadd.f32 v13, v10  }
0x190: {  	v14 =	vadd.f32 v14, v11;
	v15 =	vadd.f32 v16, v15;
	v16 =	vmul.f32 v18, v2  }
0x191: {  	v20 =	vadd.f32 v20, v22;
	v22 =	vmul.f32 v19, v6;
	v19 =	vmul.f32 v19, v4  }
0x192: {  	v18 =	vmul.f32 v18, v5;
	v17 =	vmul.f32 v17, v9  }
0x193: {  	v23 =	vmul.f32 v14, v5;
	v24 =	vmul.f32 v13, v4  }
0x194: {  	v14 =	vmul.f32 v14, v2;
	v20 =	vadd.f32 v20, v7;
	v17 =	vadd.f32 v17, v11  }
0x195: {  	v13 =	vmul.f32 v13, v6;
	v21 =	vadd.f32 v21, v16;
	v22 =	vadd.f32 v22, v23  }
0x196: {  	v16 =	vimm.f32 $0.0e+00;
	v14 =	vadd.f32 v19, v14;
	v25 =	vmul.f32 v17, v2  }
0x197: {  	v23 =	vadd.f32 v15, v3;
	v17 =	vmul.f32 v17, v5;
	v27 =	vadd.f32 v22, v3  }
0x198: {  	v19 =	vimm.f32 $0.0e+00;
	v22 =	vadd.f32 v14, v7;
	v24 =	vadd.f32 v24, v25  }
0x199: {  	v14 =	vimm.f32 $0.0e+00;
	v17 =	vadd.f32 v13, v17;
	v13 =	vmax.f32 v20, $0.0e+00  }
0x19a: {  	v25 =	vadd.f32 v21, v7;
	v21 =	vimm.f32 $0.0e+00;
	v15 =	vadd.f32 v24, v7  }
0x19b: {  	v20 =	vimm.f32 $0.0e+00;
	v17 =	vadd.f32 v17, v3;
	v24 =	vadd.f32 v12, v18  }
0x19c: {  	[tilespmem:s26+$0x101A0] =	vst v13;
	v18 =	vimm.f32 $0.0e+00;
	v12 =	vimm.f32 $0.0e+00;
	v28 =	vmax.f32 v15, $0.0e+00  }
0x19d: {  	s28 =	simm.s32 $0x100;
	v17 =	vmax.f32 v17, $0.0e+00;
	v15 =	vimm.f32 $0.0e+00;
	v26 =	vmul.f32 v28, v28;
	[tilespmem:s26+$0x10190] =	vst v28  }
.LBB2_13:
0x19e: {  	s29 =	sshra.s32 s28, $0x2;
	p0 =	sne.s32 s28, $0xFF00;
	s28 =	sadd.s32 $0x100, s28;
	v27 =	vmax.f32 v27, $0.0e+00;
	v16 =	vadd.f32 v28, v16;
	v21 =	vadd.f32 v17, v21  }
0x19f: {  	v30 =	vmul.f32 v17, v17;
	v25 =	vmax.f32 v25, $0.0e+00;
	v28 =	vld [tilespmem:s29+$0xC1A0];
	[tilespmem:s26+$0x14180] =	vst v27;
	v29 =	vmul.f32 v27, v27  }
0x1a0: {  	v23 =	vmax.f32 v23, $0.0e+00;
	v14 =	vadd.f32 v27, v14;
	v18 =	vadd.f32 v26, v18;
	v31 =	vld [tilespmem:s29+$0x81A0];
	[tilespmem:s26+$0x101B0] =	vst v25  }
0x1a1: {  	v24 =	vadd.f32 v24, v3;
	v27 =	vmul.f32 v25, v25;
	v20 =	vadd.f32 v30, v20;
	v26 =	vld [tilespmem:s29+$0xC1B0];
	[tilespmem:s26+$0x141A0] =	vst v23  }
0x1a2: {  	v19 =	vadd.f32 v29, v19;
	v29 =	vmul.f32 v13, v13;
	v14 =	vadd.f32 v23, v14;
	v30 =	vld [tilespmem:s29+$0xC190]  }
0x1a3: {  	v16 =	vadd.f32 v25, v16;
	v32 =	vld [tilespmem:s29+$0x8180];
	[tilespmem:s26+$0x14190] =	vst v17;
	v17 =	vmul.f32 v23, v23;
	v23 =	vmax.f32 v24, $0.0e+00  }
0x1a4: {  	v22 =	vmax.f32 v22, $0.0e+00;
	v18 =	vadd.f32 v27, v18;
	v24 =	vld [tilespmem:s29+$0xC180];
	[tilespmem:s26+$0x141B0] =	vst v23;
	v25 =	vmul.f32 v23, v23  }
0x1a5: {  	v15 =	vadd.f32 v22, v15;
	v28 =	vmul.f32 v28, v8;
	v27 =	vmul.f32 v31, v9;
	[tilespmem:s26+$0x10180] =	vst v22;
	s26 =	smov.u32 s29  }
0x1a6: {  	v22 =	vmul.f32 v22, v22;
	v19 =	vadd.f32 v17, v19;
	v31 =	vld [tilespmem:s26+$0x81B0];
	v26 =	vmul.f32 v26, v8  }
0x1a7: {  	v28 =	vadd.f32 v28, v10;
	v20 =	vadd.f32 v25, v20;
	v17 =	vmul.f32 v30, v8  }
0x1a8: {  	v12 =	vadd.f32 v22, v12;
	v25 =	vmul.f32 v32, v9;
	v30 =	vld [tilespmem:s26+$0x8190];
	v26 =	vadd.f32 v26, v10  }
0x1a9: {  	v15 =	vadd.f32 v13, v15;
	v21 =	vadd.f32 v23, v21;
	v22 =	vmul.f32 v28, v4  }
0x1aa: {  	v13 =	vadd.f32 v27, v11;
	v23 =	vmul.f32 v28, v6;
	v12 =	vadd.f32 v29, v12  }
0x1ab: {  	v17 =	vadd.f32 v17, v10;
	v28 =	vmul.f32 v26, v4;
	v27 =	vmul.f32 v31, v9  }
0x1ac: {  	v24 =	vmul.f32 v24, v8;
	v29 =	vmul.f32 v13, v2;
	v25 =	vadd.f32 v25, v11  }
0x1ad: {  	v13 =	vmul.f32 v13, v5;
	v30 =	vmul.f32 v30, v9;
	v31 =	vadd.f32 v27, v11  }
0x1ae: {  	v24 =	vadd.f32 v24, v10;
	v22 =	vadd.f32 v22, v29;
	v27 =	vmul.f32 v25, v5  }
0x1af: {  	v23 =	vadd.f32 v23, v13;
	v29 =	vadd.f32 v30, v11;
	v13 =	vmul.f32 v31, v2  }
0x1b0: {  	v32 =	vmul.f32 v17, v4;
	v22 =	vadd.f32 v22, v7;
	v30 =	vmul.f32 v24, v6  }
0x1b1: {  	v33 =	vmul.f32 v29, v2;
	v29 =	vmul.f32 v29, v5;
	v34 =	vadd.f32 v28, v13  }
0x1b2: {  	v17 =	vmul.f32 v17, v6;
	v24 =	vmul.f32 v24, v4;
	v13 =	vmax.f32 v22, $0.0e+00  }
0x1b3: {  	v22 =	vmul.f32 v25, v2;
	v25 =	vadd.f32 v30, v27;
	v27 =	vadd.f32 v32, v33  }
.Ltmp5:
0x1b4: {  	v23 =	vadd.f32 v23, v3;
	v17 =	vadd.f32 v17, v29;
	[tilespmem:s26+$0x101A0] =	vst v13;
	(pc) =	sbr.rel @p0 .LBB2_13-.Ltmp5, $4  }
0x1b5: {  	v22 =	vadd.f32 v24, v22;
	v29 =	vmul.f32 v26, v6;
	v24 =	vadd.f32 v27, v7  }
0x1b6: {  	v30 =	vmul.f32 v31, v5;
	v27 =	vadd.f32 v25, v3;
	v17 =	vadd.f32 v17, v3  }
0x1b7: {  	v22 =	vadd.f32 v22, v7;
	v25 =	vadd.f32 v34, v7;
	v28 =	vmax.f32 v24, $0.0e+00  }
0x1b8: {  	v17 =	vmax.f32 v17, $0.0e+00;
	v24 =	vadd.f32 v29, v30;
	[tilespmem:s26+$0x10190] =	vst v28;
	v26 =	vmul.f32 v28, v28  }
0x1b9: {  	v2 =	vmax.f32 v27, $0.0e+00;
	v4 =	vadd.f32 v28, v16;
	v5 =	vadd.f32 v17, v21  }
0x1ba: {  	v7 =	vmul.f32 v17, v17;
	v8 =	vmax.f32 v25, $0.0e+00;
	v11 =	vmax.f32 v23, $0.0e+00  }
0x1bb: {  	v16 =	vmul.f32 v13, v13;
	v61 =	vmax.f32 v22, $0.0e+00;
	v9 =	vadd.f32 v2, v14  }
0x1bc: {  	v6 =	vmul.f32 v2, v2;
	v10 =	vadd.f32 v26, v18;
	v3 =	vadd.f32 v24, v3  }
0x1bd: {  	v14 =	vmul.f32 v8, v8;
	v15 =	vadd.f32 v61, v15;
	v7 =	vadd.f32 v7, v20  }
0x1be: {  	v62 =	vmul.f32 v61, v61;
	v4 =	vadd.f32 v8, v4;
	v6 =	vadd.f32 v6, v19  }
0x1bf: {  	v63 =	vmul.f32 v11, v11;
	v9 =	vadd.f32 v11, v9;
	v10 =	vadd.f32 v14, v10  }
0x1c0: {  	v3 =	vmax.f32 v3, $0.0e+00;
	v12 =	vadd.f32 v62, v12;
	v13 =	vadd.f32 v13, v15  }
0x1c1: {  	v14 =	vmul.f32 v3, v3;
	v5 =	vadd.f32 v3, v5;
	v6 =	vadd.f32 v63, v6  }
0x1c2: {  	v12 =	vadd.f32 v16, v12;
	v4 =	vadd.f32 v4, v13  }
0x1c3: {  	v7 =	vadd.f32 v14, v7;
	v5 =	vadd.f32 v5, v9  }
0x1c4: {  	v9 =	vadd.f32 v10, v12;
	v4 =	vmul.f32 $9.765625000e-04, v4  }
0x1c5: {  	v6 =	vadd.f32 v7, v6;
	v5 =	vmul.f32 $9.765625000e-04, v5  }
0x1c6: {  	v7 =	vmul.f32 $9.765625000e-04, v9;
	v9 =	vmul.f32 v4, v4  }
0x1c7: {  	v6 =	vmul.f32 $9.765625000e-04, v6;
	v10 =	vmul.f32 v5, v5  }
0x1c8: {  	v7 =	vsub.f32 v7, v9  }
0x1c9: {  	v6 =	vsub.f32 v6, v10  }
0x1ca: {  	v7 =	vadd.f32 $9.999999740e-06, v7  }
0x1cb: {  	v6 =	vadd.f32 $9.999999740e-06, v6  }
0x1cc: {  	v9 =	vshra.s32 v7, $0x1  }
0x1cd: {  	v7 =	vmul.f32 $5.000000000e-01, v7;
	v10 =	vshra.s32 v6, $0x1;
	v6 =	vmul.f32 $5.000000000e-01, v6  }
0x1ce: {  	v9 =	vsub.s32 $0x5F3759DF, v9;
	v10 =	vsub.s32 $0x5F3759DF, v10  }
0x1cf: {  	v12 =	vmul.f32 v9, v7;
	v13 =	vmul.f32 v10, v6;
	_ =	sdelay $0x1  }
0x1d0: {  	v12 =	vmul.f32 v9, v12;
	v13 =	vmul.f32 v10, v13;
	_ =	sdelay $0x1  }
0x1d1: {  	v12 =	vsub.f32 $1.500000000e+00, v12;
	v13 =	vsub.f32 $1.500000000e+00, v13;
	_ =	sdelay $0x1  }
0x1d2: {  	v9 =	vmul.f32 v9, v12;
	v10 =	vmul.f32 v10, v13;
	_ =	sdelay $0x1  }
0x1d3: {  	v12 =	vmul.f32 v9, v7;
	v13 =	vmul.f32 v10, v6;
	_ =	sdelay $0x1  }
0x1d4: {  	v12 =	vmul.f32 v12, v9;
	v13 =	vmul.f32 v13, v10;
	_ =	sdelay $0x1  }
0x1d5: {  	[tilespmem:s26+$0x14180] =	vst v2;
	v2 =	vsub.f32 $1.500000000e+00, v12;
	v12 =	vsub.f32 $1.500000000e+00, v13;
	_ =	sdelay $0x1  }
0x1d6: {  	[tilespmem:s26+$0x101B0] =	vst v8;
	v2 =	vmul.f32 v2, v9;
	v8 =	vmul.f32 v12, v10  }
0x1d7: {  	[tilespmem:s26+$0x14190] =	vst v17  }
0x1d8: {  	[tilespmem:s26+$0x141B0] =	vst v3;
	v3 =	vmul.f32 v2, v7;
	v6 =	vmul.f32 v8, v6  }
0x1d9: {  	[tilespmem:s26+$0x141A0] =	vst v11  }
0x1da: {  	[tilespmem:s26+$0x10180] =	vst v61;
	s26 =	simm.s32 $0x0;
	v3 =	vmul.f32 v3, v2;
	v6 =	vmul.f32 v6, v8  }
0x1db: {  	v9 =	vld [tilespmem:s26+$0x14180]  }
0x1dc: {  	v10 =	vld [tilespmem:s26+$0x101A0];
	v3 =	vsub.f32 $1.500000000e+00, v3;
	v6 =	vsub.f32 $1.500000000e+00, v6  }
0x1dd: {  	v7 =	vld [tilespmem:s26+$0x10180]  }
0x1de: {  	v2 =	vmul.f32 v3, v2;
	v3 =	vmul.f32 v6, v8;
	v6 =	vld [tilespmem:s26+$0x10190]  }
0x1df: {  	v8 =	vld [tilespmem:s26+$0x14190]  }
0x1e0: {  	v12 =	vld [tilespmem:s26+$0x141A0];
	v2 =	vmul.f32 v2, v0;
	v1 =	vmul.f32 v3, v1  }
0x1e1: {  	v13 =	vld [tilespmem:s26+$0x141B0]  }
0x1e2: {  	v3 =	vld [tilespmem:s26+$0x101B0];
	v0 =	vmul.f32 v2, v4;
	v4 =	vmul.f32 v1, v5  }
0x1e3: {  	v5 =	vmul.f32 v7, v2;
	v7 =	vmul.f32 v9, v1  }
0x1e4: {  	s28 =	simm.s32 $0x40;
	v0 =	vadd.f32 v4, v0;
	v4 =	vmul.f32 v6, v2;
	v6 =	vmul.f32 v8, v1  }
0x1e5: {  	v11 =	vld [tilespmem:s28+$0x10180];
	v5 =	vadd.f32 v7, v5;
	v7 =	vmul.f32 v10, v2;
	v8 =	vmul.f32 v12, v1  }
0x1e6: {  	v14 =	vmul.f32 v13, v1;
	v10 =	vld [tilespmem:s28+$0x14180];
	v6 =	vadd.f32 v6, v4  }
0x1e7: {  	v9 =	vmul.f32 v3, v2;
	v3 =	vld [tilespmem:s28+$0x101A0];
	v12 =	vsub.f32 v5, v0;
	v15 =	vadd.f32 v8, v7  }
0x1e8: {  	v5 =	vimm.f32 $0.0e+00;
	v4 =	vld [tilespmem:s28+$0x141A0];
	v8 =	vimm.f32 $0.0e+00;
	v7 =	vimm.f32 $0.0e+00  }
0x1e9: {  	s29 =	simm.s32 $0x200;
	v14 =	vadd.f32 v14, v9;
	v9 =	vld [tilespmem:s28+$0x10190];
	v13 =	vsub.f32 v6, v0;
	v6 =	vimm.f32 $0.0e+00  }
.LBB2_15:
0x1ea: {  	p0 =	sne.s32 s29, $0xFF00;
	v16 =	vmul.f32 v11, v2;
	v17 =	vld [tilespmem:s28+$0x14190];
	[tilespmem:s26+$0x4000] =	vst v12;
	v11 =	vmul.f32 v12, v12;
	v15 =	vsub.f32 v15, v0  }
0x1eb: {  	v18 =	vmul.f32 v10, v1;
	v19 =	vld [tilespmem:s28+$0x101B0];
	[tilespmem:s26+$0x4010] =	vst v13;
	v10 =	vmul.f32 v13, v13;
	v14 =	vsub.f32 v14, v0  }
0x1ec: {  	v5 =	vadd.f32 v12, v5;
	v20 =	vld [tilespmem:s28+$0x141B0];
	v8 =	vadd.f32 v11, v8;
	[tilespmem:s26+$0x4020] =	vst v15;
	v11 =	vmul.f32 v15, v15  }
0x1ed: {  	v6 =	vadd.f32 v13, v6;
	v7 =	vadd.f32 v10, v7;
	[tilespmem:s26+$0x4030] =	vst v14;
	v10 =	vmul.f32 v14, v14;
	s26 =	smov.u32 s28  }
0x1ee: {  	v5 =	vadd.f32 v15, v5;
	s28 =	sshra.s32 s29, $0x2;
	v9 =	vmul.f32 v9, v2;
	v8 =	vadd.f32 v11, v8  }
.Ltmp6:
0x1ef: {  	v6 =	vadd.f32 v14, v6;
	v11 =	vld [tilespmem:s28+$0x10180];
	v12 =	vmul.f32 v17, v1;
	v7 =	vadd.f32 v10, v7;
	(pc) =	sbr.rel @p0 .LBB2_15-.Ltmp6, $4  }
0x1f0: {  	v13 =	vadd.f32 v18, v16;
	v14 =	vmul.f32 v3, v2;
	v15 =	vmul.f32 v4, v1;
	v10 =	vld [tilespmem:s28+$0x14180]  }
0x1f1: {  	v17 =	vmul.f32 v19, v2;
	v3 =	vld [tilespmem:s28+$0x101A0];
	v16 =	vadd.f32 v12, v9;
	v18 =	vmul.f32 v20, v1  }
0x1f2: {  	v15 =	vadd.f32 v15, v14;
	v12 =	vsub.f32 v13, v0;
	v4 =	vld [tilespmem:s28+$0x141A0]  }
0x1f3: {  	s29 =	sadd.s32 $0x100, s29;
	v9 =	vld [tilespmem:s28+$0x10190];
	v13 =	vsub.f32 v16, v0;
	v14 =	vadd.f32 v18, v17  }
0x1f4: {  	v16 =	vld [tilespmem:s28+$0x14190];
	[tilespmem:s26+$0x4000] =	vst v12;
	v11 =	vmul.f32 v11, v2;
	v18 =	vmul.f32 v12, v12  }
0x1f5: {  	v15 =	vsub.f32 v15, v0;
	v5 =	vadd.f32 v12, v5;
	v17 =	vld [tilespmem:s28+$0x101B0];
	[tilespmem:s26+$0x4010] =	vst v13;
	v10 =	vmul.f32 v10, v1  }
0x1f6: {  	v19 =	vmul.f32 v13, v13;
	v14 =	vsub.f32 v14, v0;
	v6 =	vadd.f32 v13, v6;
	v20 =	vld [tilespmem:s28+$0x141B0]  }
0x1f7: {  	v8 =	vadd.f32 v18, v8;
	v59 =	vmul.f32 v15, v15;
	v5 =	vadd.f32 v15, v5  }
0x1f8: {  	v3 =	vmul.f32 v3, v2;
	v7 =	vadd.f32 v19, v7;
	v4 =	vmul.f32 v4, v1  }
0x1f9: {  	v10 =	vadd.f32 v10, v11;
	v9 =	vmul.f32 v9, v2;
	v60 =	vmul.f32 v16, v1  }
0x1fa: {  	v8 =	vadd.f32 v59, v8;
	v3 =	vadd.f32 v4, v3  }
0x1fb: {  	v2 =	vmul.f32 v17, v2;
	v9 =	vadd.f32 v60, v9;
	v1 =	vmul.f32 v20, v1  }
0x1fc: {  	v61 =	vmul.f32 v14, v14;
	v10 =	vsub.f32 v10, v0;
	v3 =	vsub.f32 v3, v0  }
0x1fd: {  	v4 =	vsub.f32 v9, v0;
	v1 =	vadd.f32 v1, v2  }
0x1fe: {  	v2 =	vadd.f32 v14, v6;
	v6 =	vadd.f32 v61, v7  }
0x1ff: {  	v7 =	vmul.f32 v10, v10;
	v9 =	vmul.f32 v4, v4;
	v0 =	vsub.f32 v1, v0  }
0x200: {  	v1 =	vadd.f32 v10, v5;
	v2 =	vadd.f32 v4, v2  }
0x201: {  	v5 =	vadd.f32 v7, v8;
	v7 =	vmul.f32 v3, v3;
	v6 =	vadd.f32 v9, v6  }
0x202: {  	v8 =	vmul.f32 v0, v0;
	v1 =	vadd.f32 v3, v1;
	v2 =	vadd.f32 v0, v2  }
0x203: {  	v5 =	vadd.f32 v7, v5  }
0x204: {  	v6 =	vadd.f32 v8, v6;
	v1 =	vadd.f32 v2, v1;
	_ =	sdelay $0x1  }
0x205: {  	v2 =	vadd.f32 v6, v5;
	v1 =	vmul.f32 $9.765625000e-04, v1;
	_ =	sdelay $0x1  }
0x206: {  	v2 =	vmul.f32 $9.765625000e-04, v2;
	v5 =	vmul.f32 v1, v1;
	_ =	sdelay $0x1  }
0x207: {  	v2 =	vsub.f32 v2, v5;
	_ =	sdelay $0x1  }
0x208: {  	v2 =	vadd.f32 $9.999999740e-06, v2;
	_ =	sdelay $0x1  }
0x209: {  	v5 =	vshra.s32 v2, $0x1;
	v2 =	vmul.f32 $5.000000000e-01, v2  }
0x20a: {  	v5 =	vsub.s32 $0x5F3759DF, v5  }
0x20b: {  	v6 =	vmul.f32 v5, v2;
	_ =	sdelay $0x1  }
0x20c: {  	v6 =	vmul.f32 v5, v6;
	_ =	sdelay $0x1  }
0x20d: {  	v6 =	vsub.f32 $1.500000000e+00, v6;
	_ =	sdelay $0x1  }
0x20e: {  	v5 =	vmul.f32 v5, v6;
	_ =	sdelay $0x1  }
0x20f: {  	v6 =	vmul.f32 v5, v2;
	_ =	sdelay $0x1  }
0x210: {  	v6 =	vmul.f32 v6, v5;
	_ =	sdelay $0x1  }
0x211: {  	v6 =	vsub.f32 $1.500000000e+00, v6  }
0x212: {  	[tilespmem:s26+$0x4020] =	vst v15  }
0x213: {  	[tilespmem:s26+$0x4030] =	vst v14;
	v5 =	vmul.f32 v6, v5  }
0x214: {  	[tilespmem:s28+$0x4000] =	vst v10  }
0x215: {  	[tilespmem:s28+$0x4020] =	vst v3;
	v2 =	vmul.f32 v5, v2  }
0x216: {  	[tilespmem:s28+$0x4010] =	vst v4  }
0x217: {  	s26 =	simm.s32 $0x0;
	[tilespmem:s28+$0x4030] =	vst v0;
	v0 =	vmul.f32 v2, v5  }
0x218: {  	v2 =	vld [tilespmem:s26+$0x4030]  }
0x219: {  	v3 =	vld [tilespmem:s26+$0x4000];
	v0 =	vsub.f32 $1.500000000e+00, v0  }
0x21a: {  	v6 =	vld [tilespmem:s26+$0x4010]  }
0x21b: {  	v7 =	vld [tilespmem:s26+$0x4020];
	v1 =	vsub.f32 $0.0e+00, v1;
	v0 =	vmul.f32 v0, v5;
	_ =	sdelay $0x1  }
0x21c: {  	s28 =	simm.s32 $0x40;
	v1 =	vmul.f32 v0, v1;
	v4 =	vmul.f32 v2, v0  }
0x21d: {  	v2 =	vld [tilespmem:s28+$0x4030];
	v3 =	vmul.f32 v3, v0  }
0x21e: {  	v5 =	vld [tilespmem:s28+$0x4000];
	v6 =	vmul.f32 v6, v0;
	v8 =	vadd.f32 v4, v1  }
0x21f: {  	v63 =	vmul.f32 v7, v0;
	v4 =	vld [tilespmem:s28+$0x4010];
	v62 =	vadd.f32 v3, v1  }
0x220: {  	v3 =	vld [tilespmem:s28+$0x4020];
	v7 =	vadd.f32 v6, v1;
	[tilespmem:s26+$0x141B0] =	vst v8  }
0x221: {  	s29 =	simm.s32 $0x200;
	v6 =	vadd.f32 v63, v1;
	[tilespmem:s26+$0x14180] =	vst v62  }
.LBB2_17:
0x222: {  	s30 =	sshra.s32 s29, $0x2;
	p0 =	sne.s32 s29, $0xFF00;
	s29 =	sadd.s32 $0x100, s29;
	v8 =	vmul.f32 v2, v0;
	[tilespmem:s26+$0x14190] =	vst v7  }
.Ltmp7:
0x223: {  	v2 =	vld [tilespmem:s30+$0x4030];
	v7 =	vmul.f32 v5, v0;
	[tilespmem:s26+$0x141A0] =	vst v6;
	s26 =	smov.u32 s28;
	s28 =	smov.u32 s30;
	(pc) =	sbr.rel @p0 .LBB2_17-.Ltmp7, $4  }
0x224: {  	v5 =	vld [tilespmem:s28+$0x4000];
	v6 =	vmul.f32 v4, v0;
	v8 =	vadd.f32 v8, v1  }
0x225: {  	v4 =	vld [tilespmem:s28+$0x4010];
	v9 =	vadd.f32 v7, v1;
	v10 =	vmul.f32 v3, v0  }
0x226: {  	v3 =	vld [tilespmem:s28+$0x4020];
	v7 =	vadd.f32 v6, v1;
	[tilespmem:s26+$0x141B0] =	vst v8  }
0x227: {  	[tilespmem:s26+$0x14180] =	vst v9;
	v6 =	vadd.f32 v10, v1  }
0x228: {  	v2 =	vmul.f32 v2, v0  }
0x229: {  	v5 =	vmul.f32 v5, v0  }
0x22a: {  	[tilespmem:s26+$0x14190] =	vst v7;
	s24 =	sadd.s32 $0x1, s24;
	v4 =	vmul.f32 v4, v0;
	v2 =	vadd.f32 v2, v1  }
0x22b: {  	[tilespmem:s26+$0x141A0] =	vst v6;
	p0 =	sne.s32 s24, $0x6;
	v5 =	vadd.f32 v5, v1;
	v62 =	vmul.f32 v3, v0  }
.Ltmp8:
0x22c: {  	v63 =	vadd.f32 v4, v1;
	[tilespmem:s28+$0x141B0] =	vst v2;
	(pc) =	sbr.rel @p0 .LBB2_2-.Ltmp8, $4  }
0x22d: {  	[tilespmem:s28+$0x14180] =	vst v5;
	v0 =	vadd.f32 v62, v1  }
0x22e: {  	[tilespmem:s28+$0x14190] =	vst v63  }
0x22f: {  	s25 =	sadd.s32 s5, s25;
	[tilespmem:s28+$0x141A0] =	vst v0  }
0x230: {  	[hbm4b:s25+s12] =	stream.strided.scatter [tilespmem:s19], [sflag:$0x5], $0x4000, s13, s12, $0x38;
	[tilespmem:$0x18180] =	vst v63  }
0x231: {  	s23 =	sadd.s32 $0x1, s23  }
0x232: {  	p0 =	sne.s32 s23, s11  }
.Ltmp9:
0x233: {  	_ = 	snop;
	(pc) =	sbr.rel @p0 .LBB2_1-.Ltmp9, $4  }
0x234: {  	_ = 	snop  }
0x235: {  	_ =	swait.ge [sflag:s22], $0x4000  }
0x236: {  	[sflag:s22] =	ssyncset.done $0x0  }
0x237: {  	[sflag:s22] =	ssyncadd.s32 $0xFFFFC000  }
0x238: {  	_ =	sfence.sel $0x180000  }
0x239: {  	[bflag:$0x0] =	sbarrier.arrive $0xFFFF  }
0x23a: {  	p0 =	sne.s32 s2, $0x0;
	_ =	strace $0x90000047  }
0x23b: {  	s0 =	sadd.s32 @!p0 $0x100000, s0;
	[bflag:$0x2] =	sbarrier.arrive $0xFFFF  }
0x23c: {  	[sflag:s0] =	ssyncadd.tile.s32 @!p0 $0x1;
	_ =	shalt  }
.Lfunc_end2:
_tile_overlayer_lowered:
.L_overlay_start_2:
0x23d: {  	(tag) =	ssettag $0x2  }
0x23e: {  	s0 =	rddreg [dreg:$0x0];
	s2 =	stileid.u32  }
0x23f: {  	s1 =	rddreg [dreg:$0x1];
	p0 =	sne.s32 s2, $0x0  }
0x240: {  	s3 =	rddreg [dreg:$0x2];
	[bflag:$0x3] =	sbarrier.arrive $0xFFFF;
	s2 =	simm.s32 @!p0 $0x1C06  }
0x241: {  	[timem:s3], [sflag:s2] =	dma.local @!p0 [hbm:s0], s1  }
0x242: {  	s0 =	simm.s32 @!p0 $0x6  }
0x243: {  	_ =	swait.ge @!p0 [sflag:s0], s1  }
0x244: {  	s1 =	ssub.s32 @!p0 $0x0, s1;
	[sflag:s0] =	ssyncset.done @!p0 $0x0  }
0x245: {  	[sflag:s0] =	ssyncadd.s32 @!p0 s1  }
0x246: {  	[bflag:$0x3] =	sbarrier.arrive $0xFFFF  }
0x247: {  	_ =	shalt  }

// kernel: sparse-core-data-format-call.cloned.1.call-start
scs
called_computation_lowered:
.L_overlay_start_0:
0x0: {  	s2 =	sld [smem:$0x3FD9]  }
0x1: {  	s3 =	sld [smem:$0x3FFE];
	_ =	sdelay $0x1  }
0x2: {  	s1 =	srdreg.scid  }
0x3: {  	s0 =	sand.u32 $0x1, s1  }
0x4: {  	s18 =	sshll.u32 s0, $0xA;
	s2 =	sadd.s32 s3, s2  }
0x5: {  	s2 =	sadd.s32 s2, s18  }
0x6: {  	[smem:$0x3FC6] =	sst s2  }
0x7: {  	_ = 	snop  }
0x8: {  	s2 =	sld [smem:$0x3FD0];
	(tm) =	ssettm $0x1  }
0x9: {  	s19 =	sld [smem:$0x3FFB];
	_ =	sdelay $0x3  }
0xa: {  	_ =	strace s19  }
0xb: {  	s3 =	sld [smem:$0x3FFC];
	_ =	sdelay $0x3  }
0xc: {  	_ =	strace s3  }
0xd: {  	s3 =	sld [smem:$0x3FFD];
	_ =	sdelay $0x3  }
0xe: {  	_ =	strace s3  }
0xf: {  	_ =	strace $0x8FFFFFFF  }
0x10: {  	s20 =	sld [smem:$0x3FDB];
	_ =	sdelay $0x1  }
0x11: {  	s4 =	simm.s32 $_scs_section_size  }
0x12: {  	s5 =	simm.s32 $_size__tile_overlayer_lowered;
	s6 =	simm.s32 $_tile_overlayer_lowered  }
0x13: {  	s23 =	simm.s32 $0x1BFF;
	s22 =	sshll.u32 s6, $0x1;
	s3 =	sadd.s32 s4, s20  }
0x14: {  	s7 =	simm.s32 $0x0;
	s21 =	sshll.u32 s5, $0x1;
	s5 =	sadd.s32 s22, s3  }
0x15: {  	[timem:s7], [sflag:s23] =	dma.local [hbm:s5], s21  }
0x16: {  	_ =	swait.ge [sflag:s23], s21  }
0x17: {  	s4 =	ssub.s32 $0x0, s21;
	[sflag:s23] =	ssyncset.done $0x0  }
0x18: {  	[sflag:s23] =	ssyncadd.s32 s4;
	_ =	sdelay $0x1  }
0x19: {  	s24 =	simm.s32 $0x1B8B  }
0x1a: {  	_ =	swait.ge [sflag:s24], $0x1  }
0x1b: {  	[sflag:s24] =	ssyncset.done $0x0  }
0x1c: {  	s26 =	simm.s32 $0x1B8E;
	s25 =	sld [smem:$0x3FFE];
	[sflag:s24] =	ssyncadd.s32 $0xFFFFFFFF  }
0x1d: {  	s27 =	simm.s32 $execute0_lowered;
	[smem:$0x3FD2] =	sst s26  }
0x1e: {  	s5 =	sshll.u32 s27, $0x1;
	_ =	strace $0x80000049;
	[dreg:$0x1] =	wrdreg $0xFFFFFFFF  }
0x1f: {  	s28 =	simm.s32 $_size_execute0_lowered;
	s3 =	sadd.s32 s3, s5;
	[dreg:$0x0] =	wrdreg $0x0  }
0x20: {  	s5 =	sshll.u32 s28, $0x1;
	[dreg:$0x2] =	wrdreg s3  }
0x21: {  	[dreg:$0x3] =	wrdreg s5  }
0x22: {  	[dreg:$0x4] =	wrdreg $0xC0  }
0x23: {  	_ =	task [dreg:s7], $0x5FFFF  }
0x24: {  	[dreg:$0x1] =	wrdreg $0xFFFFFFFF  }
0x25: {  	[dreg:$0x0] =	wrdreg $0x60  }
0x26: {  	[dreg:$0x2] =	wrdreg s25  }
0x27: {  	[dreg:$0x3] =	wrdreg s2  }
0x28: {  	[dreg:$0x4] =	wrdreg $0x9  }
0x29: {  	_ =	task.clear_ibuf [dreg:s7], $0x5FFFF;
	_ =	strace $0x90000049  }
0x2a: {  	s29 =	simm.s32 $0x9;
	_ =	strace $0x8000004B  }
0x2b: {  	_ =	swait.ge [sflag:s29], $0x1  }
0x2c: {  	[sflag:s29] =	ssyncadd.s32 $0xFFFFFFFF  }
0x2d: {  	_ =	strace $0x9000004B  }
0x2e: {  	_ =	sfence  }
0x2f: {  	s30 =	sld [smem:$0x0];
	_ =	sdelay $0x2  }
0x30: {  	s31 =	sshll.u32 s1, $0xD;
	s1 =	sshrl.u32 s1, $0x2  }
0x31: {  	s3 =	sand.u32 $0x4000, s31;
	s1 =	sadd.s32 s1, s30  }
0x32: {  	s0 =	sor.u32 s3, s0;
	s1 =	sshll.u32 s1, $0x11  }
0x33: {  	s0 =	sor.u32 s1, s0  }
0x34: {  	s0 =	sadd.s32 $0x8F2B, s0  }
0x35: {  	[sflag:s0] =	ssyncadd.remote.s32 $0x1  }
0x36: {  	_ =	sfence.sel $0xFFFF  }
0x37: {  	[dreg:$0x0] =	wrdreg $0xFFFFFFFF;
	(pc) =	sbr.abs _section_cstart, $3  }
0x38: {  	[dreg:$0x1] =	wrdreg $0xFFFFFFFF  }
0x39: {  	_ =	task.clear_ibuf [dreg:s7], $0x2FFFF;
	_ =	strace $0x9FFFFFFF  }
0x3a: {  	(tm) =	ssettm $0x7FFFFFFF  }
0x3b: {  	_ =	shalt  }
tec
execute0_lowered:
.L_overlay_start_1:
0x0: {  	(tag) =	ssettag $0x1  }
0x1: {  	s0 =	stileid.u32  }
0x2: {  	s2 =	srdreg.scid;
	s7 =	rddreg [dreg:$0x0]  }
0x3: {  	s6 =	simm.s32 $0x1;
	s31 =	simm.s32 $0x2;
	s16 =	simm.s32 $0x0  }
0x4: {  	s9 =	simm.s32 $0x2000;
	s15 =	simm.s32 $0x0;
	s10 =	simm.s32 $0x0  }
0x5: {  	s11 =	simm.s32 $0x0;
	s14 =	simm.s32 $0x0;
	s1 =	sshll.u32 s0, $0x7  }
0x6: {  	s3 =	sshll.u32 s0, $0x4;
	s2 =	sshll.u32 s2, $0x8;
	s1 =	sand.u32 $0x380, s1  }
0x7: {  	s7 =	sadd.s32 $0xE00, s7;
	s2 =	sor.u32 s3, s2;
	s5 =	ssub.s32 $0x400, s1  }
0x8: {  	s3 =	rddreg [dreg:$0x1];
	s4 =	sand.u32 $0x180, s2;
	s29 =	sand.u32 $0x380, s5  }
0x9: {  	s30 =	ssub.s32 $0x3A80, s4;
	s5 =	sshrl.u32 s5, $0xA;
	p0 =	sne.s32 s29, $0x0  }
.Ltmp0:
0xa: {  	s8 =	sshrl.u32 s30, $0x9;
	s6 =	simm.s32 @!p0 $0x0;
	(pc) =	sbr.rel .LBB1_1-.Ltmp0, $4  }
0xb: {  	s2 =	rddreg [dreg:$0x2];
	s8 =	sadd.s32 $0x1, s8;
	s6 =	sadd.s32 s6, s5  }
0xc: {  	_ =	strace $0x8000004A;
	s5 =	simm.s32 $0x1;
	s6 =	smul.u32 s6, s8  }
0xd: {  	s13 =	smov.u32 s1;
	s12 =	smov.u32 s4;
	[sflag:s5] =	ssyncpa.u1 $0x0  }
0xe: {  	p0 =	por $0x0, $0x0;
	[sflag:s31] =	ssyncpa.u1 $0x0;
	s8 =	sadd.s32 $0x1, s6  }
.LBB1_4:
0xf: {  	s21 =	sshra.s32 s21, $0x2;
	s27 =	sshll.u32 s10, $0xA;
	s22 =	sshll.u32 s11, $0x3  }
0x10: {  	s23 =	sshll.u32 s10, $0x7;
	s24 =	sand.u32 $0x78, s11;
	p1 =	sgt.s32 s10, $0x3A18  }
0x11: {  	s25 =	sshra.s32 s10, $0x1F;
	s26 =	sshra.s32 s11, $0x1F;
	s20 =	sadd.s32 s21, s20  }
0x12: {  	v5 =	vld [tilespmem:s18+$0xFFFFFFD0];
	[tilespmem:s19+$0x2040 ss:$0x81] =	vst.msk $0xffff, v4;
	s21 =	sand.u32 $0xFFFFE000, s27;
	s22 =	sand.u32 $0xFFFFFC00, s22;
	s28 =	sand.u32 $0x380, s23  }
0x13: {  	v58 =	vld [tilespmem:s18+$0xFFFFFFE0];
	[tilespmem:s19+$0x2850 ss:$0x81] =	vst.msk $0xffff, v3;
	s23 =	smov.u32 s10;
	s30 =	sand.u32 s25, s10;
	s25 =	smov.u32 s11  }
0x14: {  	v59 =	vld [tilespmem:s18+$0xFFFFFFF0];
	[tilespmem:s19+$0x3060 ss:$0x81] =	vst.msk $0xffff, v2;
	s31 =	sand.u32 s26, s11;
	s21 =	sadd.s32 s22, s21;
	s22 =	sor.u32 s24, s28  }
0x15: {  	v60 =	vld [tilespmem:s18+$0x0];
	[tilespmem:s19+$0x0 ss:$0x81] =	vst.msk $0xffff, v1;
	s23 =	simm.s32 @!p1 $0x3A18;
	p1 =	sgt.s32 s11, $0x380;
	s21 =	sshrl.u32 s21, $0xA  }
0x16: {  	v61 =	vld [tilespmem:s18+$0x10];
	[tilespmem:s20+$0x3870 ss:$0x81] =	vst.msk $0xffff, v0;
	s19 =	ssub.s32 s23, s30;
	s25 =	simm.s32 @!p1 $0x380;
	s29 =	smulhi.u32 $0x45E7B3, s21  }
0x17: {  	v62 =	vld [tilespmem:s18+$0x20];
	s23 =	ssub.s32 s25, s31;
	s26 =	sadd.s32 $0xFFFFC5E8, s19;
	s19 =	ssub.s32 $0x3A98, s19;
	[tilespmem:s20+$0x810 ss:$0x81] =	vst.msk $0xffff, v5  }
0x18: {  	v63 =	vld [tilespmem:s18+$0xFFFFFFC0];
	[tilespmem:s20+$0x1020 ss:$0x81] =	vst.msk $0xffff, v58;
	p1 =	sgt.s32 s26, $0x7F;
	s28 =	sadd.s32 $0xFFFFFC80, s23;
	s24 =	sshrl.u32 s29, $0x4  }
0x19: {  	[tilespmem:s20+$0x1830 ss:$0x81] =	vst.msk $0xffff, v59;
	s23 =	ssub.s32 $0x400, s23;
	p2 =	sgt.s32 s28, $0x7F;
	s27 =	smul.u32 $0x3A98, s24  }
0x1a: {  	s30 =	sand.u32 $0x7, s11;
	[tilespmem:s20+$0x2040 ss:$0x81] =	vst.msk $0xffff, v60;
	s19 =	simm.s32 @p1 $0x0;
	s23 =	simm.s32 @p2 $0x0  }
0x1b: {  	[tilespmem:s20+$0x2850 ss:$0x81] =	vst.msk $0xffff, v61;
	s29 =	sshrl.u32 s22, $0x3;
	s19 =	smul.u32 s23, s19;
	s18 =	ssub.s32 s21, s27  }
0x1c: {  	[tilespmem:s20+$0x3060 ss:$0x81] =	vst.msk $0xffff, v62;
	s22 =	sshll.u32 s30, $0x12;
	s21 =	sadd.s32 s3, s29;
	s18 =	sshll.u32 s18, $0x7  }
0x1d: {  	[tilespmem:s20+$0x0 ss:$0x81] =	vst.msk $0xffff, v63;
	s31 =	sor.u32 $0x400, s22;
	s19 =	sand.u32 $0x3FFFFFFF, s19;
	s18 =	sadd.s32 s18, s21  }
0x1e: {  	[hbm4b:s18+s31] =	stream.strided.scatter [tilespmem:s17], [sflag:$0x2], s19, s9, s31, $0x20;
	[tilespmem:$0x10100] =	vst v63  }
.LBB1_5:
0x1f: {  	p1 =	slt.u32 s14, $0x2  }
0x20: {  	s18 =	smov.u32 s16;
	p2 =	sgt.s32 @!p1 s16, $0x3A18;
	s17 =	sshra.s32 @!p1 s16, $0x1F  }
0x21: {  	p3 =	sgt.s32 @!p1 s15, $0x380;
	s19 =	sshra.s32 @!p1 s15, $0x1F;
	p2 =	por !p2, p1  }
0x22: {  	s16 =	sand.u32 @!p1 s17, s16;
	p3 =	por !p3, p1;
	s17 =	smov.u32 s15  }
0x23: {  	s15 =	sand.u32 @!p1 s19, s15;
	s18 =	simm.s32 @p2 $0x3A18;
	s17 =	simm.s32 @p3 $0x380  }
0x24: {  	s16 =	ssub.s32 @!p1 s18, s16;
	s15 =	ssub.s32 @!p1 s17, s15  }
0x25: {  	s19 =	smov.u32 s13;
	s17 =	sadd.s32 @!p1 $0xFFFFC5E8, s16;
	s18 =	sadd.s32 @!p1 $0xFFFFFC80, s15  }
0x26: {  	s16 =	ssub.s32 @!p1 $0x3A98, s16;
	p2 =	sgt.s32 @!p1 s17, $0x7F;
	p3 =	sgt.s32 @!p1 s18, $0x7F  }
0x27: {  	s15 =	ssub.s32 @!p1 $0x400, s15;
	p2 =	por !p2, p1;
	p3 =	por !p3, p1  }
0x28: {  	s17 =	sadd.s32 $0x200, s12;
	s16 =	simm.s32 @!p2 $0x0;
	s15 =	simm.s32 @!p3 $0x0  }
0x29: {  	p2 =	sgt.s32 s17, $0x3A97;
	s15 =	smul.u32 @!p1 s15, s16;
	s16 =	sadd.s32 $0x400, s13  }
0x2a: {  	s19 =	smov.u32 @p2 s16  }
0x2b: {  	s17 =	smov.u32 @p2 s4;
	p2 =	sgt.s32 s19, $0x3FF  }
0x2c: {  	s19 =	smov.u32 @p2 s1;
	p2 =	sne.s32 s14, s8  }
.Ltmp1:
0x2d: {  	p0 =	por !p0, !p0;
	s18 =	simm.s32 @!p1 $0x2;
	(pc) =	sbr.rel @!p2 .LBB1_6-.Ltmp1, $4  }
0x2e: {  	s16 =	smov.u32 s10;
	s10 =	smov.u32 s12;
	s15 =	sand.u32 @!p1 $0x3FFFFFFF, s15  }
0x2f: {  	s12 =	smov.u32 s17;
	_ =	swait.ge @!p1 [sflag:s18], s15;
	s20 =	ssub.s32 @!p1 $0x0, s15  }
0x30: {  	s15 =	smov.u32 s11;
	s14 =	sadd.s32 $0x1, s14;
	[sflag:s18] =	ssyncset.done @!p1 $0x0  }
0x31: {  	s11 =	smov.u32 s13;
	s13 =	smov.u32 s19;
	[sflag:s18] =	ssyncadd.s32 @!p1 s20  }
.LBB1_1:
0x32: {  	p1 =	sge.u32 s14, s6  }
0x33: {  	s17 =	sshrl.u32 @!p1 s13, $0x3  }
0x34: {  	s18 =	sshll.u32 @!p1 s12, $0x3;
	s17 =	smul.u32 @!p1 $0x1D800, s17  }
0x35: {  	s19 =	sshll.u32 @!p1 s13, $0x7;
	s18 =	sand.u32 @!p1 $0xFFFFFC00, s18  }
0x36: {  	s17 =	sadd.s32 @!p1 s17, s18;
	s18 =	sand.u32 @!p1 $0x380, s19  }
0x37: {  	s19 =	sand.u32 @!p1 $0x7F, s12;
	s17 =	sor.u32 @!p1 s18, s17  }
0x38: {  	s18 =	sor.u32 @!p1 s19, s17  }
0x39: {  	s19 =	smulhi.u32 @!p1 $0x22B63CBF, s18;
	_ =	sdelay $0x1  }
0x3a: {  	s17 =	smulhi.u32 @!p1 $0x22B63CBF, s17;
	s19 =	sshrl.u32 @!p1 s19, $0xB  }
0x3b: {  	s19 =	smul.u32 @!p1 $0x3B00, s19  }
0x3c: {  	s31 =	sadd.s32 $0xFFFFFFFF, s14;
	s20 =	sxor.u32 @!p1 $0xFFFFFFFF, s14;
	s17 =	sshrl.u32 @!p1 s17, $0xB  }
0x3d: {  	s20 =	sshll.u32 @!p1 s20, $0xE;
	s17 =	sand.u32 @!p1 $0x3FF, s17;
	s18 =	ssub.s32 @!p1 s18, s19  }
0x3e: {  	s17 =	smul.u32 @!p1 $0x760, s17;
	s19 =	sshrl.u32 @!p1 s18, $0x3;
	s18 =	sand.u32 @!p1 $0x7, s18  }
0x3f: {  	s20 =	sand.u32 @!p1 $0x4000, s20;
	s19 =	sadd.s32 @!p1 s7, s19;
	s18 =	sshll.u32 @!p1 s18, $0x12  }
0x40: {  	s17 =	sadd.s32 @!p1 s17, s19;
	s18 =	sor.u32 @!p1 $0x400, s18;
	s19 =	simm.s32 @!p1 $0x1D800  }
0x41: {  	[tilespmem:s20], [sflag:$0x1] =	stream.strided.gather @!p1 [hbm4b:s17+s18], $0x4000, s19, s18, $0x38;
	[tilespmem:$0x10100] =	vst v63  }
0x42: {  	p1 =	sge.u32 s31, s6  }
.Ltmp2:
0x43: {  	_ = 	snop;
	(pc) =	sbr.rel @p1 .LBB1_5-.Ltmp2, $1  }
0x44: {  	_ =	sdelay $0x3  }
0x45: {  	s17 =	simm.s32 $0x1  }
0x46: {  	_ =	swait.ge [sflag:s5], $0x4000;
	s17 =	simm.s32 @!p0 $0x0  }
0x47: {  	[sflag:s5] =	ssyncset.done $0x0;
	s18 =	sshll.u32 s17, $0xE  }
0x48: {  	[sflag:s5] =	ssyncadd.s32 $0xFFFFC000;
	s18 =	sor.u32 $0x40, s18  }
0x49: {  	s17 =	smul.u32 $0x10200, s17;
	v0 =	vld [tilespmem:s18+$0x30]  }
0x4a: {  	v1 =	vld [tilespmem:s18+$0xFFFFFFD0]  }
0x4b: {  	s17 =	sshrl.u32 s17, $0x2;
	v5 =	vld [tilespmem:s18+$0xFFFFFFE0]  }
0x4c: {  	v6 =	vld [tilespmem:s18+$0xFFFFFFF0];
	s20 =	sor.u32 $0x8000, s17  }
0x4d: {  	s31 =	sand.u32 $0x1, s14;
	v4 =	vld [tilespmem:s18+$0x0];
	s19 =	sadd.s32 $0x0, s20  }
0x4e: {  	v3 =	vld [tilespmem:s18+$0x10];
	s17 =	smul.u32 $0x10200, s31;
	[tilespmem:s19+$0x3870 ss:$0x81] =	vst.msk $0xffff, v0  }
0x4f: {  	v2 =	vld [tilespmem:s18+$0x20];
	[tilespmem:s19+$0x810 ss:$0x81] =	vst.msk $0xffff, v1  }
0x50: {  	s17 =	sshrl.u32 s17, $0x2;
	v1 =	vld [tilespmem:s18+$0xFFFFFFC0];
	[tilespmem:s19+$0x1020 ss:$0x81] =	vst.msk $0xffff, v5;
	s18 =	sadd.s32 $0x80, s18  }
0x51: {  	s21 =	simm.s32 $0x4;
	s22 =	simm.s32 $0x8;
	s17 =	sor.u32 $0x8000, s17;
	[tilespmem:s19+$0x1830 ss:$0x81] =	vst.msk $0xffff, v6;
	v0 =	vld [tilespmem:s18+$0x30]  }
.LBB1_3:
0x52: {  	p1 =	sne.s32 s22, $0x1FC;
	v5 =	vld [tilespmem:s18+$0xFFFFFFD0];
	[tilespmem:s19+$0x2040 ss:$0x81] =	vst.msk $0xffff, v4  }
0x53: {  	v6 =	vld [tilespmem:s18+$0xFFFFFFE0];
	[tilespmem:s19+$0x2850 ss:$0x81] =	vst.msk $0xffff, v3  }
0x54: {  	s23 =	sshra.s32 s21, $0x2;
	s21 =	smov.u32 s22;
	v7 =	vld [tilespmem:s18+$0xFFFFFFF0];
	[tilespmem:s19+$0x3060 ss:$0x81] =	vst.msk $0xffff, v2  }
.Ltmp3:
0x55: {  	v4 =	vld [tilespmem:s18+$0x0];
	[tilespmem:s19+$0x0 ss:$0x81] =	vst.msk $0xffff, v1;
	s19 =	sadd.s32 s23, s20;
	(pc) =	sbr.rel @p1 .LBB1_3-.Ltmp3, $4  }
0x56: {  	v3 =	vld [tilespmem:s18+$0x10];
	[tilespmem:s19+$0x3870 ss:$0x81] =	vst.msk $0xffff, v0  }
0x57: {  	[tilespmem:s19+$0x810 ss:$0x81] =	vst.msk $0xffff, v5;
	v2 =	vld [tilespmem:s18+$0x20]  }
0x58: {  	v1 =	vld [tilespmem:s18+$0xFFFFFFC0];
	[tilespmem:s19+$0x1020 ss:$0x81] =	vst.msk $0xffff, v6;
	s18 =	sadd.s32 $0x80, s18  }
0x59: {  	s22 =	sadd.s32 $0x4, s22;
	v0 =	vld [tilespmem:s18+$0x30];
	[tilespmem:s19+$0x1830 ss:$0x81] =	vst.msk $0xffff, v7  }
.Ltmp4:
0x5a: {  	_ = 	snop;
	(pc) =	sbr.rel .LBB1_4-.Ltmp4, $1  }
0x5b: {  	_ =	sdelay $0x3  }
.LBB1_6:
0x5c: {  	_ =	sfence.sel $0x180000  }
0x5d: {  	s1 =	simm.s32 $0x1;
	[bflag:$0x0] =	sbarrier.arrive $0xFFFF  }
0x5e: {  	s31 =	simm.s32 $0x2;
	[sflag:s1] =	ssyncpa.u1 $0x1  }
0x5f: {  	[sflag:s31] =	ssyncpa.u1 $0x1  }
0x60: {  	p0 =	sne.s32 s0, $0x0;
	_ =	strace $0x9000004A  }
0x61: {  	s0 =	sadd.s32 @!p0 $0x100000, s2;
	[bflag:$0x2] =	sbarrier.arrive $0xFFFF  }
0x62: {  	[sflag:s0] =	ssyncadd.tile.s32 @!p0 $0x1;
	_ =	shalt  }
.Lfunc_end1:
_tile_overlayer_lowered:
.L_overlay_start_2:
0x63: {  	(tag) =	ssettag $0x2  }
0x64: {  	s0 =	rddreg [dreg:$0x0];
	s2 =	stileid.u32  }
0x65: {  	s1 =	rddreg [dreg:$0x1];
	p0 =	sne.s32 s2, $0x0  }
0x66: {  	s3 =	rddreg [dreg:$0x2];
	[bflag:$0x3] =	sbarrier.arrive $0xFFFF;
	s2 =	simm.s32 @!p0 $0x1C01  }
0x67: {  	[timem:s3], [sflag:s2] =	dma.local @!p0 [hbm:s0], s1  }
0x68: {  	s0 =	simm.s32 @!p0 $0x1  }
0x69: {  	_ =	swait.ge @!p0 [sflag:s0], s1  }
0x6a: {  	s1 =	ssub.s32 @!p0 $0x0, s1;
	[sflag:s0] =	ssyncset.done @!p0 $0x0  }
0x6b: {  	[sflag:s0] =	ssyncadd.s32 @!p0 s1  }
0x6c: {  	[bflag:$0x3] =	sbarrier.arrive $0xFFFF  }
0x6d: {  	_ =	shalt  }

</sc_bundles>
